<compile_context>
chip_gen: v7x
topology: tpu7x:2x2x1
jax: 0.10.2.dev20260603
libtpu: 0.0.44.dev20260713+nightly
codegen_flags: <defaults>
</compile_context>

<pallas_src>
import functools

import jax
import jax.numpy as jnp
import numpy as np
from jax import lax
from jax.experimental import pallas as pl
from jax.experimental.pallas import tpu as pltpu
from jax.experimental.pallas import tpu_sc as plsc

N = 10000
E = 320000
D = 128

NC = 2
NS = 16
NW = NC * NS

CHUNK = 128
CHUNKS = 80
HALF = CHUNKS // 2
EPW = CHUNKS * CHUNK
E_PAD = EPW * NW

NPAD = 10240
RPS = NPAD // NS

RE = E // CHUNK
PAD_ROWS = NW * CHUNKS - RE

f32 = jnp.float32

_pi = np.arange(PAD_ROWS * CHUNK, dtype=np.int32)
_PAD_NP = np.stack([(_pi * 131) % N, N + (_pi % (NPAD - N))]).reshape(2, PAD_ROWS, CHUNK)


def _zero_vmem_2d(ref, rows, cols):
    assert cols % 16 == 0
    z = jnp.zeros((16,), f32)

    def body(r, _):
        for k in range(cols // 16):
            ref[r, pl.ds(16 * k, 16)] = z
        return 0

    lax.fori_loop(0, rows, body, 0)



@functools.partial(
    pl.kernel,
    out_type=jax.ShapeDtypeStruct((NC, NPAD), f32),
    mesh=plsc.VectorSubcoreMesh(core_axis_name="c", subcore_axis_name="s"),
    scratch_types=[
        pltpu.VMEM((CHUNKS, CHUNK), jnp.int32),
        pltpu.VMEM((CHUNK,), f32),
        pltpu.VMEM((CHUNK,), f32),
        pltpu.VMEM_SHARED((NPAD,), f32),
    ],
)
def _deg_kernel(ei_hbm, out_hbm, idx_v, ones_v, zeros_v, acc):
    c = lax.axis_index("c")
    s = lax.axis_index("s")
    wid = s * NC + c

    pltpu.sync_copy(ei_hbm.at[1, pl.ds(wid * CHUNKS, CHUNKS)], idx_v)

    one = jnp.ones((16,), f32)
    zero = jnp.zeros((16,), f32)
    for r in range(CHUNK // 16):
        ones_v[pl.ds(16 * r, 16)] = one
        zeros_v[pl.ds(16 * r, 16)] = zero

    base = s * RPS
    for k in range(RPS // CHUNK):
        pltpu.sync_copy(zeros_v, acc.at[pl.ds(base + k * CHUNK, CHUNK)])

    plsc.subcore_barrier()

    def step(j, _):
        pltpu.sync_copy(ones_v, acc.at[idx_v.at[j]], add=True)
        return 0

    lax.fori_loop(0, CHUNKS, step, 0)

    plsc.subcore_barrier()
    pltpu.sync_copy(acc.at[pl.ds(base, RPS)], out_hbm.at[c, pl.ds(base, RPS)])



@functools.partial(
    pl.kernel,
    out_type=jax.ShapeDtypeStruct((NC, NPAD, D), f32),
    mesh=plsc.VectorSubcoreMesh(core_axis_name="c", subcore_axis_name="s"),
    scratch_types=[
        pltpu.VMEM((HALF, CHUNK), jnp.int32),
        pltpu.VMEM((HALF, CHUNK), jnp.int32),
        pltpu.VMEM((CHUNK, D), f32),
        pltpu.VMEM((CHUNK, D), f32),
        pltpu.VMEM_SHARED((NPAD, D), f32),
        pltpu.SemaphoreType.DMA,
        pltpu.SemaphoreType.DMA,
    ],
)
def _scatter_kernel(t_hbm, ei_hbm, out_hbm,
                    src_v, dst_v, rows0_v, rows1_v, acc, sem0, sem1):
    c = lax.axis_index("c")
    s = lax.axis_index("s")
    wid = s * NC + c

    def stage(g):
        row0 = wid * CHUNKS + g * HALF
        pltpu.sync_copy(ei_hbm.at[0, pl.ds(row0, HALF)], src_v)
        pltpu.sync_copy(ei_hbm.at[1, pl.ds(row0, HALF)], dst_v)

    stage(0)
    pltpu.async_copy(t_hbm.at[src_v.at[0]], rows0_v, sem0)

    _zero_vmem_2d(rows1_v, CHUNK, D)

    base = s * RPS
    for k in range(RPS // CHUNK):
        pltpu.sync_copy(rows1_v, acc.at[pl.ds(base + k * CHUNK, CHUNK)])

    plsc.subcore_barrier()

    for g in range(2):
        if g:
            stage(1)
            pltpu.async_copy(t_hbm.at[src_v.at[0]], rows0_v, sem0)

        def step2(jj, _):
            j0 = 2 * jj
            j1 = j0 + 1

            pltpu.async_copy(t_hbm.at[src_v.at[j1]], rows1_v, sem1)

            pltpu.make_async_copy(t_hbm.at[src_v.at[j0]], rows0_v, sem0).wait()
            pltpu.sync_copy(rows0_v, acc.at[dst_v.at[j0]], add=True)

            @pl.when(j0 + 2 < HALF)
            def _():
                pltpu.async_copy(t_hbm.at[src_v.at[j0 + 2]], rows0_v, sem0)

            pltpu.make_async_copy(t_hbm.at[src_v.at[j1]], rows1_v, sem1).wait()
            pltpu.sync_copy(rows1_v, acc.at[dst_v.at[j1]], add=True)

            return 0

        lax.fori_loop(0, HALF // 2, step2, 0)

    plsc.subcore_barrier()
    pltpu.sync_copy(acc.at[pl.ds(base, RPS)], out_hbm.at[c, pl.ds(base, RPS)])



BLK = 2560
GRID = -(-N // BLK)


def _dinv(d):
    return lax.rsqrt(jnp.maximum(d, 1.0))


def _tc1_body(x_ref, w_ref, d_ref, o_ref):
    dinv = _dinv(d_ref[...])
    o_ref[...] = jnp.dot(x_ref[...], w_ref[...],
                         preferred_element_type=f32) * dinv


def _tc2_body(a0_ref, a1_ref, d_ref, b_ref, w_ref, o_ref):
    dinv = _dinv(d_ref[...])
    h = (a0_ref[0] + a1_ref[0]) * dinv + b_ref[...]
    h = jnp.maximum(h, 0.0)
    o_ref[...] = jnp.dot(h, w_ref[...], preferred_element_type=f32) * dinv


def _tc3_body(a0_ref, a1_ref, d_ref, b_ref, o_ref):
    dinv = _dinv(d_ref[...])
    o_ref[...] = (a0_ref[0] + a1_ref[0]) * dinv + b_ref[...]


def _row_spec(width):
    return pl.BlockSpec((BLK, width), lambda i: (i, 0))


def _part_spec(core):
    return pl.BlockSpec((1, BLK, D), lambda i, c=core: (c, i, 0))


def _const_spec(shape):
    return pl.BlockSpec(shape, lambda i: (0,) * len(shape))


_tc1 = pl.pallas_call(
    _tc1_body,
    grid=(GRID,),
    in_specs=[_row_spec(D), _const_spec((D, D)), _row_spec(1)],
    out_specs=_row_spec(D),
    out_shape=jax.ShapeDtypeStruct((N, D), f32),
)

_tc2 = pl.pallas_call(
    _tc2_body,
    grid=(GRID,),
    in_specs=[_part_spec(0), _part_spec(1), _row_spec(1),
              _const_spec((1, D)), _const_spec((D, D))],
    out_specs=_row_spec(D),
    out_shape=jax.ShapeDtypeStruct((N, D), f32),
)

_tc3 = pl.pallas_call(
    _tc3_body,
    grid=(GRID,),
    in_specs=[_part_spec(0), _part_spec(1), _row_spec(1),
              _const_spec((1, D))],
    out_specs=_row_spec(D),
    out_shape=jax.ShapeDtypeStruct((N, D), f32),
)


def kernel(x, edge_index, W1, b1, W2, b2):
    ei3 = edge_index.astype(jnp.int32).reshape(2, RE, CHUNK)
    ei = jnp.concatenate([ei3, jnp.asarray(_PAD_NP)], axis=1)

    degp = _deg_kernel(ei)
    dsum = (degp[0] + degp[1])[:, None]

    b1r = b1.reshape(1, D)
    b2r = b2.reshape(1, D)

    t1 = _tc1(x, W1, dsum)
    p1 = _scatter_kernel(t1, ei)
    t2 = _tc2(p1, p1, dsum, b1r, W2)
    p2 = _scatter_kernel(t2, ei)
    out = _tc3(p2, p2, dsum, b2r)
    return out

# --- scband reference (transcript-rebuilt; emitter-appended) ---
"""Pipeline reference for scband-gcl-40836549050565 (READ-ONLY COPY).

The authoritative reference and input builder live on the scoring server;
editing this copy changes nothing except your own understanding.
"""

import jax, jax.numpy as jnp
import numpy as np

N = 10000
E = 320000
D_IN = 128
D_HID = 128
D_OUT = 128


def setup_inputs(seed: int = 0) -> dict:
    key = jax.random.key(seed)
    k1, k2, k3, k4, k5 = jax.random.split(key, 5)
    x = jax.random.normal(k1, (N, D_IN), dtype=jnp.float32)
    edge_index = jax.random.randint(k2, (2, E), 0, N, dtype=jnp.int32)
    # GraphConv weights (GCN layer: out = norm-adj @ (x @ W) + b), eval mode so dropout is identity
    W1 = jax.random.normal(k3, (D_IN, D_HID), dtype=jnp.float32) * (1.0 / np.sqrt(D_IN))
    b1 = jnp.zeros((D_HID,), dtype=jnp.float32)
    W2 = jax.random.normal(k4, (D_HID, D_OUT), dtype=jnp.float32) * (1.0 / np.sqrt(D_HID))
    b2 = jnp.zeros((D_OUT,), dtype=jnp.float32)
    return {"x": x, "edge_index": edge_index, "W1": W1, "b1": b1, "W2": W2, "b2": b2}


def reference(x, edge_index, W1, b1, W2, b2):
    # GCL.get_emb1 / embed1 GCN forward with K=2 layers.
    # 'filter' = symmetrically normalized adjacency D^{-1/2} A D^{-1/2},
    # realized as gather / scatter-add message passing over edges.
    src = edge_index[0]
    dst = edge_index[1]
    deg = jnp.zeros((N,), dtype=jnp.float32).at[dst].add(1.0)
    deg = jnp.maximum(deg, 1.0)
    dinv = jax.lax.rsqrt(deg)
    norm = dinv[src] * dinv[dst]  # [E]

    def graph_conv(h, W, b):
        h = h @ W  # dense transform
        msg = jnp.take(h, src, axis=0) * norm[:, None]  # gather
        agg = jnp.zeros((N, h.shape[1]), dtype=h.dtype).at[dst].add(msg)  # scatter-add
        return agg + b

    h = graph_conv(x, W1, b1)
    h = jax.nn.relu(h)
    # dropout with p=0.5 is identity in eval mode
    out = graph_conv(h, W2, b2)
    return out

if __name__ == "__main__":
    import jax
    _d = setup_inputs()
    print(jax.jit(kernel)(*tuple(_d.values())))

</pallas_src>

<mosaic_0001>
#map = affine_map<(d0, d1) -> (0, 0)>
#map1 = affine_map<(d0, d1) -> (0, 0, 0)>
module attributes {stable_mosaic.version = 14 : i64} {
  func.func @_scatter_kernel(%arg0: i32, %arg1: i32, %arg2: memref<10000x128xf32, #tpu.memory_space<hbm>>, %arg3: memref<2x2560x128xi32, #tpu.memory_space<hbm>>, %arg4: memref<2x10240x128xf32, #tpu.memory_space<hbm>>, %arg5: memref<40x128xi32, #tpu.memory_space<vmem>>, %arg6: memref<40x128xi32, #tpu.memory_space<vmem>>, %arg7: memref<128x128xf32, #tpu.memory_space<vmem>>, %arg8: memref<128x128xf32, #tpu.memory_space<vmem>>, %arg9: memref<10240x128xf32, #tpu.memory_space<vmem_shared>>, %arg10: memref<!tpu.dma_semaphore, #tpu.memory_space<semaphore_mem>>, %arg11: memref<!tpu.dma_semaphore, #tpu.memory_space<semaphore_mem>>) attributes {dimension_semantics = [#tpu.dimension_semantics<core_parallel>, #tpu.dimension_semantics<subcore_parallel>], iteration_bounds = array<i64: 2, 16>, scalar_prefetch = 0 : i64, scratch_operands = 7 : i64, tpu.core_type = #tpu.core_type<sc_vector_subcore>, window_params = [{transform_indices = #map}, {transform_indices = #map1}, {transform_indices = #map1}]} {
    %mul3A = arith.constant 2 : i32
    %mul3A_0 = arith.muli %arg1, %mul3A : i32
    %add3A = arith.addi %mul3A_0, %arg0 : i32
    %mul3A_1 = arith.constant 80 : i32
    %mul3A_2 = arith.muli %add3A, %mul3A_1 : i32
    %add3A_3 = arith.constant 0 : i32
    %add3A_4 = arith.addi %mul3A_2, %add3A_3 : i32
    %run_scoped3A = arith.constant 0 : i32
    "tpu.region"() ({
      %run_scoped3A_59 = tpu.sem_alloc : memref<!tpu.dma_semaphore, #tpu.memory_space<semaphore_mem>>
      %dma_start3A_60 = arith.constant 0 : i32
      %dma_start3A_61 = tpu.memref_slice %arg3[%run_scoped3A, %add3A_4, %dma_start3A_60] : memref<2x2560x128xi32, #tpu.memory_space<hbm>> -> memref<1x40x128xi32, #tpu.memory_space<hbm>>
      %dma_start3A_62 = tpu.memref_squeeze %dma_start3A_61 : memref<1x40x128xi32, #tpu.memory_space<hbm>> -> memref<40x128xi32, #tpu.memory_space<hbm>>
      %dma_start3A_63 = arith.constant 0 : i32
      %dma_start3A_64 = tpu.memref_slice %arg3[%run_scoped3A, %add3A_4, %dma_start3A_63] : memref<2x2560x128xi32, #tpu.memory_space<hbm>> -> memref<1x40x128xi32, #tpu.memory_space<hbm>>
      %dma_start3A_65 = tpu.memref_squeeze %dma_start3A_64 : memref<1x40x128xi32, #tpu.memory_space<hbm>> -> memref<40x128xi32, #tpu.memory_space<hbm>>
      tpu.enqueue_dma source(%dma_start3A_65 : memref<40x128xi32, #tpu.memory_space<hbm>>) target(%arg5 : memref<40x128xi32, #tpu.memory_space<vmem>>) target_semaphore(%run_scoped3A_59 : memref<!tpu.dma_semaphore, #tpu.memory_space<semaphore_mem>>)
      %dma_wait3A = arith.constant 0 : i32
      %dma_wait3A_66 = tpu.memref_slice %arg3[%run_scoped3A, %add3A_4, %dma_wait3A] : memref<2x2560x128xi32, #tpu.memory_space<hbm>> -> memref<1x40x128xi32, #tpu.memory_space<hbm>>
      %dma_wait3A_67 = tpu.memref_squeeze %dma_wait3A_66 : memref<1x40x128xi32, #tpu.memory_space<hbm>> -> memref<40x128xi32, #tpu.memory_space<hbm>>
      %dma_wait3A_68 = arith.constant 0 : i32
      %dma_wait3A_69 = tpu.memref_slice %arg3[%run_scoped3A, %add3A_4, %dma_wait3A_68] : memref<2x2560x128xi32, #tpu.memory_space<hbm>> -> memref<1x40x128xi32, #tpu.memory_space<hbm>>
      %dma_wait3A_70 = tpu.memref_squeeze %dma_wait3A_69 : memref<1x40x128xi32, #tpu.memory_space<hbm>> -> memref<40x128xi32, #tpu.memory_space<hbm>>
      tpu.wait_dma2 semaphore(%run_scoped3A_59 : memref<!tpu.dma_semaphore, #tpu.memory_space<semaphore_mem>>) src(%dma_wait3A_70 : memref<40x128xi32, #tpu.memory_space<hbm>>) dst(%arg5 : memref<40x128xi32, #tpu.memory_space<vmem>>)
      tpu.yield
    }) : () -> ()
    %run_scoped3A_5 = arith.constant 1 : i32
    "tpu.region"() ({
      %run_scoped3A_59 = tpu.sem_alloc : memref<!tpu.dma_semaphore, #tpu.memory_space<semaphore_mem>>
      %dma_start3A_60 = arith.constant 0 : i32
      %dma_start3A_61 = tpu.memref_slice %arg3[%run_scoped3A_5, %add3A_4, %dma_start3A_60] : memref<2x2560x128xi32, #tpu.memory_space<hbm>> -> memref<1x40x128xi32, #tpu.memory_space<hbm>>
      %dma_start3A_62 = tpu.memref_squeeze %dma_start3A_61 : memref<1x40x128xi32, #tpu.memory_space<hbm>> -> memref<40x128xi32, #tpu.memory_space<hbm>>
      %dma_start3A_63 = arith.constant 0 : i32
      %dma_start3A_64 = tpu.memref_slice %arg3[%run_scoped3A_5, %add3A_4, %dma_start3A_63] : memref<2x2560x128xi32, #tpu.memory_space<hbm>> -> memref<1x40x128xi32, #tpu.memory_space<hbm>>
      %dma_start3A_65 = tpu.memref_squeeze %dma_start3A_64 : memref<1x40x128xi32, #tpu.memory_space<hbm>> -> memref<40x128xi32, #tpu.memory_space<hbm>>
      tpu.enqueue_dma source(%dma_start3A_65 : memref<40x128xi32, #tpu.memory_space<hbm>>) target(%arg6 : memref<40x128xi32, #tpu.memory_space<vmem>>) target_semaphore(%run_scoped3A_59 : memref<!tpu.dma_semaphore, #tpu.memory_space<semaphore_mem>>)
      %dma_wait3A = arith.constant 0 : i32
      %dma_wait3A_66 = tpu.memref_slice %arg3[%run_scoped3A_5, %add3A_4, %dma_wait3A] : memref<2x2560x128xi32, #tpu.memory_space<hbm>> -> memref<1x40x128xi32, #tpu.memory_space<hbm>>
      %dma_wait3A_67 = tpu.memref_squeeze %dma_wait3A_66 : memref<1x40x128xi32, #tpu.memory_space<hbm>> -> memref<40x128xi32, #tpu.memory_space<hbm>>
      %dma_wait3A_68 = arith.constant 0 : i32
      %dma_wait3A_69 = tpu.memref_slice %arg3[%run_scoped3A_5, %add3A_4, %dma_wait3A_68] : memref<2x2560x128xi32, #tpu.memory_space<hbm>> -> memref<1x40x128xi32, #tpu.memory_space<hbm>>
      %dma_wait3A_70 = tpu.memref_squeeze %dma_wait3A_69 : memref<1x40x128xi32, #tpu.memory_space<hbm>> -> memref<40x128xi32, #tpu.memory_space<hbm>>
      tpu.wait_dma2 semaphore(%run_scoped3A_59 : memref<!tpu.dma_semaphore, #tpu.memory_space<semaphore_mem>>) src(%dma_wait3A_70 : memref<40x128xi32, #tpu.memory_space<hbm>>) dst(%arg6 : memref<40x128xi32, #tpu.memory_space<vmem>>)
      tpu.yield
    }) : () -> ()
    %dma_start3A = arith.constant 0 : i32
    %dma_start3A_6 = arith.constant 0 : i32
    %dma_start3A_7 = tpu.memref_slice %arg5[%dma_start3A, %dma_start3A_6] : memref<40x128xi32, #tpu.memory_space<vmem>> -> memref<1x128xi32, #tpu.memory_space<vmem>>
    %dma_start3A_8 = tpu.memref_squeeze %dma_start3A_7 : memref<1x128xi32, #tpu.memory_space<vmem>> -> memref<128xi32, #tpu.memory_space<vmem>>
    %dma_start3A_9 = arith.constant 0 : i32
    %dma_start3A_10 = arith.constant 0 : i32
    %dma_start3A_11 = tpu.memref_slice %arg2[%dma_start3A_9, %dma_start3A_10] : memref<10000x128xf32, #tpu.memory_space<hbm>> -> memref<10000x128xf32, #tpu.memory_space<hbm>>
    tpu.enqueue_indirect_dma source(%dma_start3A_11 : memref<10000x128xf32, #tpu.memory_space<hbm>>) target(%arg7 : memref<128x128xf32, #tpu.memory_space<vmem>>) offsets(%dma_start3A_8 : memref<128xi32, #tpu.memory_space<vmem>>) semaphore(%arg10 : memref<!tpu.dma_semaphore, #tpu.memory_space<semaphore_mem>>)
    %broadcast_in_dim3A = arith.constant 0.000000e+00 : f32
    %broadcast_in_dim3A_12 = vector.broadcast %broadcast_in_dim3A : f32 to vector<16xf32>
    %scan3A = arith.constant 0 : i32
    %scan3A_13 = arith.constant 0 : i32
    %scan3A_14 = arith.constant 128 : i32
    %scan3A_15 = arith.addi %scan3A_13, %scan3A_14 : i32
    %scan3A_16 = arith.constant 1 : i32
    %scan3A_17 = scf.for %scan3A_59 = %scan3A_13 to %scan3A_15 step %scan3A_16 iter_args(%scan3A_60 = %scan3A) -> (i32)  : i32 {
      %swap3A = arith.index_cast %scan3A_59 : i32 to index
      %swap3A_61 = arith.constant 0 : index
      %swap3A_62 = tpu.vector_load %arg8[%swap3A, %swap3A_61] {strides = array<i32>} : memref<128x128xf32, #tpu.memory_space<vmem>>, vector<1x16xf32>,
      %swap3A_63 = vector.shape_cast %swap3A_62 : vector<1x16xf32> to vector<16xf32>
      %swap3A_64 = vector.shape_cast %broadcast_in_dim3A_12 : vector<16xf32> to vector<1x16xf32>
      tpu.vector_store %arg8[%swap3A, %swap3A_61], %swap3A_64 {strides = array<i32>} : memref<128x128xf32, #tpu.memory_space<vmem>>, vector<1x16xf32>,
      %swap3A_65 = arith.index_cast %scan3A_59 : i32 to index
      %swap3A_66 = arith.constant 16 : index
      %swap3A_67 = tpu.vector_load %arg8[%swap3A_65, %swap3A_66] {strides = array<i32>} : memref<128x128xf32, #tpu.memory_space<vmem>>, vector<1x16xf32>,
      %swap3A_68 = vector.shape_cast %swap3A_67 : vector<1x16xf32> to vector<16xf32>
      %swap3A_69 = vector.shape_cast %broadcast_in_dim3A_12 : vector<16xf32> to vector<1x16xf32>
      tpu.vector_store %arg8[%swap3A_65, %swap3A_66], %swap3A_69 {strides = array<i32>} : memref<128x128xf32, #tpu.memory_space<vmem>>, vector<1x16xf32>,
      %swap3A_70 = arith.index_cast %scan3A_59 : i32 to index
      %swap3A_71 = arith.constant 32 : index
      %swap3A_72 = tpu.vector_load %arg8[%swap3A_70, %swap3A_71] {strides = array<i32>} : memref<128x128xf32, #tpu.memory_space<vmem>>, vector<1x16xf32>,
      %swap3A_73 = vector.shape_cast %swap3A_72 : vector<1x16xf32> to vector<16xf32>
      %swap3A_74 = vector.shape_cast %broadcast_in_dim3A_12 : vector<16xf32> to vector<1x16xf32>
      tpu.vector_store %arg8[%swap3A_70, %swap3A_71], %swap3A_74 {strides = array<i32>} : memref<128x128xf32, #tpu.memory_space<vmem>>, vector<1x16xf32>,
      %swap3A_75 = arith.index_cast %scan3A_59 : i32 to index
      %swap3A_76 = arith.constant 48 : index
      %swap3A_77 = tpu.vector_load %arg8[%swap3A_75, %swap3A_76] {strides = array<i32>} : memref<128x128xf32, #tpu.memory_space<vmem>>, vector<1x16xf32>,
      %swap3A_78 = vector.shape_cast %swap3A_77 : vector<1x16xf32> to vector<16xf32>
      %swap3A_79 = vector.shape_cast %broadcast_in_dim3A_12 : vector<16xf32> to vector<1x16xf32>
      tpu.vector_store %arg8[%swap3A_75, %swap3A_76], %swap3A_79 {strides = array<i32>} : memref<128x128xf32, #tpu.memory_space<vmem>>, vector<1x16xf32>,
      %swap3A_80 = arith.index_cast %scan3A_59 : i32 to index
      %swap3A_81 = arith.constant 64 : index
      %swap3A_82 = tpu.vector_load %arg8[%swap3A_80, %swap3A_81] {strides = array<i32>} : memref<128x128xf32, #tpu.memory_space<vmem>>, vector<1x16xf32>,
      %swap3A_83 = vector.shape_cast %swap3A_82 : vector<1x16xf32> to vector<16xf32>
      %swap3A_84 = vector.shape_cast %broadcast_in_dim3A_12 : vector<16xf32> to vector<1x16xf32>
      tpu.vector_store %arg8[%swap3A_80, %swap3A_81], %swap3A_84 {strides = array<i32>} : memref<128x128xf32, #tpu.memory_space<vmem>>, vector<1x16xf32>,
      %swap3A_85 = arith.index_cast %scan3A_59 : i32 to index
      %swap3A_86 = arith.constant 80 : index
      %swap3A_87 = tpu.vector_load %arg8[%swap3A_85, %swap3A_86] {strides = array<i32>} : memref<128x128xf32, #tpu.memory_space<vmem>>, vector<1x16xf32>,
      %swap3A_88 = vector.shape_cast %swap3A_87 : vector<1x16xf32> to vector<16xf32>
      %swap3A_89 = vector.shape_cast %broadcast_in_dim3A_12 : vector<16xf32> to vector<1x16xf32>
      tpu.vector_store %arg8[%swap3A_85, %swap3A_86], %swap3A_89 {strides = array<i32>} : memref<128x128xf32, #tpu.memory_space<vmem>>, vector<1x16xf32>,
      %swap3A_90 = arith.index_cast %scan3A_59 : i32 to index
      %swap3A_91 = arith.constant 96 : index
      %swap3A_92 = tpu.vector_load %arg8[%swap3A_90, %swap3A_91] {strides = array<i32>} : memref<128x128xf32, #tpu.memory_space<vmem>>, vector<1x16xf32>,
      %swap3A_93 = vector.shape_cast %swap3A_92 : vector<1x16xf32> to vector<16xf32>
      %swap3A_94 = vector.shape_cast %broadcast_in_dim3A_12 : vector<16xf32> to vector<1x16xf32>
      tpu.vector_store %arg8[%swap3A_90, %swap3A_91], %swap3A_94 {strides = array<i32>} : memref<128x128xf32, #tpu.memory_space<vmem>>, vector<1x16xf32>,
      %swap3A_95 = arith.index_cast %scan3A_59 : i32 to index
      %swap3A_96 = arith.constant 112 : index
      %swap3A_97 = tpu.vector_load %arg8[%swap3A_95, %swap3A_96] {strides = array<i32>} : memref<128x128xf32, #tpu.memory_space<vmem>>, vector<1x16xf32>,
      %swap3A_98 = vector.shape_cast %swap3A_97 : vector<1x16xf32> to vector<16xf32>
      %swap3A_99 = vector.shape_cast %broadcast_in_dim3A_12 : vector<16xf32> to vector<1x16xf32>
      tpu.vector_store %arg8[%swap3A_95, %swap3A_96], %swap3A_99 {strides = array<i32>} : memref<128x128xf32, #tpu.memory_space<vmem>>, vector<1x16xf32>,
      %scan3A_100 = arith.constant 0 : i32
      scf.yield %scan3A_100 : i32
    }
    %scan3A_18 = arith.constant 128 : i32
    %mul3A_19 = arith.constant 640 : i32
    %mul3A_20 = arith.muli %arg1, %mul3A_19 : i32
    %add3A_21 = arith.constant 0 : i32
    %add3A_22 = arith.addi %mul3A_20, %add3A_21 : i32
    "tpu.region"() ({
      %run_scoped3A_59 = tpu.sem_alloc : memref<!tpu.dma_semaphore, #tpu.memory_space<semaphore_mem>>
      %dma_start3A_60 = arith.constant 0 : i32
      %dma_start3A_61 = tpu.memref_slice %arg9[%add3A_22, %dma_start3A_60] : memref<10240x128xf32, #tpu.memory_space<vmem_shared>> -> memref<128x128xf32, #tpu.memory_space<vmem_shared>>
      %dma_start3A_62 = arith.constant 0 : i32
      %dma_start3A_63 = tpu.memref_slice %arg9[%add3A_22, %dma_start3A_62] : memref<10240x128xf32, #tpu.memory_space<vmem_shared>> -> memref<128x128xf32, #tpu.memory_space<vmem_shared>>
      tpu.enqueue_dma source(%arg8 : memref<128x128xf32, #tpu.memory_space<vmem>>) target(%dma_start3A_63 : memref<128x128xf32, #tpu.memory_space<vmem_shared>>) target_semaphore(%run_scoped3A_59 : memref<!tpu.dma_semaphore, #tpu.memory_space<semaphore_mem>>)
      %dma_wait3A = arith.constant 0 : i32
      %dma_wait3A_64 = tpu.memref_slice %arg9[%add3A_22, %dma_wait3A] : memref<10240x128xf32, #tpu.memory_space<vmem_shared>> -> memref<128x128xf32, #tpu.memory_space<vmem_shared>>
      %dma_wait3A_65 = arith.constant 0 : i32
      %dma_wait3A_66 = tpu.memref_slice %arg9[%add3A_22, %dma_wait3A_65] : memref<10240x128xf32, #tpu.memory_space<vmem_shared>> -> memref<128x128xf32, #tpu.memory_space<vmem_shared>>
      tpu.wait_dma2 semaphore(%run_scoped3A_59 : memref<!tpu.dma_semaphore, #tpu.memory_space<semaphore_mem>>) src(%arg8 : memref<128x128xf32, #tpu.memory_space<vmem>>) dst(%dma_wait3A_66 : memref<128x128xf32, #tpu.memory_space<vmem_shared>>)
      tpu.yield
    }) : () -> ()
    %add3A_23 = arith.constant 128 : i32
    %add3A_24 = arith.addi %mul3A_20, %add3A_23 : i32
    "tpu.region"() ({
      %run_scoped3A_59 = tpu.sem_alloc : memref<!tpu.dma_semaphore, #tpu.memory_space<semaphore_mem>>
      %dma_start3A_60 = arith.constant 0 : i32
      %dma_start3A_61 = tpu.memref_slice %arg9[%add3A_24, %dma_start3A_60] : memref<10240x128xf32, #tpu.memory_space<vmem_shared>> -> memref<128x128xf32, #tpu.memory_space<vmem_shared>>
      %dma_start3A_62 = arith.constant 0 : i32
      %dma_start3A_63 = tpu.memref_slice %arg9[%add3A_24, %dma_start3A_62] : memref<10240x128xf32, #tpu.memory_space<vmem_shared>> -> memref<128x128xf32, #tpu.memory_space<vmem_shared>>
      tpu.enqueue_dma source(%arg8 : memref<128x128xf32, #tpu.memory_space<vmem>>) target(%dma_start3A_63 : memref<128x128xf32, #tpu.memory_space<vmem_shared>>) target_semaphore(%run_scoped3A_59 : memref<!tpu.dma_semaphore, #tpu.memory_space<semaphore_mem>>)
      %dma_wait3A = arith.constant 0 : i32
      %dma_wait3A_64 = tpu.memref_slice %arg9[%add3A_24, %dma_wait3A] : memref<10240x128xf32, #tpu.memory_space<vmem_shared>> -> memref<128x128xf32, #tpu.memory_space<vmem_shared>>
      %dma_wait3A_65 = arith.constant 0 : i32
      %dma_wait3A_66 = tpu.memref_slice %arg9[%add3A_24, %dma_wait3A_65] : memref<10240x128xf32, #tpu.memory_space<vmem_shared>> -> memref<128x128xf32, #tpu.memory_space<vmem_shared>>
      tpu.wait_dma2 semaphore(%run_scoped3A_59 : memref<!tpu.dma_semaphore, #tpu.memory_space<semaphore_mem>>) src(%arg8 : memref<128x128xf32, #tpu.memory_space<vmem>>) dst(%dma_wait3A_66 : memref<128x128xf32, #tpu.memory_space<vmem_shared>>)
      tpu.yield
    }) : () -> ()
    %add3A_25 = arith.constant 256 : i32
    %add3A_26 = arith.addi %mul3A_20, %add3A_25 : i32
    "tpu.region"() ({
      %run_scoped3A_59 = tpu.sem_alloc : memref<!tpu.dma_semaphore, #tpu.memory_space<semaphore_mem>>
      %dma_start3A_60 = arith.constant 0 : i32
      %dma_start3A_61 = tpu.memref_slice %arg9[%add3A_26, %dma_start3A_60] : memref<10240x128xf32, #tpu.memory_space<vmem_shared>> -> memref<128x128xf32, #tpu.memory_space<vmem_shared>>
      %dma_start3A_62 = arith.constant 0 : i32
      %dma_start3A_63 = tpu.memref_slice %arg9[%add3A_26, %dma_start3A_62] : memref<10240x128xf32, #tpu.memory_space<vmem_shared>> -> memref<128x128xf32, #tpu.memory_space<vmem_shared>>
      tpu.enqueue_dma source(%arg8 : memref<128x128xf32, #tpu.memory_space<vmem>>) target(%dma_start3A_63 : memref<128x128xf32, #tpu.memory_space<vmem_shared>>) target_semaphore(%run_scoped3A_59 : memref<!tpu.dma_semaphore, #tpu.memory_space<semaphore_mem>>)
      %dma_wait3A = arith.constant 0 : i32
      %dma_wait3A_64 = tpu.memref_slice %arg9[%add3A_26, %dma_wait3A] : memref<10240x128xf32, #tpu.memory_space<vmem_shared>> -> memref<128x128xf32, #tpu.memory_space<vmem_shared>>
      %dma_wait3A_65 = arith.constant 0 : i32
      %dma_wait3A_66 = tpu.memref_slice %arg9[%add3A_26, %dma_wait3A_65] : memref<10240x128xf32, #tpu.memory_space<vmem_shared>> -> memref<128x128xf32, #tpu.memory_space<vmem_shared>>
      tpu.wait_dma2 semaphore(%run_scoped3A_59 : memref<!tpu.dma_semaphore, #tpu.memory_space<semaphore_mem>>) src(%arg8 : memref<128x128xf32, #tpu.memory_space<vmem>>) dst(%dma_wait3A_66 : memref<128x128xf32, #tpu.memory_space<vmem_shared>>)
      tpu.yield
    }) : () -> ()
    %add3A_27 = arith.constant 384 : i32
    %add3A_28 = arith.addi %mul3A_20, %add3A_27 : i32
    "tpu.region"() ({
      %run_scoped3A_59 = tpu.sem_alloc : memref<!tpu.dma_semaphore, #tpu.memory_space<semaphore_mem>>
      %dma_start3A_60 = arith.constant 0 : i32
      %dma_start3A_61 = tpu.memref_slice %arg9[%add3A_28, %dma_start3A_60] : memref<10240x128xf32, #tpu.memory_space<vmem_shared>> -> memref<128x128xf32, #tpu.memory_space<vmem_shared>>
      %dma_start3A_62 = arith.constant 0 : i32
      %dma_start3A_63 = tpu.memref_slice %arg9[%add3A_28, %dma_start3A_62] : memref<10240x128xf32, #tpu.memory_space<vmem_shared>> -> memref<128x128xf32, #tpu.memory_space<vmem_shared>>
      tpu.enqueue_dma source(%arg8 : memref<128x128xf32, #tpu.memory_space<vmem>>) target(%dma_start3A_63 : memref<128x128xf32, #tpu.memory_space<vmem_shared>>) target_semaphore(%run_scoped3A_59 : memref<!tpu.dma_semaphore, #tpu.memory_space<semaphore_mem>>)
      %dma_wait3A = arith.constant 0 : i32
      %dma_wait3A_64 = tpu.memref_slice %arg9[%add3A_28, %dma_wait3A] : memref<10240x128xf32, #tpu.memory_space<vmem_shared>> -> memref<128x128xf32, #tpu.memory_space<vmem_shared>>
      %dma_wait3A_65 = arith.constant 0 : i32
      %dma_wait3A_66 = tpu.memref_slice %arg9[%add3A_28, %dma_wait3A_65] : memref<10240x128xf32, #tpu.memory_space<vmem_shared>> -> memref<128x128xf32, #tpu.memory_space<vmem_shared>>
      tpu.wait_dma2 semaphore(%run_scoped3A_59 : memref<!tpu.dma_semaphore, #tpu.memory_space<semaphore_mem>>) src(%arg8 : memref<128x128xf32, #tpu.memory_space<vmem>>) dst(%dma_wait3A_66 : memref<128x128xf32, #tpu.memory_space<vmem_shared>>)
      tpu.yield
    }) : () -> ()
    %add3A_29 = arith.constant 512 : i32
    %add3A_30 = arith.addi %mul3A_20, %add3A_29 : i32
    "tpu.region"() ({
      %run_scoped3A_59 = tpu.sem_alloc : memref<!tpu.dma_semaphore, #tpu.memory_space<semaphore_mem>>
      %dma_start3A_60 = arith.constant 0 : i32
      %dma_start3A_61 = tpu.memref_slice %arg9[%add3A_30, %dma_start3A_60] : memref<10240x128xf32, #tpu.memory_space<vmem_shared>> -> memref<128x128xf32, #tpu.memory_space<vmem_shared>>
      %dma_start3A_62 = arith.constant 0 : i32
      %dma_start3A_63 = tpu.memref_slice %arg9[%add3A_30, %dma_start3A_62] : memref<10240x128xf32, #tpu.memory_space<vmem_shared>> -> memref<128x128xf32, #tpu.memory_space<vmem_shared>>
      tpu.enqueue_dma source(%arg8 : memref<128x128xf32, #tpu.memory_space<vmem>>) target(%dma_start3A_63 : memref<128x128xf32, #tpu.memory_space<vmem_shared>>) target_semaphore(%run_scoped3A_59 : memref<!tpu.dma_semaphore, #tpu.memory_space<semaphore_mem>>)
      %dma_wait3A = arith.constant 0 : i32
      %dma_wait3A_64 = tpu.memref_slice %arg9[%add3A_30, %dma_wait3A] : memref<10240x128xf32, #tpu.memory_space<vmem_shared>> -> memref<128x128xf32, #tpu.memory_space<vmem_shared>>
      %dma_wait3A_65 = arith.constant 0 : i32
      %dma_wait3A_66 = tpu.memref_slice %arg9[%add3A_30, %dma_wait3A_65] : memref<10240x128xf32, #tpu.memory_space<vmem_shared>> -> memref<128x128xf32, #tpu.memory_space<vmem_shared>>
      tpu.wait_dma2 semaphore(%run_scoped3A_59 : memref<!tpu.dma_semaphore, #tpu.memory_space<semaphore_mem>>) src(%arg8 : memref<128x128xf32, #tpu.memory_space<vmem>>) dst(%dma_wait3A_66 : memref<128x128xf32, #tpu.memory_space<vmem_shared>>)
      tpu.yield
    }) : () -> ()
    %barrier3A = arith.constant 0 : index
    tpu.barrier barrier_id(%barrier3A)
    %scan3A_31 = arith.constant 0 : i32
    %scan3A_32 = arith.constant 0 : i32
    %scan3A_33 = arith.constant 20 : i32
    %scan3A_34 = arith.addi %scan3A_32, %scan3A_33 : i32
    %scan3A_35 = arith.constant 1 : i32
    %scan3A_36 = scf.for %scan3A_59 = %scan3A_32 to %scan3A_34 step %scan3A_35 iter_args(%scan3A_60 = %scan3A_31) -> (i32)  : i32 {
      %mul3A_61 = arith.constant 2 : i32
      %mul3A_62 = arith.muli %mul3A_61, %scan3A_59 : i32
      %add3A_63 = arith.constant 1 : i32
      %add3A_64 = arith.addi %mul3A_62, %add3A_63 : i32
      %dma_start3A_65 = arith.constant 0 : i32
      %dma_start3A_66 = tpu.memref_slice %arg5[%add3A_64, %dma_start3A_65] : memref<40x128xi32, #tpu.memory_space<vmem>> -> memref<1x128xi32, #tpu.memory_space<vmem>>
      %dma_start3A_67 = tpu.memref_squeeze %dma_start3A_66 : memref<1x128xi32, #tpu.memory_space<vmem>> -> memref<128xi32, #tpu.memory_space<vmem>>
      %dma_start3A_68 = arith.constant 0 : i32
      %dma_start3A_69 = arith.constant 0 : i32
      %dma_start3A_70 = tpu.memref_slice %arg2[%dma_start3A_68, %dma_start3A_69] : memref<10000x128xf32, #tpu.memory_space<hbm>> -> memref<10000x128xf32, #tpu.memory_space<hbm>>
      tpu.enqueue_indirect_dma source(%dma_start3A_70 : memref<10000x128xf32, #tpu.memory_space<hbm>>) target(%arg8 : memref<128x128xf32, #tpu.memory_space<vmem>>) offsets(%dma_start3A_67 : memref<128xi32, #tpu.memory_space<vmem>>) semaphore(%arg11 : memref<!tpu.dma_semaphore, #tpu.memory_space<semaphore_mem>>)
      %dma_wait3A = arith.constant 0 : i32
      %dma_wait3A_71 = tpu.memref_slice %arg5[%mul3A_62, %dma_wait3A] : memref<40x128xi32, #tpu.memory_space<vmem>> -> memref<1x128xi32, #tpu.memory_space<vmem>>
      %dma_wait3A_72 = tpu.memref_squeeze %dma_wait3A_71 : memref<1x128xi32, #tpu.memory_space<vmem>> -> memref<128xi32, #tpu.memory_space<vmem>>
      %dma_wait3A_73 = arith.constant 0 : i32
      %dma_wait3A_74 = arith.constant 0 : i32
      %dma_wait3A_75 = tpu.memref_slice %arg2[%dma_wait3A_73, %dma_wait3A_74] : memref<10000x128xf32, #tpu.memory_space<hbm>> -> memref<10000x128xf32, #tpu.memory_space<hbm>>
      tpu.wait_indirect_dma semaphore(%arg10 : memref<!tpu.dma_semaphore, #tpu.memory_space<semaphore_mem>>) src(%dma_wait3A_75 : memref<10000x128xf32, #tpu.memory_space<hbm>>) dst(%arg7 : memref<128x128xf32, #tpu.memory_space<vmem>>)
      "tpu.region"() ({
        %run_scoped3A_87 = tpu.sem_alloc : memref<!tpu.dma_semaphore, #tpu.memory_space<semaphore_mem>>
        %dma_start3A_88 = arith.constant 0 : i32
        %dma_start3A_89 = tpu.memref_slice %arg6[%mul3A_62, %dma_start3A_88] : memref<40x128xi32, #tpu.memory_space<vmem>> -> memref<1x128xi32, #tpu.memory_space<vmem>>
        %dma_start3A_90 = tpu.memref_squeeze %dma_start3A_89 : memref<1x128xi32, #tpu.memory_space<vmem>> -> memref<128xi32, #tpu.memory_space<vmem>>
        %dma_start3A_91 = arith.constant 0 : i32
        %dma_start3A_92 = arith.constant 0 : i32
        %dma_start3A_93 = tpu.memref_slice %arg9[%dma_start3A_91, %dma_start3A_92] : memref<10240x128xf32, #tpu.memory_space<vmem_shared>> -> memref<10240x128xf32, #tpu.memory_space<vmem_shared>>
        tpu.enqueue_indirect_dma source(%arg7 : memref<128x128xf32, #tpu.memory_space<vmem>>) target(%dma_start3A_93 : memref<10240x128xf32, #tpu.memory_space<vmem_shared>>) offsets(%dma_start3A_90 : memref<128xi32, #tpu.memory_space<vmem>>) semaphore(%run_scoped3A_87 : memref<!tpu.dma_semaphore, #tpu.memory_space<semaphore_mem>>) {add = true}
        %dma_wait3A_94 = arith.constant 0 : i32
        %dma_wait3A_95 = tpu.memref_slice %arg6[%mul3A_62, %dma_wait3A_94] : memref<40x128xi32, #tpu.memory_space<vmem>> -> memref<1x128xi32, #tpu.memory_space<vmem>>
        %dma_wait3A_96 = tpu.memref_squeeze %dma_wait3A_95 : memref<1x128xi32, #tpu.memory_space<vmem>> -> memref<128xi32, #tpu.memory_space<vmem>>
        %dma_wait3A_97 = arith.constant 0 : i32
        %dma_wait3A_98 = arith.constant 0 : i32
        %dma_wait3A_99 = tpu.memref_slice %arg9[%dma_wait3A_97, %dma_wait3A_98] : memref<10240x128xf32, #tpu.memory_space<vmem_shared>> -> memref<10240x128xf32, #tpu.memory_space<vmem_shared>>
        tpu.wait_indirect_dma semaphore(%run_scoped3A_87 : memref<!tpu.dma_semaphore, #tpu.memory_space<semaphore_mem>>) src(%arg7 : memref<128x128xf32, #tpu.memory_space<vmem>>) dst(%dma_wait3A_99 : memref<10240x128xf32, #tpu.memory_space<vmem_shared>>)
        tpu.yield
      }) : () -> ()
      %add3A_76 = arith.constant 2 : i32
      %add3A_77 = arith.addi %mul3A_62, %add3A_76 : i32
      %lt3A = arith.constant 40 : i32
      %lt3A_78 = arith.cmpi slt, %add3A_77, %lt3A : i32
      %convert_element_type3A = arith.extui %lt3A_78 : i1 to i32
      %cond3A = arith.constant 0 : i32
      %cond3A_79 = arith.cmpi ne, %convert_element_type3A, %cond3A : i32
      scf.if %cond3A_79 {
        %add3A_87 = arith.constant 2 : i32
        %add3A_88 = arith.addi %mul3A_62, %add3A_87 : i32
        %dma_start3A_89 = arith.constant 0 : i32
        %dma_start3A_90 = tpu.memref_slice %arg5[%add3A_88, %dma_start3A_89] : memref<40x128xi32, #tpu.memory_space<vmem>> -> memref<1x128xi32, #tpu.memory_space<vmem>>
        %dma_start3A_91 = tpu.memref_squeeze %dma_start3A_90 : memref<1x128xi32, #tpu.memory_space<vmem>> -> memref<128xi32, #tpu.memory_space<vmem>>
        %dma_start3A_92 = arith.constant 0 : i32
        %dma_start3A_93 = arith.constant 0 : i32
        %dma_start3A_94 = tpu.memref_slice %arg2[%dma_start3A_92, %dma_start3A_93] : memref<10000x128xf32, #tpu.memory_space<hbm>> -> memref<10000x128xf32, #tpu.memory_space<hbm>>
        tpu.enqueue_indirect_dma source(%dma_start3A_94 : memref<10000x128xf32, #tpu.memory_space<hbm>>) target(%arg7 : memref<128x128xf32, #tpu.memory_space<vmem>>) offsets(%dma_start3A_91 : memref<128xi32, #tpu.memory_space<vmem>>) semaphore(%arg10 : memref<!tpu.dma_semaphore, #tpu.memory_space<semaphore_mem>>)
      } else {
      }
      %dma_wait3A_80 = arith.constant 0 : i32
      %dma_wait3A_81 = tpu.memref_slice %arg5[%add3A_64, %dma_wait3A_80] : memref<40x128xi32, #tpu.memory_space<vmem>> -> memref<1x128xi32, #tpu.memory_space<vmem>>
      %dma_wait3A_82 = tpu.memref_squeeze %dma_wait3A_81 : memref<1x128xi32, #tpu.memory_space<vmem>> -> memref<128xi32, #tpu.memory_space<vmem>>
      %dma_wait3A_83 = arith.constant 0 : i32
      %dma_wait3A_84 = arith.constant 0 : i32
      %dma_wait3A_85 = tpu.memref_slice %arg2[%dma_wait3A_83, %dma_wait3A_84] : memref<10000x128xf32, #tpu.memory_space<hbm>> -> memref<10000x128xf32, #tpu.memory_space<hbm>>
      tpu.wait_indirect_dma semaphore(%arg11 : memref<!tpu.dma_semaphore, #tpu.memory_space<semaphore_mem>>) src(%dma_wait3A_85 : memref<10000x128xf32, #tpu.memory_space<hbm>>) dst(%arg8 : memref<128x128xf32, #tpu.memory_space<vmem>>)
      "tpu.region"() ({
        %run_scoped3A_87 = tpu.sem_alloc : memref<!tpu.dma_semaphore, #tpu.memory_space<semaphore_mem>>
        %dma_start3A_88 = arith.constant 0 : i32
        %dma_start3A_89 = tpu.memref_slice %arg6[%add3A_64, %dma_start3A_88] : memref<40x128xi32, #tpu.memory_space<vmem>> -> memref<1x128xi32, #tpu.memory_space<vmem>>
        %dma_start3A_90 = tpu.memref_squeeze %dma_start3A_89 : memref<1x128xi32, #tpu.memory_space<vmem>> -> memref<128xi32, #tpu.memory_space<vmem>>
        %dma_start3A_91 = arith.constant 0 : i32
        %dma_start3A_92 = arith.constant 0 : i32
        %dma_start3A_93 = tpu.memref_slice %arg9[%dma_start3A_91, %dma_start3A_92] : memref<10240x128xf32, #tpu.memory_space<vmem_shared>> -> memref<10240x128xf32, #tpu.memory_space<vmem_shared>>
        tpu.enqueue_indirect_dma source(%arg8 : memref<128x128xf32, #tpu.memory_space<vmem>>) target(%dma_start3A_93 : memref<10240x128xf32, #tpu.memory_space<vmem_shared>>) offsets(%dma_start3A_90 : memref<128xi32, #tpu.memory_space<vmem>>) semaphore(%run_scoped3A_87 : memref<!tpu.dma_semaphore, #tpu.memory_space<semaphore_mem>>) {add = true}
        %dma_wait3A_94 = arith.constant 0 : i32
        %dma_wait3A_95 = tpu.memref_slice %arg6[%add3A_64, %dma_wait3A_94] : memref<40x128xi32, #tpu.memory_space<vmem>> -> memref<1x128xi32, #tpu.memory_space<vmem>>
        %dma_wait3A_96 = tpu.memref_squeeze %dma_wait3A_95 : memref<1x128xi32, #tpu.memory_space<vmem>> -> memref<128xi32, #tpu.memory_space<vmem>>
        %dma_wait3A_97 = arith.constant 0 : i32
        %dma_wait3A_98 = arith.constant 0 : i32
        %dma_wait3A_99 = tpu.memref_slice %arg9[%dma_wait3A_97, %dma_wait3A_98] : memref<10240x128xf32, #tpu.memory_space<vmem_shared>> -> memref<10240x128xf32, #tpu.memory_space<vmem_shared>>
        tpu.wait_indirect_dma semaphore(%run_scoped3A_87 : memref<!tpu.dma_semaphore, #tpu.memory_space<semaphore_mem>>) src(%arg8 : memref<128x128xf32, #tpu.memory_space<vmem>>) dst(%dma_wait3A_99 : memref<10240x128xf32, #tpu.memory_space<vmem_shared>>)
        tpu.yield
      }) : () -> ()
      %scan3A_86 = arith.constant 0 : i32
      scf.yield %scan3A_86 : i32
    }
    %scan3A_37 = arith.constant 20 : i32
    %mul3A_38 = arith.constant 80 : i32
    %mul3A_39 = arith.muli %add3A, %mul3A_38 : i32
    %add3A_40 = arith.constant 40 : i32
    %add3A_41 = arith.addi %mul3A_39, %add3A_40 : i32
    %run_scoped3A_42 = arith.constant 0 : i32
    "tpu.region"() ({
      %run_scoped3A_59 = tpu.sem_alloc : memref<!tpu.dma_semaphore, #tpu.memory_space<semaphore_mem>>
      %dma_start3A_60 = arith.constant 0 : i32
      %dma_start3A_61 = tpu.memref_slice %arg3[%run_scoped3A_42, %add3A_41, %dma_start3A_60] : memref<2x2560x128xi32, #tpu.memory_space<hbm>> -> memref<1x40x128xi32, #tpu.memory_space<hbm>>
      %dma_start3A_62 = tpu.memref_squeeze %dma_start3A_61 : memref<1x40x128xi32, #tpu.memory_space<hbm>> -> memref<40x128xi32, #tpu.memory_space<hbm>>
      %dma_start3A_63 = arith.constant 0 : i32
      %dma_start3A_64 = tpu.memref_slice %arg3[%run_scoped3A_42, %add3A_41, %dma_start3A_63] : memref<2x2560x128xi32, #tpu.memory_space<hbm>> -> memref<1x40x128xi32, #tpu.memory_space<hbm>>
      %dma_start3A_65 = tpu.memref_squeeze %dma_start3A_64 : memref<1x40x128xi32, #tpu.memory_space<hbm>> -> memref<40x128xi32, #tpu.memory_space<hbm>>
      tpu.enqueue_dma source(%dma_start3A_65 : memref<40x128xi32, #tpu.memory_space<hbm>>) target(%arg5 : memref<40x128xi32, #tpu.memory_space<vmem>>) target_semaphore(%run_scoped3A_59 : memref<!tpu.dma_semaphore, #tpu.memory_space<semaphore_mem>>)
      %dma_wait3A = arith.constant 0 : i32
      %dma_wait3A_66 = tpu.memref_slice %arg3[%run_scoped3A_42, %add3A_41, %dma_wait3A] : memref<2x2560x128xi32, #tpu.memory_space<hbm>> -> memref<1x40x128xi32, #tpu.memory_space<hbm>>
      %dma_wait3A_67 = tpu.memref_squeeze %dma_wait3A_66 : memref<1x40x128xi32, #tpu.memory_space<hbm>> -> memref<40x128xi32, #tpu.memory_space<hbm>>
      %dma_wait3A_68 = arith.constant 0 : i32
      %dma_wait3A_69 = tpu.memref_slice %arg3[%run_scoped3A_42, %add3A_41, %dma_wait3A_68] : memref<2x2560x128xi32, #tpu.memory_space<hbm>> -> memref<1x40x128xi32, #tpu.memory_space<hbm>>
      %dma_wait3A_70 = tpu.memref_squeeze %dma_wait3A_69 : memref<1x40x128xi32, #tpu.memory_space<hbm>> -> memref<40x128xi32, #tpu.memory_space<hbm>>
      tpu.wait_dma2 semaphore(%run_scoped3A_59 : memref<!tpu.dma_semaphore, #tpu.memory_space<semaphore_mem>>) src(%dma_wait3A_70 : memref<40x128xi32, #tpu.memory_space<hbm>>) dst(%arg5 : memref<40x128xi32, #tpu.memory_space<vmem>>)
      tpu.yield
    }) : () -> ()
    %run_scoped3A_43 = arith.constant 1 : i32
    "tpu.region"() ({
      %run_scoped3A_59 = tpu.sem_alloc : memref<!tpu.dma_semaphore, #tpu.memory_space<semaphore_mem>>
      %dma_start3A_60 = arith.constant 0 : i32
      %dma_start3A_61 = tpu.memref_slice %arg3[%run_scoped3A_43, %add3A_41, %dma_start3A_60] : memref<2x2560x128xi32, #tpu.memory_space<hbm>> -> memref<1x40x128xi32, #tpu.memory_space<hbm>>
      %dma_start3A_62 = tpu.memref_squeeze %dma_start3A_61 : memref<1x40x128xi32, #tpu.memory_space<hbm>> -> memref<40x128xi32, #tpu.memory_space<hbm>>
      %dma_start3A_63 = arith.constant 0 : i32
      %dma_start3A_64 = tpu.memref_slice %arg3[%run_scoped3A_43, %add3A_41, %dma_start3A_63] : memref<2x2560x128xi32, #tpu.memory_space<hbm>> -> memref<1x40x128xi32, #tpu.memory_space<hbm>>
      %dma_start3A_65 = tpu.memref_squeeze %dma_start3A_64 : memref<1x40x128xi32, #tpu.memory_space<hbm>> -> memref<40x128xi32, #tpu.memory_space<hbm>>
      tpu.enqueue_dma source(%dma_start3A_65 : memref<40x128xi32, #tpu.memory_space<hbm>>) target(%arg6 : memref<40x128xi32, #tpu.memory_space<vmem>>) target_semaphore(%run_scoped3A_59 : memref<!tpu.dma_semaphore, #tpu.memory_space<semaphore_mem>>)
      %dma_wait3A = arith.constant 0 : i32
      %dma_wait3A_66 = tpu.memref_slice %arg3[%run_scoped3A_43, %add3A_41, %dma_wait3A] : memref<2x2560x128xi32, #tpu.memory_space<hbm>> -> memref<1x40x128xi32, #tpu.memory_space<hbm>>
      %dma_wait3A_67 = tpu.memref_squeeze %dma_wait3A_66 : memref<1x40x128xi32, #tpu.memory_space<hbm>> -> memref<40x128xi32, #tpu.memory_space<hbm>>
      %dma_wait3A_68 = arith.constant 0 : i32
      %dma_wait3A_69 = tpu.memref_slice %arg3[%run_scoped3A_43, %add3A_41, %dma_wait3A_68] : memref<2x2560x128xi32, #tpu.memory_space<hbm>> -> memref<1x40x128xi32, #tpu.memory_space<hbm>>
      %dma_wait3A_70 = tpu.memref_squeeze %dma_wait3A_69 : memref<1x40x128xi32, #tpu.memory_space<hbm>> -> memref<40x128xi32, #tpu.memory_space<hbm>>
      tpu.wait_dma2 semaphore(%run_scoped3A_59 : memref<!tpu.dma_semaphore, #tpu.memory_space<semaphore_mem>>) src(%dma_wait3A_70 : memref<40x128xi32, #tpu.memory_space<hbm>>) dst(%arg6 : memref<40x128xi32, #tpu.memory_space<vmem>>)
      tpu.yield
    }) : () -> ()
    %dma_start3A_44 = arith.constant 0 : i32
    %dma_start3A_45 = arith.constant 0 : i32
    %dma_start3A_46 = tpu.memref_slice %arg5[%dma_start3A_44, %dma_start3A_45] : memref<40x128xi32, #tpu.memory_space<vmem>> -> memref<1x128xi32, #tpu.memory_space<vmem>>
    %dma_start3A_47 = tpu.memref_squeeze %dma_start3A_46 : memref<1x128xi32, #tpu.memory_space<vmem>> -> memref<128xi32, #tpu.memory_space<vmem>>
    %dma_start3A_48 = arith.constant 0 : i32
    %dma_start3A_49 = arith.constant 0 : i32
    %dma_start3A_50 = tpu.memref_slice %arg2[%dma_start3A_48, %dma_start3A_49] : memref<10000x128xf32, #tpu.memory_space<hbm>> -> memref<10000x128xf32, #tpu.memory_space<hbm>>
    tpu.enqueue_indirect_dma source(%dma_start3A_50 : memref<10000x128xf32, #tpu.memory_space<hbm>>) target(%arg7 : memref<128x128xf32, #tpu.memory_space<vmem>>) offsets(%dma_start3A_47 : memref<128xi32, #tpu.memory_space<vmem>>) semaphore(%arg10 : memref<!tpu.dma_semaphore, #tpu.memory_space<semaphore_mem>>)
    %scan3A_51 = arith.constant 0 : i32
    %scan3A_52 = arith.constant 0 : i32
    %scan3A_53 = arith.constant 20 : i32
    %scan3A_54 = arith.addi %scan3A_52, %scan3A_53 : i32
    %scan3A_55 = arith.constant 1 : i32
    %scan3A_56 = scf.for %scan3A_59 = %scan3A_52 to %scan3A_54 step %scan3A_55 iter_args(%scan3A_60 = %scan3A_51) -> (i32)  : i32 {
      %mul3A_61 = arith.constant 2 : i32
      %mul3A_62 = arith.muli %mul3A_61, %scan3A_59 : i32
      %add3A_63 = arith.constant 1 : i32
      %add3A_64 = arith.addi %mul3A_62, %add3A_63 : i32
      %dma_start3A_65 = arith.constant 0 : i32
      %dma_start3A_66 = tpu.memref_slice %arg5[%add3A_64, %dma_start3A_65] : memref<40x128xi32, #tpu.memory_space<vmem>> -> memref<1x128xi32, #tpu.memory_space<vmem>>
      %dma_start3A_67 = tpu.memref_squeeze %dma_start3A_66 : memref<1x128xi32, #tpu.memory_space<vmem>> -> memref<128xi32, #tpu.memory_space<vmem>>
      %dma_start3A_68 = arith.constant 0 : i32
      %dma_start3A_69 = arith.constant 0 : i32
      %dma_start3A_70 = tpu.memref_slice %arg2[%dma_start3A_68, %dma_start3A_69] : memref<10000x128xf32, #tpu.memory_space<hbm>> -> memref<10000x128xf32, #tpu.memory_space<hbm>>
      tpu.enqueue_indirect_dma source(%dma_start3A_70 : memref<10000x128xf32, #tpu.memory_space<hbm>>) target(%arg8 : memref<128x128xf32, #tpu.memory_space<vmem>>) offsets(%dma_start3A_67 : memref<128xi32, #tpu.memory_space<vmem>>) semaphore(%arg11 : memref<!tpu.dma_semaphore, #tpu.memory_space<semaphore_mem>>)
      %dma_wait3A = arith.constant 0 : i32
      %dma_wait3A_71 = tpu.memref_slice %arg5[%mul3A_62, %dma_wait3A] : memref<40x128xi32, #tpu.memory_space<vmem>> -> memref<1x128xi32, #tpu.memory_space<vmem>>
      %dma_wait3A_72 = tpu.memref_squeeze %dma_wait3A_71 : memref<1x128xi32, #tpu.memory_space<vmem>> -> memref<128xi32, #tpu.memory_space<vmem>>
      %dma_wait3A_73 = arith.constant 0 : i32
      %dma_wait3A_74 = arith.constant 0 : i32
      %dma_wait3A_75 = tpu.memref_slice %arg2[%dma_wait3A_73, %dma_wait3A_74] : memref<10000x128xf32, #tpu.memory_space<hbm>> -> memref<10000x128xf32, #tpu.memory_space<hbm>>
      tpu.wait_indirect_dma semaphore(%arg10 : memref<!tpu.dma_semaphore, #tpu.memory_space<semaphore_mem>>) src(%dma_wait3A_75 : memref<10000x128xf32, #tpu.memory_space<hbm>>) dst(%arg7 : memref<128x128xf32, #tpu.memory_space<vmem>>)
      "tpu.region"() ({
        %run_scoped3A_87 = tpu.sem_alloc : memref<!tpu.dma_semaphore, #tpu.memory_space<semaphore_mem>>
        %dma_start3A_88 = arith.constant 0 : i32
        %dma_start3A_89 = tpu.memref_slice %arg6[%mul3A_62, %dma_start3A_88] : memref<40x128xi32, #tpu.memory_space<vmem>> -> memref<1x128xi32, #tpu.memory_space<vmem>>
        %dma_start3A_90 = tpu.memref_squeeze %dma_start3A_89 : memref<1x128xi32, #tpu.memory_space<vmem>> -> memref<128xi32, #tpu.memory_space<vmem>>
        %dma_start3A_91 = arith.constant 0 : i32
        %dma_start3A_92 = arith.constant 0 : i32
        %dma_start3A_93 = tpu.memref_slice %arg9[%dma_start3A_91, %dma_start3A_92] : memref<10240x128xf32, #tpu.memory_space<vmem_shared>> -> memref<10240x128xf32, #tpu.memory_space<vmem_shared>>
        tpu.enqueue_indirect_dma source(%arg7 : memref<128x128xf32, #tpu.memory_space<vmem>>) target(%dma_start3A_93 : memref<10240x128xf32, #tpu.memory_space<vmem_shared>>) offsets(%dma_start3A_90 : memref<128xi32, #tpu.memory_space<vmem>>) semaphore(%run_scoped3A_87 : memref<!tpu.dma_semaphore, #tpu.memory_space<semaphore_mem>>) {add = true}
        %dma_wait3A_94 = arith.constant 0 : i32
        %dma_wait3A_95 = tpu.memref_slice %arg6[%mul3A_62, %dma_wait3A_94] : memref<40x128xi32, #tpu.memory_space<vmem>> -> memref<1x128xi32, #tpu.memory_space<vmem>>
        %dma_wait3A_96 = tpu.memref_squeeze %dma_wait3A_95 : memref<1x128xi32, #tpu.memory_space<vmem>> -> memref<128xi32, #tpu.memory_space<vmem>>
        %dma_wait3A_97 = arith.constant 0 : i32
        %dma_wait3A_98 = arith.constant 0 : i32
        %dma_wait3A_99 = tpu.memref_slice %arg9[%dma_wait3A_97, %dma_wait3A_98] : memref<10240x128xf32, #tpu.memory_space<vmem_shared>> -> memref<10240x128xf32, #tpu.memory_space<vmem_shared>>
        tpu.wait_indirect_dma semaphore(%run_scoped3A_87 : memref<!tpu.dma_semaphore, #tpu.memory_space<semaphore_mem>>) src(%arg7 : memref<128x128xf32, #tpu.memory_space<vmem>>) dst(%dma_wait3A_99 : memref<10240x128xf32, #tpu.memory_space<vmem_shared>>)
        tpu.yield
      }) : () -> ()
      %add3A_76 = arith.constant 2 : i32
      %add3A_77 = arith.addi %mul3A_62, %add3A_76 : i32
      %lt3A = arith.constant 40 : i32
      %lt3A_78 = arith.cmpi slt, %add3A_77, %lt3A : i32
      %convert_element_type3A = arith.extui %lt3A_78 : i1 to i32
      %cond3A = arith.constant 0 : i32
      %cond3A_79 = arith.cmpi ne, %convert_element_type3A, %cond3A : i32
      scf.if %cond3A_79 {
        %add3A_87 = arith.constant 2 : i32
        %add3A_88 = arith.addi %mul3A_62, %add3A_87 : i32
        %dma_start3A_89 = arith.constant 0 : i32
        %dma_start3A_90 = tpu.memref_slice %arg5[%add3A_88, %dma_start3A_89] : memref<40x128xi32, #tpu.memory_space<vmem>> -> memref<1x128xi32, #tpu.memory_space<vmem>>
        %dma_start3A_91 = tpu.memref_squeeze %dma_start3A_90 : memref<1x128xi32, #tpu.memory_space<vmem>> -> memref<128xi32, #tpu.memory_space<vmem>>
        %dma_start3A_92 = arith.constant 0 : i32
        %dma_start3A_93 = arith.constant 0 : i32
        %dma_start3A_94 = tpu.memref_slice %arg2[%dma_start3A_92, %dma_start3A_93] : memref<10000x128xf32, #tpu.memory_space<hbm>> -> memref<10000x128xf32, #tpu.memory_space<hbm>>
        tpu.enqueue_indirect_dma source(%dma_start3A_94 : memref<10000x128xf32, #tpu.memory_space<hbm>>) target(%arg7 : memref<128x128xf32, #tpu.memory_space<vmem>>) offsets(%dma_start3A_91 : memref<128xi32, #tpu.memory_space<vmem>>) semaphore(%arg10 : memref<!tpu.dma_semaphore, #tpu.memory_space<semaphore_mem>>)
      } else {
      }
      %dma_wait3A_80 = arith.constant 0 : i32
      %dma_wait3A_81 = tpu.memref_slice %arg5[%add3A_64, %dma_wait3A_80] : memref<40x128xi32, #tpu.memory_space<vmem>> -> memref<1x128xi32, #tpu.memory_space<vmem>>
      %dma_wait3A_82 = tpu.memref_squeeze %dma_wait3A_81 : memref<1x128xi32, #tpu.memory_space<vmem>> -> memref<128xi32, #tpu.memory_space<vmem>>
      %dma_wait3A_83 = arith.constant 0 : i32
      %dma_wait3A_84 = arith.constant 0 : i32
      %dma_wait3A_85 = tpu.memref_slice %arg2[%dma_wait3A_83, %dma_wait3A_84] : memref<10000x128xf32, #tpu.memory_space<hbm>> -> memref<10000x128xf32, #tpu.memory_space<hbm>>
      tpu.wait_indirect_dma semaphore(%arg11 : memref<!tpu.dma_semaphore, #tpu.memory_space<semaphore_mem>>) src(%dma_wait3A_85 : memref<10000x128xf32, #tpu.memory_space<hbm>>) dst(%arg8 : memref<128x128xf32, #tpu.memory_space<vmem>>)
      "tpu.region"() ({
        %run_scoped3A_87 = tpu.sem_alloc : memref<!tpu.dma_semaphore, #tpu.memory_space<semaphore_mem>>
        %dma_start3A_88 = arith.constant 0 : i32
        %dma_start3A_89 = tpu.memref_slice %arg6[%add3A_64, %dma_start3A_88] : memref<40x128xi32, #tpu.memory_space<vmem>> -> memref<1x128xi32, #tpu.memory_space<vmem>>
        %dma_start3A_90 = tpu.memref_squeeze %dma_start3A_89 : memref<1x128xi32, #tpu.memory_space<vmem>> -> memref<128xi32, #tpu.memory_space<vmem>>
        %dma_start3A_91 = arith.constant 0 : i32
        %dma_start3A_92 = arith.constant 0 : i32
        %dma_start3A_93 = tpu.memref_slice %arg9[%dma_start3A_91, %dma_start3A_92] : memref<10240x128xf32, #tpu.memory_space<vmem_shared>> -> memref<10240x128xf32, #tpu.memory_space<vmem_shared>>
        tpu.enqueue_indirect_dma source(%arg8 : memref<128x128xf32, #tpu.memory_space<vmem>>) target(%dma_start3A_93 : memref<10240x128xf32, #tpu.memory_space<vmem_shared>>) offsets(%dma_start3A_90 : memref<128xi32, #tpu.memory_space<vmem>>) semaphore(%run_scoped3A_87 : memref<!tpu.dma_semaphore, #tpu.memory_space<semaphore_mem>>) {add = true}
        %dma_wait3A_94 = arith.constant 0 : i32
        %dma_wait3A_95 = tpu.memref_slice %arg6[%add3A_64, %dma_wait3A_94] : memref<40x128xi32, #tpu.memory_space<vmem>> -> memref<1x128xi32, #tpu.memory_space<vmem>>
        %dma_wait3A_96 = tpu.memref_squeeze %dma_wait3A_95 : memref<1x128xi32, #tpu.memory_space<vmem>> -> memref<128xi32, #tpu.memory_space<vmem>>
        %dma_wait3A_97 = arith.constant 0 : i32
        %dma_wait3A_98 = arith.constant 0 : i32
        %dma_wait3A_99 = tpu.memref_slice %arg9[%dma_wait3A_97, %dma_wait3A_98] : memref<10240x128xf32, #tpu.memory_space<vmem_shared>> -> memref<10240x128xf32, #tpu.memory_space<vmem_shared>>
        tpu.wait_indirect_dma semaphore(%run_scoped3A_87 : memref<!tpu.dma_semaphore, #tpu.memory_space<semaphore_mem>>) src(%arg8 : memref<128x128xf32, #tpu.memory_space<vmem>>) dst(%dma_wait3A_99 : memref<10240x128xf32, #tpu.memory_space<vmem_shared>>)
        tpu.yield
      }) : () -> ()
      %scan3A_86 = arith.constant 0 : i32
      scf.yield %scan3A_86 : i32
    }
    %scan3A_57 = arith.constant 20 : i32
    %barrier3A_58 = arith.constant 0 : index
    tpu.barrier barrier_id(%barrier3A_58)
    "tpu.region"() ({
      %run_scoped3A_59 = tpu.sem_alloc : memref<!tpu.dma_semaphore, #tpu.memory_space<semaphore_mem>>
      %dma_start3A_60 = arith.constant 0 : i32
      %dma_start3A_61 = tpu.memref_slice %arg4[%arg0, %mul3A_20, %dma_start3A_60] : memref<2x10240x128xf32, #tpu.memory_space<hbm>> -> memref<1x640x128xf32, #tpu.memory_space<hbm>>
      %dma_start3A_62 = tpu.memref_squeeze %dma_start3A_61 : memref<1x640x128xf32, #tpu.memory_space<hbm>> -> memref<640x128xf32, #tpu.memory_space<hbm>>
      %dma_start3A_63 = arith.constant 0 : i32
      %dma_start3A_64 = tpu.memref_slice %arg9[%mul3A_20, %dma_start3A_63] : memref<10240x128xf32, #tpu.memory_space<vmem_shared>> -> memref<640x128xf32, #tpu.memory_space<vmem_shared>>
      tpu.enqueue_dma source(%dma_start3A_64 : memref<640x128xf32, #tpu.memory_space<vmem_shared>>) target(%dma_start3A_62 : memref<640x128xf32, #tpu.memory_space<hbm>>) target_semaphore(%run_scoped3A_59 : memref<!tpu.dma_semaphore, #tpu.memory_space<semaphore_mem>>)
      %dma_wait3A = arith.constant 0 : i32
      %dma_wait3A_65 = tpu.memref_slice %arg4[%arg0, %mul3A_20, %dma_wait3A] : memref<2x10240x128xf32, #tpu.memory_space<hbm>> -> memref<1x640x128xf32, #tpu.memory_space<hbm>>
      %dma_wait3A_66 = tpu.memref_squeeze %dma_wait3A_65 : memref<1x640x128xf32, #tpu.memory_space<hbm>> -> memref<640x128xf32, #tpu.memory_space<hbm>>
      %dma_wait3A_67 = arith.constant 0 : i32
      %dma_wait3A_68 = tpu.memref_slice %arg9[%mul3A_20, %dma_wait3A_67] : memref<10240x128xf32, #tpu.memory_space<vmem_shared>> -> memref<640x128xf32, #tpu.memory_space<vmem_shared>>
      tpu.wait_dma2 semaphore(%run_scoped3A_59 : memref<!tpu.dma_semaphore, #tpu.memory_space<semaphore_mem>>) src(%dma_wait3A_68 : memref<640x128xf32, #tpu.memory_space<vmem_shared>>) dst(%dma_wait3A_66 : memref<640x128xf32, #tpu.memory_space<hbm>>)
      tpu.yield
    }) : () -> ()
    return
  }
}

#map = affine_map<(d0, d1) -> (0, 0, 0)>
#map1 = affine_map<(d0, d1) -> (0, 0)>
module attributes {stable_mosaic.version = 14 : i64} {
  func.func @_deg_kernel(%arg0: i32, %arg1: i32, %arg2: memref<2x2560x128xi32, #tpu.memory_space<hbm>>, %arg3: memref<2x10240xf32, #tpu.memory_space<hbm>>, %arg4: memref<80x128xi32, #tpu.memory_space<vmem>>, %arg5: memref<128xf32, #tpu.memory_space<vmem>>, %arg6: memref<128xf32, #tpu.memory_space<vmem>>, %arg7: memref<10240xf32, #tpu.memory_space<vmem_shared>>) attributes {dimension_semantics = [#tpu.dimension_semantics<core_parallel>, #tpu.dimension_semantics<subcore_parallel>], iteration_bounds = array<i64: 2, 16>, scalar_prefetch = 0 : i64, scratch_operands = 4 : i64, tpu.core_type = #tpu.core_type<sc_vector_subcore>, window_params = [{transform_indices = #map}, {transform_indices = #map1}]} {
    %mul3A = arith.constant 2 : i32
    %mul3A_0 = arith.muli %arg1, %mul3A : i32
    %add3A = arith.addi %mul3A_0, %arg0 : i32
    %mul3A_1 = arith.constant 80 : i32
    %mul3A_2 = arith.muli %add3A, %mul3A_1 : i32
    %run_scoped3A = arith.constant 1 : i32
    "tpu.region"() ({
      %run_scoped3A_88 = tpu.sem_alloc : memref<!tpu.dma_semaphore, #tpu.memory_space<semaphore_mem>>
      %dma_start3A = arith.constant 0 : i32
      %dma_start3A_89 = tpu.memref_slice %arg2[%run_scoped3A, %mul3A_2, %dma_start3A] : memref<2x2560x128xi32, #tpu.memory_space<hbm>> -> memref<1x80x128xi32, #tpu.memory_space<hbm>>
      %dma_start3A_90 = tpu.memref_squeeze %dma_start3A_89 : memref<1x80x128xi32, #tpu.memory_space<hbm>> -> memref<80x128xi32, #tpu.memory_space<hbm>>
      %dma_start3A_91 = arith.constant 0 : i32
      %dma_start3A_92 = tpu.memref_slice %arg2[%run_scoped3A, %mul3A_2, %dma_start3A_91] : memref<2x2560x128xi32, #tpu.memory_space<hbm>> -> memref<1x80x128xi32, #tpu.memory_space<hbm>>
      %dma_start3A_93 = tpu.memref_squeeze %dma_start3A_92 : memref<1x80x128xi32, #tpu.memory_space<hbm>> -> memref<80x128xi32, #tpu.memory_space<hbm>>
      tpu.enqueue_dma source(%dma_start3A_93 : memref<80x128xi32, #tpu.memory_space<hbm>>) target(%arg4 : memref<80x128xi32, #tpu.memory_space<vmem>>) target_semaphore(%run_scoped3A_88 : memref<!tpu.dma_semaphore, #tpu.memory_space<semaphore_mem>>)
      %dma_wait3A = arith.constant 0 : i32
      %dma_wait3A_94 = tpu.memref_slice %arg2[%run_scoped3A, %mul3A_2, %dma_wait3A] : memref<2x2560x128xi32, #tpu.memory_space<hbm>> -> memref<1x80x128xi32, #tpu.memory_space<hbm>>
      %dma_wait3A_95 = tpu.memref_squeeze %dma_wait3A_94 : memref<1x80x128xi32, #tpu.memory_space<hbm>> -> memref<80x128xi32, #tpu.memory_space<hbm>>
      %dma_wait3A_96 = arith.constant 0 : i32
      %dma_wait3A_97 = tpu.memref_slice %arg2[%run_scoped3A, %mul3A_2, %dma_wait3A_96] : memref<2x2560x128xi32, #tpu.memory_space<hbm>> -> memref<1x80x128xi32, #tpu.memory_space<hbm>>
      %dma_wait3A_98 = tpu.memref_squeeze %dma_wait3A_97 : memref<1x80x128xi32, #tpu.memory_space<hbm>> -> memref<80x128xi32, #tpu.memory_space<hbm>>
      tpu.wait_dma2 semaphore(%run_scoped3A_88 : memref<!tpu.dma_semaphore, #tpu.memory_space<semaphore_mem>>) src(%dma_wait3A_98 : memref<80x128xi32, #tpu.memory_space<hbm>>) dst(%arg4 : memref<80x128xi32, #tpu.memory_space<vmem>>)
      tpu.yield
    }) : () -> ()
    %broadcast_in_dim3A = arith.constant 1.000000e+00 : f32
    %broadcast_in_dim3A_3 = vector.broadcast %broadcast_in_dim3A : f32 to vector<16xf32>
    %broadcast_in_dim3A_4 = arith.constant 0.000000e+00 : f32
    %broadcast_in_dim3A_5 = vector.broadcast %broadcast_in_dim3A_4 : f32 to vector<16xf32>
    %swap3A = arith.constant 0 : index
    %swap3A_6 = tpu.vector_load %arg5[%swap3A] {strides = array<i32>} : memref<128xf32, #tpu.memory_space<vmem>>, vector<16xf32>,
    %swap3A_7 = vector.shape_cast %swap3A_6 : vector<16xf32> to vector<16xf32>
    %swap3A_8 = vector.shape_cast %broadcast_in_dim3A_3 : vector<16xf32> to vector<16xf32>
    tpu.vector_store %arg5[%swap3A], %swap3A_8 {strides = array<i32>} : memref<128xf32, #tpu.memory_space<vmem>>, vector<16xf32>,
    %swap3A_9 = arith.constant 0 : index
    %swap3A_10 = tpu.vector_load %arg6[%swap3A_9] {strides = array<i32>} : memref<128xf32, #tpu.memory_space<vmem>>, vector<16xf32>,
    %swap3A_11 = vector.shape_cast %swap3A_10 : vector<16xf32> to vector<16xf32>
    %swap3A_12 = vector.shape_cast %broadcast_in_dim3A_5 : vector<16xf32> to vector<16xf32>
    tpu.vector_store %arg6[%swap3A_9], %swap3A_12 {strides = array<i32>} : memref<128xf32, #tpu.memory_space<vmem>>, vector<16xf32>,
    %swap3A_13 = arith.constant 16 : index
    %swap3A_14 = tpu.vector_load %arg5[%swap3A_13] {strides = array<i32>} : memref<128xf32, #tpu.memory_space<vmem>>, vector<16xf32>,
    %swap3A_15 = vector.shape_cast %swap3A_14 : vector<16xf32> to vector<16xf32>
    %swap3A_16 = vector.shape_cast %broadcast_in_dim3A_3 : vector<16xf32> to vector<16xf32>
    tpu.vector_store %arg5[%swap3A_13], %swap3A_16 {strides = array<i32>} : memref<128xf32, #tpu.memory_space<vmem>>, vector<16xf32>,
    %swap3A_17 = arith.constant 16 : index
    %swap3A_18 = tpu.vector_load %arg6[%swap3A_17] {strides = array<i32>} : memref<128xf32, #tpu.memory_space<vmem>>, vector<16xf32>,
    %swap3A_19 = vector.shape_cast %swap3A_18 : vector<16xf32> to vector<16xf32>
    %swap3A_20 = vector.shape_cast %broadcast_in_dim3A_5 : vector<16xf32> to vector<16xf32>
    tpu.vector_store %arg6[%swap3A_17], %swap3A_20 {strides = array<i32>} : memref<128xf32, #tpu.memory_space<vmem>>, vector<16xf32>,
    %swap3A_21 = arith.constant 32 : index
    %swap3A_22 = tpu.vector_load %arg5[%swap3A_21] {strides = array<i32>} : memref<128xf32, #tpu.memory_space<vmem>>, vector<16xf32>,
    %swap3A_23 = vector.shape_cast %swap3A_22 : vector<16xf32> to vector<16xf32>
    %swap3A_24 = vector.shape_cast %broadcast_in_dim3A_3 : vector<16xf32> to vector<16xf32>
    tpu.vector_store %arg5[%swap3A_21], %swap3A_24 {strides = array<i32>} : memref<128xf32, #tpu.memory_space<vmem>>, vector<16xf32>,
    %swap3A_25 = arith.constant 32 : index
    %swap3A_26 = tpu.vector_load %arg6[%swap3A_25] {strides = array<i32>} : memref<128xf32, #tpu.memory_space<vmem>>, vector<16xf32>,
    %swap3A_27 = vector.shape_cast %swap3A_26 : vector<16xf32> to vector<16xf32>
    %swap3A_28 = vector.shape_cast %broadcast_in_dim3A_5 : vector<16xf32> to vector<16xf32>
    tpu.vector_store %arg6[%swap3A_25], %swap3A_28 {strides = array<i32>} : memref<128xf32, #tpu.memory_space<vmem>>, vector<16xf32>,
    %swap3A_29 = arith.constant 48 : index
    %swap3A_30 = tpu.vector_load %arg5[%swap3A_29] {strides = array<i32>} : memref<128xf32, #tpu.memory_space<vmem>>, vector<16xf32>,
    %swap3A_31 = vector.shape_cast %swap3A_30 : vector<16xf32> to vector<16xf32>
    %swap3A_32 = vector.shape_cast %broadcast_in_dim3A_3 : vector<16xf32> to vector<16xf32>
    tpu.vector_store %arg5[%swap3A_29], %swap3A_32 {strides = array<i32>} : memref<128xf32, #tpu.memory_space<vmem>>, vector<16xf32>,
    %swap3A_33 = arith.constant 48 : index
    %swap3A_34 = tpu.vector_load %arg6[%swap3A_33] {strides = array<i32>} : memref<128xf32, #tpu.memory_space<vmem>>, vector<16xf32>,
    %swap3A_35 = vector.shape_cast %swap3A_34 : vector<16xf32> to vector<16xf32>
    %swap3A_36 = vector.shape_cast %broadcast_in_dim3A_5 : vector<16xf32> to vector<16xf32>
    tpu.vector_store %arg6[%swap3A_33], %swap3A_36 {strides = array<i32>} : memref<128xf32, #tpu.memory_space<vmem>>, vector<16xf32>,
    %swap3A_37 = arith.constant 64 : index
    %swap3A_38 = tpu.vector_load %arg5[%swap3A_37] {strides = array<i32>} : memref<128xf32, #tpu.memory_space<vmem>>, vector<16xf32>,
    %swap3A_39 = vector.shape_cast %swap3A_38 : vector<16xf32> to vector<16xf32>
    %swap3A_40 = vector.shape_cast %broadcast_in_dim3A_3 : vector<16xf32> to vector<16xf32>
    tpu.vector_store %arg5[%swap3A_37], %swap3A_40 {strides = array<i32>} : memref<128xf32, #tpu.memory_space<vmem>>, vector<16xf32>,
    %swap3A_41 = arith.constant 64 : index
    %swap3A_42 = tpu.vector_load %arg6[%swap3A_41] {strides = array<i32>} : memref<128xf32, #tpu.memory_space<vmem>>, vector<16xf32>,
    %swap3A_43 = vector.shape_cast %swap3A_42 : vector<16xf32> to vector<16xf32>
    %swap3A_44 = vector.shape_cast %broadcast_in_dim3A_5 : vector<16xf32> to vector<16xf32>
    tpu.vector_store %arg6[%swap3A_41], %swap3A_44 {strides = array<i32>} : memref<128xf32, #tpu.memory_space<vmem>>, vector<16xf32>,
    %swap3A_45 = arith.constant 80 : index
    %swap3A_46 = tpu.vector_load %arg5[%swap3A_45] {strides = array<i32>} : memref<128xf32, #tpu.memory_space<vmem>>, vector<16xf32>,
    %swap3A_47 = vector.shape_cast %swap3A_46 : vector<16xf32> to vector<16xf32>
    %swap3A_48 = vector.shape_cast %broadcast_in_dim3A_3 : vector<16xf32> to vector<16xf32>
    tpu.vector_store %arg5[%swap3A_45], %swap3A_48 {strides = array<i32>} : memref<128xf32, #tpu.memory_space<vmem>>, vector<16xf32>,
    %swap3A_49 = arith.constant 80 : index
    %swap3A_50 = tpu.vector_load %arg6[%swap3A_49] {strides = array<i32>} : memref<128xf32, #tpu.memory_space<vmem>>, vector<16xf32>,
    %swap3A_51 = vector.shape_cast %swap3A_50 : vector<16xf32> to vector<16xf32>
    %swap3A_52 = vector.shape_cast %broadcast_in_dim3A_5 : vector<16xf32> to vector<16xf32>
    tpu.vector_store %arg6[%swap3A_49], %swap3A_52 {strides = array<i32>} : memref<128xf32, #tpu.memory_space<vmem>>, vector<16xf32>,
    %swap3A_53 = arith.constant 96 : index
    %swap3A_54 = tpu.vector_load %arg5[%swap3A_53] {strides = array<i32>} : memref<128xf32, #tpu.memory_space<vmem>>, vector<16xf32>,
    %swap3A_55 = vector.shape_cast %swap3A_54 : vector<16xf32> to vector<16xf32>
    %swap3A_56 = vector.shape_cast %broadcast_in_dim3A_3 : vector<16xf32> to vector<16xf32>
    tpu.vector_store %arg5[%swap3A_53], %swap3A_56 {strides = array<i32>} : memref<128xf32, #tpu.memory_space<vmem>>, vector<16xf32>,
    %swap3A_57 = arith.constant 96 : index
    %swap3A_58 = tpu.vector_load %arg6[%swap3A_57] {strides = array<i32>} : memref<128xf32, #tpu.memory_space<vmem>>, vector<16xf32>,
    %swap3A_59 = vector.shape_cast %swap3A_58 : vector<16xf32> to vector<16xf32>
    %swap3A_60 = vector.shape_cast %broadcast_in_dim3A_5 : vector<16xf32> to vector<16xf32>
    tpu.vector_store %arg6[%swap3A_57], %swap3A_60 {strides = array<i32>} : memref<128xf32, #tpu.memory_space<vmem>>, vector<16xf32>,
    %swap3A_61 = arith.constant 112 : index
    %swap3A_62 = tpu.vector_load %arg5[%swap3A_61] {strides = array<i32>} : memref<128xf32, #tpu.memory_space<vmem>>, vector<16xf32>,
    %swap3A_63 = vector.shape_cast %swap3A_62 : vector<16xf32> to vector<16xf32>
    %swap3A_64 = vector.shape_cast %broadcast_in_dim3A_3 : vector<16xf32> to vector<16xf32>
    tpu.vector_store %arg5[%swap3A_61], %swap3A_64 {strides = array<i32>} : memref<128xf32, #tpu.memory_space<vmem>>, vector<16xf32>,
    %swap3A_65 = arith.constant 112 : index
    %swap3A_66 = tpu.vector_load %arg6[%swap3A_65] {strides = array<i32>} : memref<128xf32, #tpu.memory_space<vmem>>, vector<16xf32>,
    %swap3A_67 = vector.shape_cast %swap3A_66 : vector<16xf32> to vector<16xf32>
    %swap3A_68 = vector.shape_cast %broadcast_in_dim3A_5 : vector<16xf32> to vector<16xf32>
    tpu.vector_store %arg6[%swap3A_65], %swap3A_68 {strides = array<i32>} : memref<128xf32, #tpu.memory_space<vmem>>, vector<16xf32>,
    %mul3A_69 = arith.constant 640 : i32
    %mul3A_70 = arith.muli %arg1, %mul3A_69 : i32
    %add3A_71 = arith.constant 0 : i32
    %add3A_72 = arith.addi %mul3A_70, %add3A_71 : i32
    "tpu.region"() ({
      %run_scoped3A_88 = tpu.sem_alloc : memref<!tpu.dma_semaphore, #tpu.memory_space<semaphore_mem>>
      %dma_start3A = tpu.memref_slice %arg7[%add3A_72] : memref<10240xf32, #tpu.memory_space<vmem_shared>> -> memref<128xf32, #tpu.memory_space<vmem_shared>>
      %dma_start3A_89 = tpu.memref_slice %arg7[%add3A_72] : memref<10240xf32, #tpu.memory_space<vmem_shared>> -> memref<128xf32, #tpu.memory_space<vmem_shared>>
      tpu.enqueue_dma source(%arg6 : memref<128xf32, #tpu.memory_space<vmem>>) target(%dma_start3A_89 : memref<128xf32, #tpu.memory_space<vmem_shared>>) target_semaphore(%run_scoped3A_88 : memref<!tpu.dma_semaphore, #tpu.memory_space<semaphore_mem>>)
      %dma_wait3A = tpu.memref_slice %arg7[%add3A_72] : memref<10240xf32, #tpu.memory_space<vmem_shared>> -> memref<128xf32, #tpu.memory_space<vmem_shared>>
      %dma_wait3A_90 = tpu.memref_slice %arg7[%add3A_72] : memref<10240xf32, #tpu.memory_space<vmem_shared>> -> memref<128xf32, #tpu.memory_space<vmem_shared>>
      tpu.wait_dma2 semaphore(%run_scoped3A_88 : memref<!tpu.dma_semaphore, #tpu.memory_space<semaphore_mem>>) src(%arg6 : memref<128xf32, #tpu.memory_space<vmem>>) dst(%dma_wait3A_90 : memref<128xf32, #tpu.memory_space<vmem_shared>>)
      tpu.yield
    }) : () -> ()
    %add3A_73 = arith.constant 128 : i32
    %add3A_74 = arith.addi %mul3A_70, %add3A_73 : i32
    "tpu.region"() ({
      %run_scoped3A_88 = tpu.sem_alloc : memref<!tpu.dma_semaphore, #tpu.memory_space<semaphore_mem>>
      %dma_start3A = tpu.memref_slice %arg7[%add3A_74] : memref<10240xf32, #tpu.memory_space<vmem_shared>> -> memref<128xf32, #tpu.memory_space<vmem_shared>>
      %dma_start3A_89 = tpu.memref_slice %arg7[%add3A_74] : memref<10240xf32, #tpu.memory_space<vmem_shared>> -> memref<128xf32, #tpu.memory_space<vmem_shared>>
      tpu.enqueue_dma source(%arg6 : memref<128xf32, #tpu.memory_space<vmem>>) target(%dma_start3A_89 : memref<128xf32, #tpu.memory_space<vmem_shared>>) target_semaphore(%run_scoped3A_88 : memref<!tpu.dma_semaphore, #tpu.memory_space<semaphore_mem>>)
      %dma_wait3A = tpu.memref_slice %arg7[%add3A_74] : memref<10240xf32, #tpu.memory_space<vmem_shared>> -> memref<128xf32, #tpu.memory_space<vmem_shared>>
      %dma_wait3A_90 = tpu.memref_slice %arg7[%add3A_74] : memref<10240xf32, #tpu.memory_space<vmem_shared>> -> memref<128xf32, #tpu.memory_space<vmem_shared>>
      tpu.wait_dma2 semaphore(%run_scoped3A_88 : memref<!tpu.dma_semaphore, #tpu.memory_space<semaphore_mem>>) src(%arg6 : memref<128xf32, #tpu.memory_space<vmem>>) dst(%dma_wait3A_90 : memref<128xf32, #tpu.memory_space<vmem_shared>>)
      tpu.yield
    }) : () -> ()
    %add3A_75 = arith.constant 256 : i32
    %add3A_76 = arith.addi %mul3A_70, %add3A_75 : i32
    "tpu.region"() ({
      %run_scoped3A_88 = tpu.sem_alloc : memref<!tpu.dma_semaphore, #tpu.memory_space<semaphore_mem>>
      %dma_start3A = tpu.memref_slice %arg7[%add3A_76] : memref<10240xf32, #tpu.memory_space<vmem_shared>> -> memref<128xf32, #tpu.memory_space<vmem_shared>>
      %dma_start3A_89 = tpu.memref_slice %arg7[%add3A_76] : memref<10240xf32, #tpu.memory_space<vmem_shared>> -> memref<128xf32, #tpu.memory_space<vmem_shared>>
      tpu.enqueue_dma source(%arg6 : memref<128xf32, #tpu.memory_space<vmem>>) target(%dma_start3A_89 : memref<128xf32, #tpu.memory_space<vmem_shared>>) target_semaphore(%run_scoped3A_88 : memref<!tpu.dma_semaphore, #tpu.memory_space<semaphore_mem>>)
      %dma_wait3A = tpu.memref_slice %arg7[%add3A_76] : memref<10240xf32, #tpu.memory_space<vmem_shared>> -> memref<128xf32, #tpu.memory_space<vmem_shared>>
      %dma_wait3A_90 = tpu.memref_slice %arg7[%add3A_76] : memref<10240xf32, #tpu.memory_space<vmem_shared>> -> memref<128xf32, #tpu.memory_space<vmem_shared>>
      tpu.wait_dma2 semaphore(%run_scoped3A_88 : memref<!tpu.dma_semaphore, #tpu.memory_space<semaphore_mem>>) src(%arg6 : memref<128xf32, #tpu.memory_space<vmem>>) dst(%dma_wait3A_90 : memref<128xf32, #tpu.memory_space<vmem_shared>>)
      tpu.yield
    }) : () -> ()
    %add3A_77 = arith.constant 384 : i32
    %add3A_78 = arith.addi %mul3A_70, %add3A_77 : i32
    "tpu.region"() ({
      %run_scoped3A_88 = tpu.sem_alloc : memref<!tpu.dma_semaphore, #tpu.memory_space<semaphore_mem>>
      %dma_start3A = tpu.memref_slice %arg7[%add3A_78] : memref<10240xf32, #tpu.memory_space<vmem_shared>> -> memref<128xf32, #tpu.memory_space<vmem_shared>>
      %dma_start3A_89 = tpu.memref_slice %arg7[%add3A_78] : memref<10240xf32, #tpu.memory_space<vmem_shared>> -> memref<128xf32, #tpu.memory_space<vmem_shared>>
      tpu.enqueue_dma source(%arg6 : memref<128xf32, #tpu.memory_space<vmem>>) target(%dma_start3A_89 : memref<128xf32, #tpu.memory_space<vmem_shared>>) target_semaphore(%run_scoped3A_88 : memref<!tpu.dma_semaphore, #tpu.memory_space<semaphore_mem>>)
      %dma_wait3A = tpu.memref_slice %arg7[%add3A_78] : memref<10240xf32, #tpu.memory_space<vmem_shared>> -> memref<128xf32, #tpu.memory_space<vmem_shared>>
      %dma_wait3A_90 = tpu.memref_slice %arg7[%add3A_78] : memref<10240xf32, #tpu.memory_space<vmem_shared>> -> memref<128xf32, #tpu.memory_space<vmem_shared>>
      tpu.wait_dma2 semaphore(%run_scoped3A_88 : memref<!tpu.dma_semaphore, #tpu.memory_space<semaphore_mem>>) src(%arg6 : memref<128xf32, #tpu.memory_space<vmem>>) dst(%dma_wait3A_90 : memref<128xf32, #tpu.memory_space<vmem_shared>>)
      tpu.yield
    }) : () -> ()
    %add3A_79 = arith.constant 512 : i32
    %add3A_80 = arith.addi %mul3A_70, %add3A_79 : i32
    "tpu.region"() ({
      %run_scoped3A_88 = tpu.sem_alloc : memref<!tpu.dma_semaphore, #tpu.memory_space<semaphore_mem>>
      %dma_start3A = tpu.memref_slice %arg7[%add3A_80] : memref<10240xf32, #tpu.memory_space<vmem_shared>> -> memref<128xf32, #tpu.memory_space<vmem_shared>>
      %dma_start3A_89 = tpu.memref_slice %arg7[%add3A_80] : memref<10240xf32, #tpu.memory_space<vmem_shared>> -> memref<128xf32, #tpu.memory_space<vmem_shared>>
      tpu.enqueue_dma source(%arg6 : memref<128xf32, #tpu.memory_space<vmem>>) target(%dma_start3A_89 : memref<128xf32, #tpu.memory_space<vmem_shared>>) target_semaphore(%run_scoped3A_88 : memref<!tpu.dma_semaphore, #tpu.memory_space<semaphore_mem>>)
      %dma_wait3A = tpu.memref_slice %arg7[%add3A_80] : memref<10240xf32, #tpu.memory_space<vmem_shared>> -> memref<128xf32, #tpu.memory_space<vmem_shared>>
      %dma_wait3A_90 = tpu.memref_slice %arg7[%add3A_80] : memref<10240xf32, #tpu.memory_space<vmem_shared>> -> memref<128xf32, #tpu.memory_space<vmem_shared>>
      tpu.wait_dma2 semaphore(%run_scoped3A_88 : memref<!tpu.dma_semaphore, #tpu.memory_space<semaphore_mem>>) src(%arg6 : memref<128xf32, #tpu.memory_space<vmem>>) dst(%dma_wait3A_90 : memref<128xf32, #tpu.memory_space<vmem_shared>>)
      tpu.yield
    }) : () -> ()
    %barrier3A = arith.constant 0 : index
    tpu.barrier barrier_id(%barrier3A)
    %scan3A = arith.constant 0 : i32
    %scan3A_81 = arith.constant 0 : i32
    %scan3A_82 = arith.constant 80 : i32
    %scan3A_83 = arith.addi %scan3A_81, %scan3A_82 : i32
    %scan3A_84 = arith.constant 1 : i32
    %scan3A_85 = scf.for %scan3A_88 = %scan3A_81 to %scan3A_83 step %scan3A_84 iter_args(%scan3A_89 = %scan3A) -> (i32)  : i32 {
      "tpu.region"() ({
        %run_scoped3A_91 = tpu.sem_alloc : memref<!tpu.dma_semaphore, #tpu.memory_space<semaphore_mem>>
        %dma_start3A = arith.constant 0 : i32
        %dma_start3A_92 = tpu.memref_slice %arg4[%scan3A_88, %dma_start3A] : memref<80x128xi32, #tpu.memory_space<vmem>> -> memref<1x128xi32, #tpu.memory_space<vmem>>
        %dma_start3A_93 = tpu.memref_squeeze %dma_start3A_92 : memref<1x128xi32, #tpu.memory_space<vmem>> -> memref<128xi32, #tpu.memory_space<vmem>>
        %dma_start3A_94 = arith.constant 0 : i32
        %dma_start3A_95 = tpu.memref_slice %arg7[%dma_start3A_94] : memref<10240xf32, #tpu.memory_space<vmem_shared>> -> memref<10240xf32, #tpu.memory_space<vmem_shared>>
        tpu.enqueue_indirect_dma source(%arg5 : memref<128xf32, #tpu.memory_space<vmem>>) target(%dma_start3A_95 : memref<10240xf32, #tpu.memory_space<vmem_shared>>) offsets(%dma_start3A_93 : memref<128xi32, #tpu.memory_space<vmem>>) semaphore(%run_scoped3A_91 : memref<!tpu.dma_semaphore, #tpu.memory_space<semaphore_mem>>) {add = true}
        %dma_wait3A = arith.constant 0 : i32
        %dma_wait3A_96 = tpu.memref_slice %arg4[%scan3A_88, %dma_wait3A] : memref<80x128xi32, #tpu.memory_space<vmem>> -> memref<1x128xi32, #tpu.memory_space<vmem>>
        %dma_wait3A_97 = tpu.memref_squeeze %dma_wait3A_96 : memref<1x128xi32, #tpu.memory_space<vmem>> -> memref<128xi32, #tpu.memory_space<vmem>>
        %dma_wait3A_98 = arith.constant 0 : i32
        %dma_wait3A_99 = tpu.memref_slice %arg7[%dma_wait3A_98] : memref<10240xf32, #tpu.memory_space<vmem_shared>> -> memref<10240xf32, #tpu.memory_space<vmem_shared>>
        tpu.wait_indirect_dma semaphore(%run_scoped3A_91 : memref<!tpu.dma_semaphore, #tpu.memory_space<semaphore_mem>>) src(%arg5 : memref<128xf32, #tpu.memory_space<vmem>>) dst(%dma_wait3A_99 : memref<10240xf32, #tpu.memory_space<vmem_shared>>)
        tpu.yield
      }) : () -> ()
      %scan3A_90 = arith.constant 0 : i32
      scf.yield %scan3A_90 : i32
    }
    %scan3A_86 = arith.constant 80 : i32
    %barrier3A_87 = arith.constant 0 : index
    tpu.barrier barrier_id(%barrier3A_87)
    "tpu.region"() ({
      %run_scoped3A_88 = tpu.sem_alloc : memref<!tpu.dma_semaphore, #tpu.memory_space<semaphore_mem>>
      %dma_start3A = tpu.memref_slice %arg3[%arg0, %mul3A_70] : memref<2x10240xf32, #tpu.memory_space<hbm>> -> memref<1x640xf32, #tpu.memory_space<hbm>>
      %dma_start3A_89 = tpu.memref_squeeze %dma_start3A : memref<1x640xf32, #tpu.memory_space<hbm>> -> memref<640xf32, #tpu.memory_space<hbm>>
      %dma_start3A_90 = tpu.memref_slice %arg7[%mul3A_70] : memref<10240xf32, #tpu.memory_space<vmem_shared>> -> memref<640xf32, #tpu.memory_space<vmem_shared>>
      tpu.enqueue_dma source(%dma_start3A_90 : memref<640xf32, #tpu.memory_space<vmem_shared>>) target(%dma_start3A_89 : memref<640xf32, #tpu.memory_space<hbm>>) target_semaphore(%run_scoped3A_88 : memref<!tpu.dma_semaphore, #tpu.memory_space<semaphore_mem>>)
      %dma_wait3A = tpu.memref_slice %arg3[%arg0, %mul3A_70] : memref<2x10240xf32, #tpu.memory_space<hbm>> -> memref<1x640xf32, #tpu.memory_space<hbm>>
      %dma_wait3A_91 = tpu.memref_squeeze %dma_wait3A : memref<1x640xf32, #tpu.memory_space<hbm>> -> memref<640xf32, #tpu.memory_space<hbm>>
      %dma_wait3A_92 = tpu.memref_slice %arg7[%mul3A_70] : memref<10240xf32, #tpu.memory_space<vmem_shared>> -> memref<640xf32, #tpu.memory_space<vmem_shared>>
      tpu.wait_dma2 semaphore(%run_scoped3A_88 : memref<!tpu.dma_semaphore, #tpu.memory_space<semaphore_mem>>) src(%dma_wait3A_92 : memref<640xf32, #tpu.memory_space<vmem_shared>>) dst(%dma_wait3A_91 : memref<640xf32, #tpu.memory_space<hbm>>)
      tpu.yield
    }) : () -> ()
    return
  }
}

#map = affine_map<(d0, d1) -> (0, 0)>
#map1 = affine_map<(d0, d1) -> (0, 0, 0)>
module attributes {stable_mosaic.version = 14 : i64} {
  func.func @_scatter_kernel(%arg0: i32, %arg1: i32, %arg2: memref<10000x128xf32, #tpu.memory_space<hbm>>, %arg3: memref<2x2560x128xi32, #tpu.memory_space<hbm>>, %arg4: memref<2x10240x128xf32, #tpu.memory_space<hbm>>, %arg5: memref<40x128xi32, #tpu.memory_space<vmem>>, %arg6: memref<40x128xi32, #tpu.memory_space<vmem>>, %arg7: memref<128x128xf32, #tpu.memory_space<vmem>>, %arg8: memref<128x128xf32, #tpu.memory_space<vmem>>, %arg9: memref<10240x128xf32, #tpu.memory_space<vmem_shared>>, %arg10: memref<!tpu.dma_semaphore, #tpu.memory_space<semaphore_mem>>, %arg11: memref<!tpu.dma_semaphore, #tpu.memory_space<semaphore_mem>>) attributes {dimension_semantics = [#tpu.dimension_semantics<core_parallel>, #tpu.dimension_semantics<subcore_parallel>], iteration_bounds = array<i64: 2, 16>, scalar_prefetch = 0 : i64, scratch_operands = 7 : i64, tpu.core_type = #tpu.core_type<sc_vector_subcore>, window_params = [{transform_indices = #map}, {transform_indices = #map1}, {transform_indices = #map1}]} {
    %mul3A = arith.constant 2 : i32
    %mul3A_0 = arith.muli %arg1, %mul3A : i32
    %add3A = arith.addi %mul3A_0, %arg0 : i32
    %mul3A_1 = arith.constant 80 : i32
    %mul3A_2 = arith.muli %add3A, %mul3A_1 : i32
    %add3A_3 = arith.constant 0 : i32
    %add3A_4 = arith.addi %mul3A_2, %add3A_3 : i32
    %run_scoped3A = arith.constant 0 : i32
    "tpu.region"() ({
      %run_scoped3A_59 = tpu.sem_alloc : memref<!tpu.dma_semaphore, #tpu.memory_space<semaphore_mem>>
      %dma_start3A_60 = arith.constant 0 : i32
      %dma_start3A_61 = tpu.memref_slice %arg3[%run_scoped3A, %add3A_4, %dma_start3A_60] : memref<2x2560x128xi32, #tpu.memory_space<hbm>> -> memref<1x40x128xi32, #tpu.memory_space<hbm>>
      %dma_start3A_62 = tpu.memref_squeeze %dma_start3A_61 : memref<1x40x128xi32, #tpu.memory_space<hbm>> -> memref<40x128xi32, #tpu.memory_space<hbm>>
      %dma_start3A_63 = arith.constant 0 : i32
      %dma_start3A_64 = tpu.memref_slice %arg3[%run_scoped3A, %add3A_4, %dma_start3A_63] : memref<2x2560x128xi32, #tpu.memory_space<hbm>> -> memref<1x40x128xi32, #tpu.memory_space<hbm>>
      %dma_start3A_65 = tpu.memref_squeeze %dma_start3A_64 : memref<1x40x128xi32, #tpu.memory_space<hbm>> -> memref<40x128xi32, #tpu.memory_space<hbm>>
      tpu.enqueue_dma source(%dma_start3A_65 : memref<40x128xi32, #tpu.memory_space<hbm>>) target(%arg5 : memref<40x128xi32, #tpu.memory_space<vmem>>) target_semaphore(%run_scoped3A_59 : memref<!tpu.dma_semaphore, #tpu.memory_space<semaphore_mem>>)
      %dma_wait3A = arith.constant 0 : i32
      %dma_wait3A_66 = tpu.memref_slice %arg3[%run_scoped3A, %add3A_4, %dma_wait3A] : memref<2x2560x128xi32, #tpu.memory_space<hbm>> -> memref<1x40x128xi32, #tpu.memory_space<hbm>>
      %dma_wait3A_67 = tpu.memref_squeeze %dma_wait3A_66 : memref<1x40x128xi32, #tpu.memory_space<hbm>> -> memref<40x128xi32, #tpu.memory_space<hbm>>
      %dma_wait3A_68 = arith.constant 0 : i32
      %dma_wait3A_69 = tpu.memref_slice %arg3[%run_scoped3A, %add3A_4, %dma_wait3A_68] : memref<2x2560x128xi32, #tpu.memory_space<hbm>> -> memref<1x40x128xi32, #tpu.memory_space<hbm>>
      %dma_wait3A_70 = tpu.memref_squeeze %dma_wait3A_69 : memref<1x40x128xi32, #tpu.memory_space<hbm>> -> memref<40x128xi32, #tpu.memory_space<hbm>>
      tpu.wait_dma2 semaphore(%run_scoped3A_59 : memref<!tpu.dma_semaphore, #tpu.memory_space<semaphore_mem>>) src(%dma_wait3A_70 : memref<40x128xi32, #tpu.memory_space<hbm>>) dst(%arg5 : memref<40x128xi32, #tpu.memory_space<vmem>>)
      tpu.yield
    }) : () -> ()
    %run_scoped3A_5 = arith.constant 1 : i32
    "tpu.region"() ({
      %run_scoped3A_59 = tpu.sem_alloc : memref<!tpu.dma_semaphore, #tpu.memory_space<semaphore_mem>>
      %dma_start3A_60 = arith.constant 0 : i32
      %dma_start3A_61 = tpu.memref_slice %arg3[%run_scoped3A_5, %add3A_4, %dma_start3A_60] : memref<2x2560x128xi32, #tpu.memory_space<hbm>> -> memref<1x40x128xi32, #tpu.memory_space<hbm>>
      %dma_start3A_62 = tpu.memref_squeeze %dma_start3A_61 : memref<1x40x128xi32, #tpu.memory_space<hbm>> -> memref<40x128xi32, #tpu.memory_space<hbm>>
      %dma_start3A_63 = arith.constant 0 : i32
      %dma_start3A_64 = tpu.memref_slice %arg3[%run_scoped3A_5, %add3A_4, %dma_start3A_63] : memref<2x2560x128xi32, #tpu.memory_space<hbm>> -> memref<1x40x128xi32, #tpu.memory_space<hbm>>
      %dma_start3A_65 = tpu.memref_squeeze %dma_start3A_64 : memref<1x40x128xi32, #tpu.memory_space<hbm>> -> memref<40x128xi32, #tpu.memory_space<hbm>>
      tpu.enqueue_dma source(%dma_start3A_65 : memref<40x128xi32, #tpu.memory_space<hbm>>) target(%arg6 : memref<40x128xi32, #tpu.memory_space<vmem>>) target_semaphore(%run_scoped3A_59 : memref<!tpu.dma_semaphore, #tpu.memory_space<semaphore_mem>>)
      %dma_wait3A = arith.constant 0 : i32
      %dma_wait3A_66 = tpu.memref_slice %arg3[%run_scoped3A_5, %add3A_4, %dma_wait3A] : memref<2x2560x128xi32, #tpu.memory_space<hbm>> -> memref<1x40x128xi32, #tpu.memory_space<hbm>>
      %dma_wait3A_67 = tpu.memref_squeeze %dma_wait3A_66 : memref<1x40x128xi32, #tpu.memory_space<hbm>> -> memref<40x128xi32, #tpu.memory_space<hbm>>
      %dma_wait3A_68 = arith.constant 0 : i32
      %dma_wait3A_69 = tpu.memref_slice %arg3[%run_scoped3A_5, %add3A_4, %dma_wait3A_68] : memref<2x2560x128xi32, #tpu.memory_space<hbm>> -> memref<1x40x128xi32, #tpu.memory_space<hbm>>
      %dma_wait3A_70 = tpu.memref_squeeze %dma_wait3A_69 : memref<1x40x128xi32, #tpu.memory_space<hbm>> -> memref<40x128xi32, #tpu.memory_space<hbm>>
      tpu.wait_dma2 semaphore(%run_scoped3A_59 : memref<!tpu.dma_semaphore, #tpu.memory_space<semaphore_mem>>) src(%dma_wait3A_70 : memref<40x128xi32, #tpu.memory_space<hbm>>) dst(%arg6 : memref<40x128xi32, #tpu.memory_space<vmem>>)
      tpu.yield
    }) : () -> ()
    %dma_start3A = arith.constant 0 : i32
    %dma_start3A_6 = arith.constant 0 : i32
    %dma_start3A_7 = tpu.memref_slice %arg5[%dma_start3A, %dma_start3A_6] : memref<40x128xi32, #tpu.memory_space<vmem>> -> memref<1x128xi32, #tpu.memory_space<vmem>>
    %dma_start3A_8 = tpu.memref_squeeze %dma_start3A_7 : memref<1x128xi32, #tpu.memory_space<vmem>> -> memref<128xi32, #tpu.memory_space<vmem>>
    %dma_start3A_9 = arith.constant 0 : i32
    %dma_start3A_10 = arith.constant 0 : i32
    %dma_start3A_11 = tpu.memref_slice %arg2[%dma_start3A_9, %dma_start3A_10] : memref<10000x128xf32, #tpu.memory_space<hbm>> -> memref<10000x128xf32, #tpu.memory_space<hbm>>
    tpu.enqueue_indirect_dma source(%dma_start3A_11 : memref<10000x128xf32, #tpu.memory_space<hbm>>) target(%arg7 : memref<128x128xf32, #tpu.memory_space<vmem>>) offsets(%dma_start3A_8 : memref<128xi32, #tpu.memory_space<vmem>>) semaphore(%arg10 : memref<!tpu.dma_semaphore, #tpu.memory_space<semaphore_mem>>)
    %broadcast_in_dim3A = arith.constant 0.000000e+00 : f32
    %broadcast_in_dim3A_12 = vector.broadcast %broadcast_in_dim3A : f32 to vector<16xf32>
    %scan3A = arith.constant 0 : i32
    %scan3A_13 = arith.constant 0 : i32
    %scan3A_14 = arith.constant 128 : i32
    %scan3A_15 = arith.addi %scan3A_13, %scan3A_14 : i32
    %scan3A_16 = arith.constant 1 : i32
    %scan3A_17 = scf.for %scan3A_59 = %scan3A_13 to %scan3A_15 step %scan3A_16 iter_args(%scan3A_60 = %scan3A) -> (i32)  : i32 {
      %swap3A = arith.index_cast %scan3A_59 : i32 to index
      %swap3A_61 = arith.constant 0 : index
      %swap3A_62 = tpu.vector_load %arg8[%swap3A, %swap3A_61] {strides = array<i32>} : memref<128x128xf32, #tpu.memory_space<vmem>>, vector<1x16xf32>,
      %swap3A_63 = vector.shape_cast %swap3A_62 : vector<1x16xf32> to vector<16xf32>
      %swap3A_64 = vector.shape_cast %broadcast_in_dim3A_12 : vector<16xf32> to vector<1x16xf32>
      tpu.vector_store %arg8[%swap3A, %swap3A_61], %swap3A_64 {strides = array<i32>} : memref<128x128xf32, #tpu.memory_space<vmem>>, vector<1x16xf32>,
      %swap3A_65 = arith.index_cast %scan3A_59 : i32 to index
      %swap3A_66 = arith.constant 16 : index
      %swap3A_67 = tpu.vector_load %arg8[%swap3A_65, %swap3A_66] {strides = array<i32>} : memref<128x128xf32, #tpu.memory_space<vmem>>, vector<1x16xf32>,
      %swap3A_68 = vector.shape_cast %swap3A_67 : vector<1x16xf32> to vector<16xf32>
      %swap3A_69 = vector.shape_cast %broadcast_in_dim3A_12 : vector<16xf32> to vector<1x16xf32>
      tpu.vector_store %arg8[%swap3A_65, %swap3A_66], %swap3A_69 {strides = array<i32>} : memref<128x128xf32, #tpu.memory_space<vmem>>, vector<1x16xf32>,
      %swap3A_70 = arith.index_cast %scan3A_59 : i32 to index
      %swap3A_71 = arith.constant 32 : index
      %swap3A_72 = tpu.vector_load %arg8[%swap3A_70, %swap3A_71] {strides = array<i32>} : memref<128x128xf32, #tpu.memory_space<vmem>>, vector<1x16xf32>,
      %swap3A_73 = vector.shape_cast %swap3A_72 : vector<1x16xf32> to vector<16xf32>
      %swap3A_74 = vector.shape_cast %broadcast_in_dim3A_12 : vector<16xf32> to vector<1x16xf32>
      tpu.vector_store %arg8[%swap3A_70, %swap3A_71], %swap3A_74 {strides = array<i32>} : memref<128x128xf32, #tpu.memory_space<vmem>>, vector<1x16xf32>,
      %swap3A_75 = arith.index_cast %scan3A_59 : i32 to index
      %swap3A_76 = arith.constant 48 : index
      %swap3A_77 = tpu.vector_load %arg8[%swap3A_75, %swap3A_76] {strides = array<i32>} : memref<128x128xf32, #tpu.memory_space<vmem>>, vector<1x16xf32>,
      %swap3A_78 = vector.shape_cast %swap3A_77 : vector<1x16xf32> to vector<16xf32>
      %swap3A_79 = vector.shape_cast %broadcast_in_dim3A_12 : vector<16xf32> to vector<1x16xf32>
      tpu.vector_store %arg8[%swap3A_75, %swap3A_76], %swap3A_79 {strides = array<i32>} : memref<128x128xf32, #tpu.memory_space<vmem>>, vector<1x16xf32>,
      %swap3A_80 = arith.index_cast %scan3A_59 : i32 to index
      %swap3A_81 = arith.constant 64 : index
      %swap3A_82 = tpu.vector_load %arg8[%swap3A_80, %swap3A_81] {strides = array<i32>} : memref<128x128xf32, #tpu.memory_space<vmem>>, vector<1x16xf32>,
      %swap3A_83 = vector.shape_cast %swap3A_82 : vector<1x16xf32> to vector<16xf32>
      %swap3A_84 = vector.shape_cast %broadcast_in_dim3A_12 : vector<16xf32> to vector<1x16xf32>
      tpu.vector_store %arg8[%swap3A_80, %swap3A_81], %swap3A_84 {strides = array<i32>} : memref<128x128xf32, #tpu.memory_space<vmem>>, vector<1x16xf32>,
      %swap3A_85 = arith.index_cast %scan3A_59 : i32 to index
      %swap3A_86 = arith.constant 80 : index
      %swap3A_87 = tpu.vector_load %arg8[%swap3A_85, %swap3A_86] {strides = array<i32>} : memref<128x128xf32, #tpu.memory_space<vmem>>, vector<1x16xf32>,
      %swap3A_88 = vector.shape_cast %swap3A_87 : vector<1x16xf32> to vector<16xf32>
      %swap3A_89 = vector.shape_cast %broadcast_in_dim3A_12 : vector<16xf32> to vector<1x16xf32>
      tpu.vector_store %arg8[%swap3A_85, %swap3A_86], %swap3A_89 {strides = array<i32>} : memref<128x128xf32, #tpu.memory_space<vmem>>, vector<1x16xf32>,
      %swap3A_90 = arith.index_cast %scan3A_59 : i32 to index
      %swap3A_91 = arith.constant 96 : index
      %swap3A_92 = tpu.vector_load %arg8[%swap3A_90, %swap3A_91] {strides = array<i32>} : memref<128x128xf32, #tpu.memory_space<vmem>>, vector<1x16xf32>,
      %swap3A_93 = vector.shape_cast %swap3A_92 : vector<1x16xf32> to vector<16xf32>
      %swap3A_94 = vector.shape_cast %broadcast_in_dim3A_12 : vector<16xf32> to vector<1x16xf32>
      tpu.vector_store %arg8[%swap3A_90, %swap3A_91], %swap3A_94 {strides = array<i32>} : memref<128x128xf32, #tpu.memory_space<vmem>>, vector<1x16xf32>,
      %swap3A_95 = arith.index_cast %scan3A_59 : i32 to index
      %swap3A_96 = arith.constant 112 : index
      %swap3A_97 = tpu.vector_load %arg8[%swap3A_95, %swap3A_96] {strides = array<i32>} : memref<128x128xf32, #tpu.memory_space<vmem>>, vector<1x16xf32>,
      %swap3A_98 = vector.shape_cast %swap3A_97 : vector<1x16xf32> to vector<16xf32>
      %swap3A_99 = vector.shape_cast %broadcast_in_dim3A_12 : vector<16xf32> to vector<1x16xf32>
      tpu.vector_store %arg8[%swap3A_95, %swap3A_96], %swap3A_99 {strides = array<i32>} : memref<128x128xf32, #tpu.memory_space<vmem>>, vector<1x16xf32>,
      %scan3A_100 = arith.constant 0 : i32
      scf.yield %scan3A_100 : i32
    }
    %scan3A_18 = arith.constant 128 : i32
    %mul3A_19 = arith.constant 640 : i32
    %mul3A_20 = arith.muli %arg1, %mul3A_19 : i32
    %add3A_21 = arith.constant 0 : i32
    %add3A_22 = arith.addi %mul3A_20, %add3A_21 : i32
    "tpu.region"() ({
      %run_scoped3A_59 = tpu.sem_alloc : memref<!tpu.dma_semaphore, #tpu.memory_space<semaphore_mem>>
      %dma_start3A_60 = arith.constant 0 : i32
      %dma_start3A_61 = tpu.memref_slice %arg9[%add3A_22, %dma_start3A_60] : memref<10240x128xf32, #tpu.memory_space<vmem_shared>> -> memref<128x128xf32, #tpu.memory_space<vmem_shared>>
      %dma_start3A_62 = arith.constant 0 : i32
      %dma_start3A_63 = tpu.memref_slice %arg9[%add3A_22, %dma_start3A_62] : memref<10240x128xf32, #tpu.memory_space<vmem_shared>> -> memref<128x128xf32, #tpu.memory_space<vmem_shared>>
      tpu.enqueue_dma source(%arg8 : memref<128x128xf32, #tpu.memory_space<vmem>>) target(%dma_start3A_63 : memref<128x128xf32, #tpu.memory_space<vmem_shared>>) target_semaphore(%run_scoped3A_59 : memref<!tpu.dma_semaphore, #tpu.memory_space<semaphore_mem>>)
      %dma_wait3A = arith.constant 0 : i32
      %dma_wait3A_64 = tpu.memref_slice %arg9[%add3A_22, %dma_wait3A] : memref<10240x128xf32, #tpu.memory_space<vmem_shared>> -> memref<128x128xf32, #tpu.memory_space<vmem_shared>>
      %dma_wait3A_65 = arith.constant 0 : i32
      %dma_wait3A_66 = tpu.memref_slice %arg9[%add3A_22, %dma_wait3A_65] : memref<10240x128xf32, #tpu.memory_space<vmem_shared>> -> memref<128x128xf32, #tpu.memory_space<vmem_shared>>
      tpu.wait_dma2 semaphore(%run_scoped3A_59 : memref<!tpu.dma_semaphore, #tpu.memory_space<semaphore_mem>>) src(%arg8 : memref<128x128xf32, #tpu.memory_space<vmem>>) dst(%dma_wait3A_66 : memref<128x128xf32, #tpu.memory_space<vmem_shared>>)
      tpu.yield
    }) : () -> ()
    %add3A_23 = arith.constant 128 : i32
    %add3A_24 = arith.addi %mul3A_20, %add3A_23 : i32
    "tpu.region"() ({
      %run_scoped3A_59 = tpu.sem_alloc : memref<!tpu.dma_semaphore, #tpu.memory_space<semaphore_mem>>
      %dma_start3A_60 = arith.constant 0 : i32
      %dma_start3A_61 = tpu.memref_slice %arg9[%add3A_24, %dma_start3A_60] : memref<10240x128xf32, #tpu.memory_space<vmem_shared>> -> memref<128x128xf32, #tpu.memory_space<vmem_shared>>
      %dma_start3A_62 = arith.constant 0 : i32
      %dma_start3A_63 = tpu.memref_slice %arg9[%add3A_24, %dma_start3A_62] : memref<10240x128xf32, #tpu.memory_space<vmem_shared>> -> memref<128x128xf32, #tpu.memory_space<vmem_shared>>
      tpu.enqueue_dma source(%arg8 : memref<128x128xf32, #tpu.memory_space<vmem>>) target(%dma_start3A_63 : memref<128x128xf32, #tpu.memory_space<vmem_shared>>) target_semaphore(%run_scoped3A_59 : memref<!tpu.dma_semaphore, #tpu.memory_space<semaphore_mem>>)
      %dma_wait3A = arith.constant 0 : i32
      %dma_wait3A_64 = tpu.memref_slice %arg9[%add3A_24, %dma_wait3A] : memref<10240x128xf32, #tpu.memory_space<vmem_shared>> -> memref<128x128xf32, #tpu.memory_space<vmem_shared>>
      %dma_wait3A_65 = arith.constant 0 : i32
      %dma_wait3A_66 = tpu.memref_slice %arg9[%add3A_24, %dma_wait3A_65] : memref<10240x128xf32, #tpu.memory_space<vmem_shared>> -> memref<128x128xf32, #tpu.memory_space<vmem_shared>>
      tpu.wait_dma2 semaphore(%run_scoped3A_59 : memref<!tpu.dma_semaphore, #tpu.memory_space<semaphore_mem>>) src(%arg8 : memref<128x128xf32, #tpu.memory_space<vmem>>) dst(%dma_wait3A_66 : memref<128x128xf32, #tpu.memory_space<vmem_shared>>)
      tpu.yield
    }) : () -> ()
    %add3A_25 = arith.constant 256 : i32
    %add3A_26 = arith.addi %mul3A_20, %add3A_25 : i32
    "tpu.region"() ({
      %run_scoped3A_59 = tpu.sem_alloc : memref<!tpu.dma_semaphore, #tpu.memory_space<semaphore_mem>>
      %dma_start3A_60 = arith.constant 0 : i32
      %dma_start3A_61 = tpu.memref_slice %arg9[%add3A_26, %dma_start3A_60] : memref<10240x128xf32, #tpu.memory_space<vmem_shared>> -> memref<128x128xf32, #tpu.memory_space<vmem_shared>>
      %dma_start3A_62 = arith.constant 0 : i32
      %dma_start3A_63 = tpu.memref_slice %arg9[%add3A_26, %dma_start3A_62] : memref<10240x128xf32, #tpu.memory_space<vmem_shared>> -> memref<128x128xf32, #tpu.memory_space<vmem_shared>>
      tpu.enqueue_dma source(%arg8 : memref<128x128xf32, #tpu.memory_space<vmem>>) target(%dma_start3A_63 : memref<128x128xf32, #tpu.memory_space<vmem_shared>>) target_semaphore(%run_scoped3A_59 : memref<!tpu.dma_semaphore, #tpu.memory_space<semaphore_mem>>)
      %dma_wait3A = arith.constant 0 : i32
      %dma_wait3A_64 = tpu.memref_slice %arg9[%add3A_26, %dma_wait3A] : memref<10240x128xf32, #tpu.memory_space<vmem_shared>> -> memref<128x128xf32, #tpu.memory_space<vmem_shared>>
      %dma_wait3A_65 = arith.constant 0 : i32
      %dma_wait3A_66 = tpu.memref_slice %arg9[%add3A_26, %dma_wait3A_65] : memref<10240x128xf32, #tpu.memory_space<vmem_shared>> -> memref<128x128xf32, #tpu.memory_space<vmem_shared>>
      tpu.wait_dma2 semaphore(%run_scoped3A_59 : memref<!tpu.dma_semaphore, #tpu.memory_space<semaphore_mem>>) src(%arg8 : memref<128x128xf32, #tpu.memory_space<vmem>>) dst(%dma_wait3A_66 : memref<128x128xf32, #tpu.memory_space<vmem_shared>>)
      tpu.yield
    }) : () -> ()
    %add3A_27 = arith.constant 384 : i32
    %add3A_28 = arith.addi %mul3A_20, %add3A_27 : i32
    "tpu.region"() ({
      %run_scoped3A_59 = tpu.sem_alloc : memref<!tpu.dma_semaphore, #tpu.memory_space<semaphore_mem>>
      %dma_start3A_60 = arith.constant 0 : i32
      %dma_start3A_61 = tpu.memref_slice %arg9[%add3A_28, %dma_start3A_60] : memref<10240x128xf32, #tpu.memory_space<vmem_shared>> -> memref<128x128xf32, #tpu.memory_space<vmem_shared>>
      %dma_start3A_62 = arith.constant 0 : i32
      %dma_start3A_63 = tpu.memref_slice %arg9[%add3A_28, %dma_start3A_62] : memref<10240x128xf32, #tpu.memory_space<vmem_shared>> -> memref<128x128xf32, #tpu.memory_space<vmem_shared>>
      tpu.enqueue_dma source(%arg8 : memref<128x128xf32, #tpu.memory_space<vmem>>) target(%dma_start3A_63 : memref<128x128xf32, #tpu.memory_space<vmem_shared>>) target_semaphore(%run_scoped3A_59 : memref<!tpu.dma_semaphore, #tpu.memory_space<semaphore_mem>>)
      %dma_wait3A = arith.constant 0 : i32
      %dma_wait3A_64 = tpu.memref_slice %arg9[%add3A_28, %dma_wait3A] : memref<10240x128xf32, #tpu.memory_space<vmem_shared>> -> memref<128x128xf32, #tpu.memory_space<vmem_shared>>
      %dma_wait3A_65 = arith.constant 0 : i32
      %dma_wait3A_66 = tpu.memref_slice %arg9[%add3A_28, %dma_wait3A_65] : memref<10240x128xf32, #tpu.memory_space<vmem_shared>> -> memref<128x128xf32, #tpu.memory_space<vmem_shared>>
      tpu.wait_dma2 semaphore(%run_scoped3A_59 : memref<!tpu.dma_semaphore, #tpu.memory_space<semaphore_mem>>) src(%arg8 : memref<128x128xf32, #tpu.memory_space<vmem>>) dst(%dma_wait3A_66 : memref<128x128xf32, #tpu.memory_space<vmem_shared>>)
      tpu.yield
    }) : () -> ()
    %add3A_29 = arith.constant 512 : i32
    %add3A_30 = arith.addi %mul3A_20, %add3A_29 : i32
    "tpu.region"() ({
      %run_scoped3A_59 = tpu.sem_alloc : memref<!tpu.dma_semaphore, #tpu.memory_space<semaphore_mem>>
      %dma_start3A_60 = arith.constant 0 : i32
      %dma_start3A_61 = tpu.memref_slice %arg9[%add3A_30, %dma_start3A_60] : memref<10240x128xf32, #tpu.memory_space<vmem_shared>> -> memref<128x128xf32, #tpu.memory_space<vmem_shared>>
      %dma_start3A_62 = arith.constant 0 : i32
      %dma_start3A_63 = tpu.memref_slice %arg9[%add3A_30, %dma_start3A_62] : memref<10240x128xf32, #tpu.memory_space<vmem_shared>> -> memref<128x128xf32, #tpu.memory_space<vmem_shared>>
      tpu.enqueue_dma source(%arg8 : memref<128x128xf32, #tpu.memory_space<vmem>>) target(%dma_start3A_63 : memref<128x128xf32, #tpu.memory_space<vmem_shared>>) target_semaphore(%run_scoped3A_59 : memref<!tpu.dma_semaphore, #tpu.memory_space<semaphore_mem>>)
      %dma_wait3A = arith.constant 0 : i32
      %dma_wait3A_64 = tpu.memref_slice %arg9[%add3A_30, %dma_wait3A] : memref<10240x128xf32, #tpu.memory_space<vmem_shared>> -> memref<128x128xf32, #tpu.memory_space<vmem_shared>>
      %dma_wait3A_65 = arith.constant 0 : i32
      %dma_wait3A_66 = tpu.memref_slice %arg9[%add3A_30, %dma_wait3A_65] : memref<10240x128xf32, #tpu.memory_space<vmem_shared>> -> memref<128x128xf32, #tpu.memory_space<vmem_shared>>
      tpu.wait_dma2 semaphore(%run_scoped3A_59 : memref<!tpu.dma_semaphore, #tpu.memory_space<semaphore_mem>>) src(%arg8 : memref<128x128xf32, #tpu.memory_space<vmem>>) dst(%dma_wait3A_66 : memref<128x128xf32, #tpu.memory_space<vmem_shared>>)
      tpu.yield
    }) : () -> ()
    %barrier3A = arith.constant 0 : index
    tpu.barrier barrier_id(%barrier3A)
    %scan3A_31 = arith.constant 0 : i32
    %scan3A_32 = arith.constant 0 : i32
    %scan3A_33 = arith.constant 20 : i32
    %scan3A_34 = arith.addi %scan3A_32, %scan3A_33 : i32
    %scan3A_35 = arith.constant 1 : i32
    %scan3A_36 = scf.for %scan3A_59 = %scan3A_32 to %scan3A_34 step %scan3A_35 iter_args(%scan3A_60 = %scan3A_31) -> (i32)  : i32 {
      %mul3A_61 = arith.constant 2 : i32
      %mul3A_62 = arith.muli %mul3A_61, %scan3A_59 : i32
      %add3A_63 = arith.constant 1 : i32
      %add3A_64 = arith.addi %mul3A_62, %add3A_63 : i32
      %dma_start3A_65 = arith.constant 0 : i32
      %dma_start3A_66 = tpu.memref_slice %arg5[%add3A_64, %dma_start3A_65] : memref<40x128xi32, #tpu.memory_space<vmem>> -> memref<1x128xi32, #tpu.memory_space<vmem>>
      %dma_start3A_67 = tpu.memref_squeeze %dma_start3A_66 : memref<1x128xi32, #tpu.memory_space<vmem>> -> memref<128xi32, #tpu.memory_space<vmem>>
      %dma_start3A_68 = arith.constant 0 : i32
      %dma_start3A_69 = arith.constant 0 : i32
      %dma_start3A_70 = tpu.memref_slice %arg2[%dma_start3A_68, %dma_start3A_69] : memref<10000x128xf32, #tpu.memory_space<hbm>> -> memref<10000x128xf32, #tpu.memory_space<hbm>>
      tpu.enqueue_indirect_dma source(%dma_start3A_70 : memref<10000x128xf32, #tpu.memory_space<hbm>>) target(%arg8 : memref<128x128xf32, #tpu.memory_space<vmem>>) offsets(%dma_start3A_67 : memref<128xi32, #tpu.memory_space<vmem>>) semaphore(%arg11 : memref<!tpu.dma_semaphore, #tpu.memory_space<semaphore_mem>>)
      %dma_wait3A = arith.constant 0 : i32
      %dma_wait3A_71 = tpu.memref_slice %arg5[%mul3A_62, %dma_wait3A] : memref<40x128xi32, #tpu.memory_space<vmem>> -> memref<1x128xi32, #tpu.memory_space<vmem>>
      %dma_wait3A_72 = tpu.memref_squeeze %dma_wait3A_71 : memref<1x128xi32, #tpu.memory_space<vmem>> -> memref<128xi32, #tpu.memory_space<vmem>>
      %dma_wait3A_73 = arith.constant 0 : i32
      %dma_wait3A_74 = arith.constant 0 : i32
      %dma_wait3A_75 = tpu.memref_slice %arg2[%dma_wait3A_73, %dma_wait3A_74] : memref<10000x128xf32, #tpu.memory_space<hbm>> -> memref<10000x128xf32, #tpu.memory_space<hbm>>
      tpu.wait_indirect_dma semaphore(%arg10 : memref<!tpu.dma_semaphore, #tpu.memory_space<semaphore_mem>>) src(%dma_wait3A_75 : memref<10000x128xf32, #tpu.memory_space<hbm>>) dst(%arg7 : memref<128x128xf32, #tpu.memory_space<vmem>>)
      "tpu.region"() ({
        %run_scoped3A_87 = tpu.sem_alloc : memref<!tpu.dma_semaphore, #tpu.memory_space<semaphore_mem>>
        %dma_start3A_88 = arith.constant 0 : i32
        %dma_start3A_89 = tpu.memref_slice %arg6[%mul3A_62, %dma_start3A_88] : memref<40x128xi32, #tpu.memory_space<vmem>> -> memref<1x128xi32, #tpu.memory_space<vmem>>
        %dma_start3A_90 = tpu.memref_squeeze %dma_start3A_89 : memref<1x128xi32, #tpu.memory_space<vmem>> -> memref<128xi32, #tpu.memory_space<vmem>>
        %dma_start3A_91 = arith.constant 0 : i32
        %dma_start3A_92 = arith.constant 0 : i32
        %dma_start3A_93 = tpu.memref_slice %arg9[%dma_start3A_91, %dma_start3A_92] : memref<10240x128xf32, #tpu.memory_space<vmem_shared>> -> memref<10240x128xf32, #tpu.memory_space<vmem_shared>>
        tpu.enqueue_indirect_dma source(%arg7 : memref<128x128xf32, #tpu.memory_space<vmem>>) target(%dma_start3A_93 : memref<10240x128xf32, #tpu.memory_space<vmem_shared>>) offsets(%dma_start3A_90 : memref<128xi32, #tpu.memory_space<vmem>>) semaphore(%run_scoped3A_87 : memref<!tpu.dma_semaphore, #tpu.memory_space<semaphore_mem>>) {add = true}
        %dma_wait3A_94 = arith.constant 0 : i32
        %dma_wait3A_95 = tpu.memref_slice %arg6[%mul3A_62, %dma_wait3A_94] : memref<40x128xi32, #tpu.memory_space<vmem>> -> memref<1x128xi32, #tpu.memory_space<vmem>>
        %dma_wait3A_96 = tpu.memref_squeeze %dma_wait3A_95 : memref<1x128xi32, #tpu.memory_space<vmem>> -> memref<128xi32, #tpu.memory_space<vmem>>
        %dma_wait3A_97 = arith.constant 0 : i32
        %dma_wait3A_98 = arith.constant 0 : i32
        %dma_wait3A_99 = tpu.memref_slice %arg9[%dma_wait3A_97, %dma_wait3A_98] : memref<10240x128xf32, #tpu.memory_space<vmem_shared>> -> memref<10240x128xf32, #tpu.memory_space<vmem_shared>>
        tpu.wait_indirect_dma semaphore(%run_scoped3A_87 : memref<!tpu.dma_semaphore, #tpu.memory_space<semaphore_mem>>) src(%arg7 : memref<128x128xf32, #tpu.memory_space<vmem>>) dst(%dma_wait3A_99 : memref<10240x128xf32, #tpu.memory_space<vmem_shared>>)
        tpu.yield
      }) : () -> ()
      %add3A_76 = arith.constant 2 : i32
      %add3A_77 = arith.addi %mul3A_62, %add3A_76 : i32
      %lt3A = arith.constant 40 : i32
      %lt3A_78 = arith.cmpi slt, %add3A_77, %lt3A : i32
      %convert_element_type3A = arith.extui %lt3A_78 : i1 to i32
      %cond3A = arith.constant 0 : i32
      %cond3A_79 = arith.cmpi ne, %convert_element_type3A, %cond3A : i32
      scf.if %cond3A_79 {
        %add3A_87 = arith.constant 2 : i32
        %add3A_88 = arith.addi %mul3A_62, %add3A_87 : i32
        %dma_start3A_89 = arith.constant 0 : i32
        %dma_start3A_90 = tpu.memref_slice %arg5[%add3A_88, %dma_start3A_89] : memref<40x128xi32, #tpu.memory_space<vmem>> -> memref<1x128xi32, #tpu.memory_space<vmem>>
        %dma_start3A_91 = tpu.memref_squeeze %dma_start3A_90 : memref<1x128xi32, #tpu.memory_space<vmem>> -> memref<128xi32, #tpu.memory_space<vmem>>
        %dma_start3A_92 = arith.constant 0 : i32
        %dma_start3A_93 = arith.constant 0 : i32
        %dma_start3A_94 = tpu.memref_slice %arg2[%dma_start3A_92, %dma_start3A_93] : memref<10000x128xf32, #tpu.memory_space<hbm>> -> memref<10000x128xf32, #tpu.memory_space<hbm>>
        tpu.enqueue_indirect_dma source(%dma_start3A_94 : memref<10000x128xf32, #tpu.memory_space<hbm>>) target(%arg7 : memref<128x128xf32, #tpu.memory_space<vmem>>) offsets(%dma_start3A_91 : memref<128xi32, #tpu.memory_space<vmem>>) semaphore(%arg10 : memref<!tpu.dma_semaphore, #tpu.memory_space<semaphore_mem>>)
      } else {
      }
      %dma_wait3A_80 = arith.constant 0 : i32
      %dma_wait3A_81 = tpu.memref_slice %arg5[%add3A_64, %dma_wait3A_80] : memref<40x128xi32, #tpu.memory_space<vmem>> -> memref<1x128xi32, #tpu.memory_space<vmem>>
      %dma_wait3A_82 = tpu.memref_squeeze %dma_wait3A_81 : memref<1x128xi32, #tpu.memory_space<vmem>> -> memref<128xi32, #tpu.memory_space<vmem>>
      %dma_wait3A_83 = arith.constant 0 : i32
      %dma_wait3A_84 = arith.constant 0 : i32
      %dma_wait3A_85 = tpu.memref_slice %arg2[%dma_wait3A_83, %dma_wait3A_84] : memref<10000x128xf32, #tpu.memory_space<hbm>> -> memref<10000x128xf32, #tpu.memory_space<hbm>>
      tpu.wait_indirect_dma semaphore(%arg11 : memref<!tpu.dma_semaphore, #tpu.memory_space<semaphore_mem>>) src(%dma_wait3A_85 : memref<10000x128xf32, #tpu.memory_space<hbm>>) dst(%arg8 : memref<128x128xf32, #tpu.memory_space<vmem>>)
      "tpu.region"() ({
        %run_scoped3A_87 = tpu.sem_alloc : memref<!tpu.dma_semaphore, #tpu.memory_space<semaphore_mem>>
        %dma_start3A_88 = arith.constant 0 : i32
        %dma_start3A_89 = tpu.memref_slice %arg6[%add3A_64, %dma_start3A_88] : memref<40x128xi32, #tpu.memory_space<vmem>> -> memref<1x128xi32, #tpu.memory_space<vmem>>
        %dma_start3A_90 = tpu.memref_squeeze %dma_start3A_89 : memref<1x128xi32, #tpu.memory_space<vmem>> -> memref<128xi32, #tpu.memory_space<vmem>>
        %dma_start3A_91 = arith.constant 0 : i32
        %dma_start3A_92 = arith.constant 0 : i32
        %dma_start3A_93 = tpu.memref_slice %arg9[%dma_start3A_91, %dma_start3A_92] : memref<10240x128xf32, #tpu.memory_space<vmem_shared>> -> memref<10240x128xf32, #tpu.memory_space<vmem_shared>>
        tpu.enqueue_indirect_dma source(%arg8 : memref<128x128xf32, #tpu.memory_space<vmem>>) target(%dma_start3A_93 : memref<10240x128xf32, #tpu.memory_space<vmem_shared>>) offsets(%dma_start3A_90 : memref<128xi32, #tpu.memory_space<vmem>>) semaphore(%run_scoped3A_87 : memref<!tpu.dma_semaphore, #tpu.memory_space<semaphore_mem>>) {add = true}
        %dma_wait3A_94 = arith.constant 0 : i32
        %dma_wait3A_95 = tpu.memref_slice %arg6[%add3A_64, %dma_wait3A_94] : memref<40x128xi32, #tpu.memory_space<vmem>> -> memref<1x128xi32, #tpu.memory_space<vmem>>
        %dma_wait3A_96 = tpu.memref_squeeze %dma_wait3A_95 : memref<1x128xi32, #tpu.memory_space<vmem>> -> memref<128xi32, #tpu.memory_space<vmem>>
        %dma_wait3A_97 = arith.constant 0 : i32
        %dma_wait3A_98 = arith.constant 0 : i32
        %dma_wait3A_99 = tpu.memref_slice %arg9[%dma_wait3A_97, %dma_wait3A_98] : memref<10240x128xf32, #tpu.memory_space<vmem_shared>> -> memref<10240x128xf32, #tpu.memory_space<vmem_shared>>
        tpu.wait_indirect_dma semaphore(%run_scoped3A_87 : memref<!tpu.dma_semaphore, #tpu.memory_space<semaphore_mem>>) src(%arg8 : memref<128x128xf32, #tpu.memory_space<vmem>>) dst(%dma_wait3A_99 : memref<10240x128xf32, #tpu.memory_space<vmem_shared>>)
        tpu.yield
      }) : () -> ()
      %scan3A_86 = arith.constant 0 : i32
      scf.yield %scan3A_86 : i32
    }
    %scan3A_37 = arith.constant 20 : i32
    %mul3A_38 = arith.constant 80 : i32
    %mul3A_39 = arith.muli %add3A, %mul3A_38 : i32
    %add3A_40 = arith.constant 40 : i32
    %add3A_41 = arith.addi %mul3A_39, %add3A_40 : i32
    %run_scoped3A_42 = arith.constant 0 : i32
    "tpu.region"() ({
      %run_scoped3A_59 = tpu.sem_alloc : memref<!tpu.dma_semaphore, #tpu.memory_space<semaphore_mem>>
      %dma_start3A_60 = arith.constant 0 : i32
      %dma_start3A_61 = tpu.memref_slice %arg3[%run_scoped3A_42, %add3A_41, %dma_start3A_60] : memref<2x2560x128xi32, #tpu.memory_space<hbm>> -> memref<1x40x128xi32, #tpu.memory_space<hbm>>
      %dma_start3A_62 = tpu.memref_squeeze %dma_start3A_61 : memref<1x40x128xi32, #tpu.memory_space<hbm>> -> memref<40x128xi32, #tpu.memory_space<hbm>>
      %dma_start3A_63 = arith.constant 0 : i32
      %dma_start3A_64 = tpu.memref_slice %arg3[%run_scoped3A_42, %add3A_41, %dma_start3A_63] : memref<2x2560x128xi32, #tpu.memory_space<hbm>> -> memref<1x40x128xi32, #tpu.memory_space<hbm>>
      %dma_start3A_65 = tpu.memref_squeeze %dma_start3A_64 : memref<1x40x128xi32, #tpu.memory_space<hbm>> -> memref<40x128xi32, #tpu.memory_space<hbm>>
      tpu.enqueue_dma source(%dma_start3A_65 : memref<40x128xi32, #tpu.memory_space<hbm>>) target(%arg5 : memref<40x128xi32, #tpu.memory_space<vmem>>) target_semaphore(%run_scoped3A_59 : memref<!tpu.dma_semaphore, #tpu.memory_space<semaphore_mem>>)
      %dma_wait3A = arith.constant 0 : i32
      %dma_wait3A_66 = tpu.memref_slice %arg3[%run_scoped3A_42, %add3A_41, %dma_wait3A] : memref<2x2560x128xi32, #tpu.memory_space<hbm>> -> memref<1x40x128xi32, #tpu.memory_space<hbm>>
      %dma_wait3A_67 = tpu.memref_squeeze %dma_wait3A_66 : memref<1x40x128xi32, #tpu.memory_space<hbm>> -> memref<40x128xi32, #tpu.memory_space<hbm>>
      %dma_wait3A_68 = arith.constant 0 : i32
      %dma_wait3A_69 = tpu.memref_slice %arg3[%run_scoped3A_42, %add3A_41, %dma_wait3A_68] : memref<2x2560x128xi32, #tpu.memory_space<hbm>> -> memref<1x40x128xi32, #tpu.memory_space<hbm>>
      %dma_wait3A_70 = tpu.memref_squeeze %dma_wait3A_69 : memref<1x40x128xi32, #tpu.memory_space<hbm>> -> memref<40x128xi32, #tpu.memory_space<hbm>>
      tpu.wait_dma2 semaphore(%run_scoped3A_59 : memref<!tpu.dma_semaphore, #tpu.memory_space<semaphore_mem>>) src(%dma_wait3A_70 : memref<40x128xi32, #tpu.memory_space<hbm>>) dst(%arg5 : memref<40x128xi32, #tpu.memory_space<vmem>>)
      tpu.yield
    }) : () -> ()
    %run_scoped3A_43 = arith.constant 1 : i32
    "tpu.region"() ({
      %run_scoped3A_59 = tpu.sem_alloc : memref<!tpu.dma_semaphore, #tpu.memory_space<semaphore_mem>>
      %dma_start3A_60 = arith.constant 0 : i32
      %dma_start3A_61 = tpu.memref_slice %arg3[%run_scoped3A_43, %add3A_41, %dma_start3A_60] : memref<2x2560x128xi32, #tpu.memory_space<hbm>> -> memref<1x40x128xi32, #tpu.memory_space<hbm>>
      %dma_start3A_62 = tpu.memref_squeeze %dma_start3A_61 : memref<1x40x128xi32, #tpu.memory_space<hbm>> -> memref<40x128xi32, #tpu.memory_space<hbm>>
      %dma_start3A_63 = arith.constant 0 : i32
      %dma_start3A_64 = tpu.memref_slice %arg3[%run_scoped3A_43, %add3A_41, %dma_start3A_63] : memref<2x2560x128xi32, #tpu.memory_space<hbm>> -> memref<1x40x128xi32, #tpu.memory_space<hbm>>
      %dma_start3A_65 = tpu.memref_squeeze %dma_start3A_64 : memref<1x40x128xi32, #tpu.memory_space<hbm>> -> memref<40x128xi32, #tpu.memory_space<hbm>>
      tpu.enqueue_dma source(%dma_start3A_65 : memref<40x128xi32, #tpu.memory_space<hbm>>) target(%arg6 : memref<40x128xi32, #tpu.memory_space<vmem>>) target_semaphore(%run_scoped3A_59 : memref<!tpu.dma_semaphore, #tpu.memory_space<semaphore_mem>>)
      %dma_wait3A = arith.constant 0 : i32
      %dma_wait3A_66 = tpu.memref_slice %arg3[%run_scoped3A_43, %add3A_41, %dma_wait3A] : memref<2x2560x128xi32, #tpu.memory_space<hbm>> -> memref<1x40x128xi32, #tpu.memory_space<hbm>>
      %dma_wait3A_67 = tpu.memref_squeeze %dma_wait3A_66 : memref<1x40x128xi32, #tpu.memory_space<hbm>> -> memref<40x128xi32, #tpu.memory_space<hbm>>
      %dma_wait3A_68 = arith.constant 0 : i32
      %dma_wait3A_69 = tpu.memref_slice %arg3[%run_scoped3A_43, %add3A_41, %dma_wait3A_68] : memref<2x2560x128xi32, #tpu.memory_space<hbm>> -> memref<1x40x128xi32, #tpu.memory_space<hbm>>
      %dma_wait3A_70 = tpu.memref_squeeze %dma_wait3A_69 : memref<1x40x128xi32, #tpu.memory_space<hbm>> -> memref<40x128xi32, #tpu.memory_space<hbm>>
      tpu.wait_dma2 semaphore(%run_scoped3A_59 : memref<!tpu.dma_semaphore, #tpu.memory_space<semaphore_mem>>) src(%dma_wait3A_70 : memref<40x128xi32, #tpu.memory_space<hbm>>) dst(%arg6 : memref<40x128xi32, #tpu.memory_space<vmem>>)
      tpu.yield
    }) : () -> ()
    %dma_start3A_44 = arith.constant 0 : i32
    %dma_start3A_45 = arith.constant 0 : i32
    %dma_start3A_46 = tpu.memref_slice %arg5[%dma_start3A_44, %dma_start3A_45] : memref<40x128xi32, #tpu.memory_space<vmem>> -> memref<1x128xi32, #tpu.memory_space<vmem>>
    %dma_start3A_47 = tpu.memref_squeeze %dma_start3A_46 : memref<1x128xi32, #tpu.memory_space<vmem>> -> memref<128xi32, #tpu.memory_space<vmem>>
    %dma_start3A_48 = arith.constant 0 : i32
    %dma_start3A_49 = arith.constant 0 : i32
    %dma_start3A_50 = tpu.memref_slice %arg2[%dma_start3A_48, %dma_start3A_49] : memref<10000x128xf32, #tpu.memory_space<hbm>> -> memref<10000x128xf32, #tpu.memory_space<hbm>>
    tpu.enqueue_indirect_dma source(%dma_start3A_50 : memref<10000x128xf32, #tpu.memory_space<hbm>>) target(%arg7 : memref<128x128xf32, #tpu.memory_space<vmem>>) offsets(%dma_start3A_47 : memref<128xi32, #tpu.memory_space<vmem>>) semaphore(%arg10 : memref<!tpu.dma_semaphore, #tpu.memory_space<semaphore_mem>>)
    %scan3A_51 = arith.constant 0 : i32
    %scan3A_52 = arith.constant 0 : i32
    %scan3A_53 = arith.constant 20 : i32
    %scan3A_54 = arith.addi %scan3A_52, %scan3A_53 : i32
    %scan3A_55 = arith.constant 1 : i32
    %scan3A_56 = scf.for %scan3A_59 = %scan3A_52 to %scan3A_54 step %scan3A_55 iter_args(%scan3A_60 = %scan3A_51) -> (i32)  : i32 {
      %mul3A_61 = arith.constant 2 : i32
      %mul3A_62 = arith.muli %mul3A_61, %scan3A_59 : i32
      %add3A_63 = arith.constant 1 : i32
      %add3A_64 = arith.addi %mul3A_62, %add3A_63 : i32
      %dma_start3A_65 = arith.constant 0 : i32
      %dma_start3A_66 = tpu.memref_slice %arg5[%add3A_64, %dma_start3A_65] : memref<40x128xi32, #tpu.memory_space<vmem>> -> memref<1x128xi32, #tpu.memory_space<vmem>>
      %dma_start3A_67 = tpu.memref_squeeze %dma_start3A_66 : memref<1x128xi32, #tpu.memory_space<vmem>> -> memref<128xi32, #tpu.memory_space<vmem>>
      %dma_start3A_68 = arith.constant 0 : i32
      %dma_start3A_69 = arith.constant 0 : i32
      %dma_start3A_70 = tpu.memref_slice %arg2[%dma_start3A_68, %dma_start3A_69] : memref<10000x128xf32, #tpu.memory_space<hbm>> -> memref<10000x128xf32, #tpu.memory_space<hbm>>
      tpu.enqueue_indirect_dma source(%dma_start3A_70 : memref<10000x128xf32, #tpu.memory_space<hbm>>) target(%arg8 : memref<128x128xf32, #tpu.memory_space<vmem>>) offsets(%dma_start3A_67 : memref<128xi32, #tpu.memory_space<vmem>>) semaphore(%arg11 : memref<!tpu.dma_semaphore, #tpu.memory_space<semaphore_mem>>)
      %dma_wait3A = arith.constant 0 : i32
      %dma_wait3A_71 = tpu.memref_slice %arg5[%mul3A_62, %dma_wait3A] : memref<40x128xi32, #tpu.memory_space<vmem>> -> memref<1x128xi32, #tpu.memory_space<vmem>>
      %dma_wait3A_72 = tpu.memref_squeeze %dma_wait3A_71 : memref<1x128xi32, #tpu.memory_space<vmem>> -> memref<128xi32, #tpu.memory_space<vmem>>
      %dma_wait3A_73 = arith.constant 0 : i32
      %dma_wait3A_74 = arith.constant 0 : i32
      %dma_wait3A_75 = tpu.memref_slice %arg2[%dma_wait3A_73, %dma_wait3A_74] : memref<10000x128xf32, #tpu.memory_space<hbm>> -> memref<10000x128xf32, #tpu.memory_space<hbm>>
      tpu.wait_indirect_dma semaphore(%arg10 : memref<!tpu.dma_semaphore, #tpu.memory_space<semaphore_mem>>) src(%dma_wait3A_75 : memref<10000x128xf32, #tpu.memory_space<hbm>>) dst(%arg7 : memref<128x128xf32, #tpu.memory_space<vmem>>)
      "tpu.region"() ({
        %run_scoped3A_87 = tpu.sem_alloc : memref<!tpu.dma_semaphore, #tpu.memory_space<semaphore_mem>>
        %dma_start3A_88 = arith.constant 0 : i32
        %dma_start3A_89 = tpu.memref_slice %arg6[%mul3A_62, %dma_start3A_88] : memref<40x128xi32, #tpu.memory_space<vmem>> -> memref<1x128xi32, #tpu.memory_space<vmem>>
        %dma_start3A_90 = tpu.memref_squeeze %dma_start3A_89 : memref<1x128xi32, #tpu.memory_space<vmem>> -> memref<128xi32, #tpu.memory_space<vmem>>
        %dma_start3A_91 = arith.constant 0 : i32
        %dma_start3A_92 = arith.constant 0 : i32
        %dma_start3A_93 = tpu.memref_slice %arg9[%dma_start3A_91, %dma_start3A_92] : memref<10240x128xf32, #tpu.memory_space<vmem_shared>> -> memref<10240x128xf32, #tpu.memory_space<vmem_shared>>
        tpu.enqueue_indirect_dma source(%arg7 : memref<128x128xf32, #tpu.memory_space<vmem>>) target(%dma_start3A_93 : memref<10240x128xf32, #tpu.memory_space<vmem_shared>>) offsets(%dma_start3A_90 : memref<128xi32, #tpu.memory_space<vmem>>) semaphore(%run_scoped3A_87 : memref<!tpu.dma_semaphore, #tpu.memory_space<semaphore_mem>>) {add = true}
        %dma_wait3A_94 = arith.constant 0 : i32
        %dma_wait3A_95 = tpu.memref_slice %arg6[%mul3A_62, %dma_wait3A_94] : memref<40x128xi32, #tpu.memory_space<vmem>> -> memref<1x128xi32, #tpu.memory_space<vmem>>
        %dma_wait3A_96 = tpu.memref_squeeze %dma_wait3A_95 : memref<1x128xi32, #tpu.memory_space<vmem>> -> memref<128xi32, #tpu.memory_space<vmem>>
        %dma_wait3A_97 = arith.constant 0 : i32
        %dma_wait3A_98 = arith.constant 0 : i32
        %dma_wait3A_99 = tpu.memref_slice %arg9[%dma_wait3A_97, %dma_wait3A_98] : memref<10240x128xf32, #tpu.memory_space<vmem_shared>> -> memref<10240x128xf32, #tpu.memory_space<vmem_shared>>
        tpu.wait_indirect_dma semaphore(%run_scoped3A_87 : memref<!tpu.dma_semaphore, #tpu.memory_space<semaphore_mem>>) src(%arg7 : memref<128x128xf32, #tpu.memory_space<vmem>>) dst(%dma_wait3A_99 : memref<10240x128xf32, #tpu.memory_space<vmem_shared>>)
        tpu.yield
      }) : () -> ()
      %add3A_76 = arith.constant 2 : i32
      %add3A_77 = arith.addi %mul3A_62, %add3A_76 : i32
      %lt3A = arith.constant 40 : i32
      %lt3A_78 = arith.cmpi slt, %add3A_77, %lt3A : i32
      %convert_element_type3A = arith.extui %lt3A_78 : i1 to i32
      %cond3A = arith.constant 0 : i32
      %cond3A_79 = arith.cmpi ne, %convert_element_type3A, %cond3A : i32
      scf.if %cond3A_79 {
        %add3A_87 = arith.constant 2 : i32
        %add3A_88 = arith.addi %mul3A_62, %add3A_87 : i32
        %dma_start3A_89 = arith.constant 0 : i32
        %dma_start3A_90 = tpu.memref_slice %arg5[%add3A_88, %dma_start3A_89] : memref<40x128xi32, #tpu.memory_space<vmem>> -> memref<1x128xi32, #tpu.memory_space<vmem>>
        %dma_start3A_91 = tpu.memref_squeeze %dma_start3A_90 : memref<1x128xi32, #tpu.memory_space<vmem>> -> memref<128xi32, #tpu.memory_space<vmem>>
        %dma_start3A_92 = arith.constant 0 : i32
        %dma_start3A_93 = arith.constant 0 : i32
        %dma_start3A_94 = tpu.memref_slice %arg2[%dma_start3A_92, %dma_start3A_93] : memref<10000x128xf32, #tpu.memory_space<hbm>> -> memref<10000x128xf32, #tpu.memory_space<hbm>>
        tpu.enqueue_indirect_dma source(%dma_start3A_94 : memref<10000x128xf32, #tpu.memory_space<hbm>>) target(%arg7 : memref<128x128xf32, #tpu.memory_space<vmem>>) offsets(%dma_start3A_91 : memref<128xi32, #tpu.memory_space<vmem>>) semaphore(%arg10 : memref<!tpu.dma_semaphore, #tpu.memory_space<semaphore_mem>>)
      } else {
      }
      %dma_wait3A_80 = arith.constant 0 : i32
      %dma_wait3A_81 = tpu.memref_slice %arg5[%add3A_64, %dma_wait3A_80] : memref<40x128xi32, #tpu.memory_space<vmem>> -> memref<1x128xi32, #tpu.memory_space<vmem>>
      %dma_wait3A_82 = tpu.memref_squeeze %dma_wait3A_81 : memref<1x128xi32, #tpu.memory_space<vmem>> -> memref<128xi32, #tpu.memory_space<vmem>>
      %dma_wait3A_83 = arith.constant 0 : i32
      %dma_wait3A_84 = arith.constant 0 : i32
      %dma_wait3A_85 = tpu.memref_slice %arg2[%dma_wait3A_83, %dma_wait3A_84] : memref<10000x128xf32, #tpu.memory_space<hbm>> -> memref<10000x128xf32, #tpu.memory_space<hbm>>
      tpu.wait_indirect_dma semaphore(%arg11 : memref<!tpu.dma_semaphore, #tpu.memory_space<semaphore_mem>>) src(%dma_wait3A_85 : memref<10000x128xf32, #tpu.memory_space<hbm>>) dst(%arg8 : memref<128x128xf32, #tpu.memory_space<vmem>>)
      "tpu.region"() ({
        %run_scoped3A_87 = tpu.sem_alloc : memref<!tpu.dma_semaphore, #tpu.memory_space<semaphore_mem>>
        %dma_start3A_88 = arith.constant 0 : i32
        %dma_start3A_89 = tpu.memref_slice %arg6[%add3A_64, %dma_start3A_88] : memref<40x128xi32, #tpu.memory_space<vmem>> -> memref<1x128xi32, #tpu.memory_space<vmem>>
        %dma_start3A_90 = tpu.memref_squeeze %dma_start3A_89 : memref<1x128xi32, #tpu.memory_space<vmem>> -> memref<128xi32, #tpu.memory_space<vmem>>
        %dma_start3A_91 = arith.constant 0 : i32
        %dma_start3A_92 = arith.constant 0 : i32
        %dma_start3A_93 = tpu.memref_slice %arg9[%dma_start3A_91, %dma_start3A_92] : memref<10240x128xf32, #tpu.memory_space<vmem_shared>> -> memref<10240x128xf32, #tpu.memory_space<vmem_shared>>
        tpu.enqueue_indirect_dma source(%arg8 : memref<128x128xf32, #tpu.memory_space<vmem>>) target(%dma_start3A_93 : memref<10240x128xf32, #tpu.memory_space<vmem_shared>>) offsets(%dma_start3A_90 : memref<128xi32, #tpu.memory_space<vmem>>) semaphore(%run_scoped3A_87 : memref<!tpu.dma_semaphore, #tpu.memory_space<semaphore_mem>>) {add = true}
        %dma_wait3A_94 = arith.constant 0 : i32
        %dma_wait3A_95 = tpu.memref_slice %arg6[%add3A_64, %dma_wait3A_94] : memref<40x128xi32, #tpu.memory_space<vmem>> -> memref<1x128xi32, #tpu.memory_space<vmem>>
        %dma_wait3A_96 = tpu.memref_squeeze %dma_wait3A_95 : memref<1x128xi32, #tpu.memory_space<vmem>> -> memref<128xi32, #tpu.memory_space<vmem>>
        %dma_wait3A_97 = arith.constant 0 : i32
        %dma_wait3A_98 = arith.constant 0 : i32
        %dma_wait3A_99 = tpu.memref_slice %arg9[%dma_wait3A_97, %dma_wait3A_98] : memref<10240x128xf32, #tpu.memory_space<vmem_shared>> -> memref<10240x128xf32, #tpu.memory_space<vmem_shared>>
        tpu.wait_indirect_dma semaphore(%run_scoped3A_87 : memref<!tpu.dma_semaphore, #tpu.memory_space<semaphore_mem>>) src(%arg8 : memref<128x128xf32, #tpu.memory_space<vmem>>) dst(%dma_wait3A_99 : memref<10240x128xf32, #tpu.memory_space<vmem_shared>>)
        tpu.yield
      }) : () -> ()
      %scan3A_86 = arith.constant 0 : i32
      scf.yield %scan3A_86 : i32
    }
    %scan3A_57 = arith.constant 20 : i32
    %barrier3A_58 = arith.constant 0 : index
    tpu.barrier barrier_id(%barrier3A_58)
    "tpu.region"() ({
      %run_scoped3A_59 = tpu.sem_alloc : memref<!tpu.dma_semaphore, #tpu.memory_space<semaphore_mem>>
      %dma_start3A_60 = arith.constant 0 : i32
      %dma_start3A_61 = tpu.memref_slice %arg4[%arg0, %mul3A_20, %dma_start3A_60] : memref<2x10240x128xf32, #tpu.memory_space<hbm>> -> memref<1x640x128xf32, #tpu.memory_space<hbm>>
      %dma_start3A_62 = tpu.memref_squeeze %dma_start3A_61 : memref<1x640x128xf32, #tpu.memory_space<hbm>> -> memref<640x128xf32, #tpu.memory_space<hbm>>
      %dma_start3A_63 = arith.constant 0 : i32
      %dma_start3A_64 = tpu.memref_slice %arg9[%mul3A_20, %dma_start3A_63] : memref<10240x128xf32, #tpu.memory_space<vmem_shared>> -> memref<640x128xf32, #tpu.memory_space<vmem_shared>>
      tpu.enqueue_dma source(%dma_start3A_64 : memref<640x128xf32, #tpu.memory_space<vmem_shared>>) target(%dma_start3A_62 : memref<640x128xf32, #tpu.memory_space<hbm>>) target_semaphore(%run_scoped3A_59 : memref<!tpu.dma_semaphore, #tpu.memory_space<semaphore_mem>>)
      %dma_wait3A = arith.constant 0 : i32
      %dma_wait3A_65 = tpu.memref_slice %arg4[%arg0, %mul3A_20, %dma_wait3A] : memref<2x10240x128xf32, #tpu.memory_space<hbm>> -> memref<1x640x128xf32, #tpu.memory_space<hbm>>
      %dma_wait3A_66 = tpu.memref_squeeze %dma_wait3A_65 : memref<1x640x128xf32, #tpu.memory_space<hbm>> -> memref<640x128xf32, #tpu.memory_space<hbm>>
      %dma_wait3A_67 = arith.constant 0 : i32
      %dma_wait3A_68 = tpu.memref_slice %arg9[%mul3A_20, %dma_wait3A_67] : memref<10240x128xf32, #tpu.memory_space<vmem_shared>> -> memref<640x128xf32, #tpu.memory_space<vmem_shared>>
      tpu.wait_dma2 semaphore(%run_scoped3A_59 : memref<!tpu.dma_semaphore, #tpu.memory_space<semaphore_mem>>) src(%dma_wait3A_68 : memref<640x128xf32, #tpu.memory_space<vmem_shared>>) dst(%dma_wait3A_66 : memref<640x128xf32, #tpu.memory_space<hbm>>)
      tpu.yield
    }) : () -> ()
    return
  }
}

module attributes {stable_mosaic.version = 14 : i64} {
  func.func @_tc1_body(%arg0: i32, %arg1: memref<2560x128xf32, #tpu.memory_space<vmem>>, %arg2: memref<128x128xf32, #tpu.memory_space<vmem>>, %arg3: memref<2560x1xf32, #tpu.memory_space<vmem>>, %arg4: memref<2560x128xf32, #tpu.memory_space<vmem>>) attributes {dimension_semantics = [#tpu.dimension_semantics<arbitrary>], iteration_bounds = array<i64: 4>, scalar_prefetch = 0 : i64, scratch_operands = 0 : i64, tpu.core_type = #tpu.core_type<tc>, window_params = [{transform_indices = @transform_0, window_bounds = array<i64: 2560, 128>}, {pipeline_mode = #tpu.pipeline_mode<synchronous>, transform_indices = @transform_1, window_bounds = array<i64: 128, 128>}, {transform_indices = @transform_2, window_bounds = array<i64: 2560, 1>}, {transform_indices = @transform_3, window_bounds = array<i64: 2560, 128>}]} {
    %get3A = arith.constant 0 : index
    %get3A_0 = arith.constant 0 : index
    %get3A_1 = vector.load %arg3[%get3A, %get3A_0] : memref<2560x1xf32, #tpu.memory_space<vmem>>, vector<2560x1xf32>
    %max3A = arith.constant 1.000000e+00 : f32
    %max3A_2 = vector.broadcast %max3A : f32 to vector<2560x1xf32>
    %max3A_3 = arith.maximumf %get3A_1, %max3A_2 : vector<2560x1xf32>
    %rsqrt3A = math.rsqrt %max3A_3 : vector<2560x1xf32>
    %get3A_4 = arith.constant 0 : index
    %get3A_5 = arith.constant 0 : index
    %get3A_6 = vector.load %arg1[%get3A_4, %get3A_5] : memref<2560x128xf32, #tpu.memory_space<vmem>>, vector<2560x128xf32>
    %get3A_7 = arith.constant 0 : index
    %get3A_8 = arith.constant 0 : index
    %get3A_9 = vector.load %arg2[%get3A_7, %get3A_8] : memref<128x128xf32, #tpu.memory_space<vmem>>, vector<128x128xf32>
    %dot_general3A = arith.constant dense<0.000000e+00> : vector<2560x128xf32>
    %dot_general3A_10 = tpu.matmul %get3A_6, %get3A_9, %dot_general3A {dimension_numbers = #tpu.dot_dimension_numbers<[1], [0], [0], [1], [0, 0, 1, 1], [], []>, transpose_lhs_hint = false} : vector<2560x128xf32>, vector<128x128xf32>, vector<2560x128xf32> -> vector<2560x128xf32>
    %mul3A = vector.broadcast %rsqrt3A : vector<2560x1xf32> to vector<2560x128xf32>
    %mul3A_11 = arith.mulf %dot_general3A_10, %mul3A : vector<2560x128xf32>
    %swap3A = arith.constant 0 : index
    %swap3A_12 = arith.constant 0 : index
    %swap3A_13 = vector.load %arg4[%swap3A, %swap3A_12] : memref<2560x128xf32, #tpu.memory_space<vmem>>, vector<2560x128xf32>
    tpu.vector_store %arg4[%swap3A, %swap3A_12], %mul3A_11 {strides = array<i32>} : memref<2560x128xf32, #tpu.memory_space<vmem>>, vector<2560x128xf32>,
    return
  }
  func.func @transform_0(%arg0: i32) -> (i32, i32) {
    %c0_i32 = arith.constant 0 : i32
    %c0_i32_0 = arith.constant 0 : i32
    return %arg0, %c0_i32 : i32, i32
  }
  func.func @transform_1(%arg0: i32) -> (i32, i32) {
    %c0_i32 = arith.constant 0 : i32
    %c0_i32_0 = arith.constant 0 : i32
    %c0_i32_1 = arith.constant 0 : i32
    return %c0_i32, %c0_i32_0 : i32, i32
  }
  func.func @transform_2(%arg0: i32) -> (i32, i32) {
    %c0_i32 = arith.constant 0 : i32
    %c0_i32_0 = arith.constant 0 : i32
    return %arg0, %c0_i32 : i32, i32
  }
  func.func @transform_3(%arg0: i32) -> (i32, i32) {
    %c0_i32 = arith.constant 0 : i32
    %c0_i32_0 = arith.constant 0 : i32
    return %arg0, %c0_i32 : i32, i32
  }
}

module attributes {stable_mosaic.version = 14 : i64} {
  func.func @_tc2_body(%arg0: i32, %arg1: memref<1x2560x128xf32, #tpu.memory_space<vmem>>, %arg2: memref<1x2560x128xf32, #tpu.memory_space<vmem>>, %arg3: memref<2560x1xf32, #tpu.memory_space<vmem>>, %arg4: memref<1x128xf32, #tpu.memory_space<vmem>>, %arg5: memref<128x128xf32, #tpu.memory_space<vmem>>, %arg6: memref<2560x128xf32, #tpu.memory_space<vmem>>) attributes {dimension_semantics = [#tpu.dimension_semantics<arbitrary>], iteration_bounds = array<i64: 4>, scalar_prefetch = 0 : i64, scratch_operands = 0 : i64, tpu.core_type = #tpu.core_type<tc>, window_params = [{transform_indices = @transform_0, window_bounds = array<i64: 1, 2560, 128>}, {transform_indices = @transform_1, window_bounds = array<i64: 1, 2560, 128>}, {transform_indices = @transform_2, window_bounds = array<i64: 2560, 1>}, {pipeline_mode = #tpu.pipeline_mode<synchronous>, transform_indices = @transform_3, window_bounds = array<i64: 1, 128>}, {pipeline_mode = #tpu.pipeline_mode<synchronous>, transform_indices = @transform_4, window_bounds = array<i64: 128, 128>}, {transform_indices = @transform_5, window_bounds = array<i64: 2560, 128>}]} {
    %get3A = arith.constant 0 : index
    %get3A_0 = arith.constant 0 : index
    %get3A_1 = vector.load %arg3[%get3A, %get3A_0] : memref<2560x1xf32, #tpu.memory_space<vmem>>, vector<2560x1xf32>
    %max3A = arith.constant 1.000000e+00 : f32
    %max3A_2 = vector.broadcast %max3A : f32 to vector<2560x1xf32>
    %max3A_3 = arith.maximumf %get3A_1, %max3A_2 : vector<2560x1xf32>
    %rsqrt3A = math.rsqrt %max3A_3 : vector<2560x1xf32>
    %get3A_4 = arith.constant 0 : index
    %get3A_5 = arith.constant 0 : index
    %get3A_6 = arith.constant 0 : index
    %get3A_7 = vector.load %arg1[%get3A_4, %get3A_5, %get3A_6] : memref<1x2560x128xf32, #tpu.memory_space<vmem>>, vector<1x2560x128xf32>
    %get3A_8 = vector.shape_cast %get3A_7 : vector<1x2560x128xf32> to vector<2560x128xf32>
    %get3A_9 = arith.constant 0 : index
    %get3A_10 = arith.constant 0 : index
    %get3A_11 = arith.constant 0 : index
    %get3A_12 = vector.load %arg2[%get3A_9, %get3A_10, %get3A_11] : memref<1x2560x128xf32, #tpu.memory_space<vmem>>, vector<1x2560x128xf32>
    %get3A_13 = vector.shape_cast %get3A_12 : vector<1x2560x128xf32> to vector<2560x128xf32>
    %add3A = arith.addf %get3A_8, %get3A_13 : vector<2560x128xf32>
    %mul3A = vector.broadcast %rsqrt3A : vector<2560x1xf32> to vector<2560x128xf32>
    %mul3A_14 = arith.mulf %add3A, %mul3A : vector<2560x128xf32>
    %get3A_15 = arith.constant 0 : index
    %get3A_16 = arith.constant 0 : index
    %get3A_17 = vector.load %arg4[%get3A_15, %get3A_16] : memref<1x128xf32, #tpu.memory_space<vmem>>, vector<1x128xf32>
    %add3A_18 = vector.broadcast %get3A_17 : vector<1x128xf32> to vector<2560x128xf32>
    %add3A_19 = arith.addf %mul3A_14, %add3A_18 : vector<2560x128xf32>
    %max3A_20 = arith.constant 0.000000e+00 : f32
    %max3A_21 = vector.broadcast %max3A_20 : f32 to vector<2560x128xf32>
    %max3A_22 = arith.maximumf %add3A_19, %max3A_21 : vector<2560x128xf32>
    %get3A_23 = arith.constant 0 : index
    %get3A_24 = arith.constant 0 : index
    %get3A_25 = vector.load %arg5[%get3A_23, %get3A_24] : memref<128x128xf32, #tpu.memory_space<vmem>>, vector<128x128xf32>
    %dot_general3A = arith.constant dense<0.000000e+00> : vector<2560x128xf32>
    %dot_general3A_26 = tpu.matmul %max3A_22, %get3A_25, %dot_general3A {dimension_numbers = #tpu.dot_dimension_numbers<[1], [0], [0], [1], [0, 0, 1, 1], [], []>, transpose_lhs_hint = false} : vector<2560x128xf32>, vector<128x128xf32>, vector<2560x128xf32> -> vector<2560x128xf32>
    %mul3A_27 = vector.broadcast %rsqrt3A : vector<2560x1xf32> to vector<2560x128xf32>
    %mul3A_28 = arith.mulf %dot_general3A_26, %mul3A_27 : vector<2560x128xf32>
    %swap3A = arith.constant 0 : index
    %swap3A_29 = arith.constant 0 : index
    %swap3A_30 = vector.load %arg6[%swap3A, %swap3A_29] : memref<2560x128xf32, #tpu.memory_space<vmem>>, vector<2560x128xf32>
    tpu.vector_store %arg6[%swap3A, %swap3A_29], %mul3A_28 {strides = array<i32>} : memref<2560x128xf32, #tpu.memory_space<vmem>>, vector<2560x128xf32>,
    return
  }
  func.func @transform_0(%arg0: i32) -> (i32, i32, i32) {
    %c0_i32 = arith.constant 0 : i32
    %c0_i32_0 = arith.constant 0 : i32
    %c0_i32_1 = arith.constant 0 : i32
    return %c0_i32, %arg0, %c0_i32_0 : i32, i32, i32
  }
  func.func @transform_1(%arg0: i32) -> (i32, i32, i32) {
    %c1_i32 = arith.constant 1 : i32
    %c0_i32 = arith.constant 0 : i32
    %c0_i32_0 = arith.constant 0 : i32
    return %c1_i32, %arg0, %c0_i32 : i32, i32, i32
  }
  func.func @transform_2(%arg0: i32) -> (i32, i32) {
    %c0_i32 = arith.constant 0 : i32
    %c0_i32_0 = arith.constant 0 : i32
    return %arg0, %c0_i32 : i32, i32
  }
  func.func @transform_3(%arg0: i32) -> (i32, i32) {
    %c0_i32 = arith.constant 0 : i32
    %c0_i32_0 = arith.constant 0 : i32
    %c0_i32_1 = arith.constant 0 : i32
    return %c0_i32, %c0_i32_0 : i32, i32
  }
  func.func @transform_4(%arg0: i32) -> (i32, i32) {
    %c0_i32 = arith.constant 0 : i32
    %c0_i32_0 = arith.constant 0 : i32
    %c0_i32_1 = arith.constant 0 : i32
    return %c0_i32, %c0_i32_0 : i32, i32
  }
  func.func @transform_5(%arg0: i32) -> (i32, i32) {
    %c0_i32 = arith.constant 0 : i32
    %c0_i32_0 = arith.constant 0 : i32
    return %arg0, %c0_i32 : i32, i32
  }
}

module attributes {stable_mosaic.version = 14 : i64} {
  func.func @_tc3_body(%arg0: i32, %arg1: memref<1x2560x128xf32, #tpu.memory_space<vmem>>, %arg2: memref<1x2560x128xf32, #tpu.memory_space<vmem>>, %arg3: memref<2560x1xf32, #tpu.memory_space<vmem>>, %arg4: memref<1x128xf32, #tpu.memory_space<vmem>>, %arg5: memref<2560x128xf32, #tpu.memory_space<vmem>>) attributes {dimension_semantics = [#tpu.dimension_semantics<arbitrary>], iteration_bounds = array<i64: 4>, scalar_prefetch = 0 : i64, scratch_operands = 0 : i64, tpu.core_type = #tpu.core_type<tc>, window_params = [{transform_indices = @transform_0, window_bounds = array<i64: 1, 2560, 128>}, {transform_indices = @transform_1, window_bounds = array<i64: 1, 2560, 128>}, {transform_indices = @transform_2, window_bounds = array<i64: 2560, 1>}, {pipeline_mode = #tpu.pipeline_mode<synchronous>, transform_indices = @transform_3, window_bounds = array<i64: 1, 128>}, {transform_indices = @transform_4, window_bounds = array<i64: 2560, 128>}]} {
    %get3A = arith.constant 0 : index
    %get3A_0 = arith.constant 0 : index
    %get3A_1 = vector.load %arg3[%get3A, %get3A_0] : memref<2560x1xf32, #tpu.memory_space<vmem>>, vector<2560x1xf32>
    %max3A = arith.constant 1.000000e+00 : f32
    %max3A_2 = vector.broadcast %max3A : f32 to vector<2560x1xf32>
    %max3A_3 = arith.maximumf %get3A_1, %max3A_2 : vector<2560x1xf32>
    %rsqrt3A = math.rsqrt %max3A_3 : vector<2560x1xf32>
    %get3A_4 = arith.constant 0 : index
    %get3A_5 = arith.constant 0 : index
    %get3A_6 = arith.constant 0 : index
    %get3A_7 = vector.load %arg1[%get3A_4, %get3A_5, %get3A_6] : memref<1x2560x128xf32, #tpu.memory_space<vmem>>, vector<1x2560x128xf32>
    %get3A_8 = vector.shape_cast %get3A_7 : vector<1x2560x128xf32> to vector<2560x128xf32>
    %get3A_9 = arith.constant 0 : index
    %get3A_10 = arith.constant 0 : index
    %get3A_11 = arith.constant 0 : index
    %get3A_12 = vector.load %arg2[%get3A_9, %get3A_10, %get3A_11] : memref<1x2560x128xf32, #tpu.memory_space<vmem>>, vector<1x2560x128xf32>
    %get3A_13 = vector.shape_cast %get3A_12 : vector<1x2560x128xf32> to vector<2560x128xf32>
    %add3A = arith.addf %get3A_8, %get3A_13 : vector<2560x128xf32>
    %mul3A = vector.broadcast %rsqrt3A : vector<2560x1xf32> to vector<2560x128xf32>
    %mul3A_14 = arith.mulf %add3A, %mul3A : vector<2560x128xf32>
    %get3A_15 = arith.constant 0 : index
    %get3A_16 = arith.constant 0 : index
    %get3A_17 = vector.load %arg4[%get3A_15, %get3A_16] : memref<1x128xf32, #tpu.memory_space<vmem>>, vector<1x128xf32>
    %add3A_18 = vector.broadcast %get3A_17 : vector<1x128xf32> to vector<2560x128xf32>
    %add3A_19 = arith.addf %mul3A_14, %add3A_18 : vector<2560x128xf32>
    %swap3A = arith.constant 0 : index
    %swap3A_20 = arith.constant 0 : index
    %swap3A_21 = vector.load %arg5[%swap3A, %swap3A_20] : memref<2560x128xf32, #tpu.memory_space<vmem>>, vector<2560x128xf32>
    tpu.vector_store %arg5[%swap3A, %swap3A_20], %add3A_19 {strides = array<i32>} : memref<2560x128xf32, #tpu.memory_space<vmem>>, vector<2560x128xf32>,
    return
  }
  func.func @transform_0(%arg0: i32) -> (i32, i32, i32) {
    %c0_i32 = arith.constant 0 : i32
    %c0_i32_0 = arith.constant 0 : i32
    %c0_i32_1 = arith.constant 0 : i32
    return %c0_i32, %arg0, %c0_i32_0 : i32, i32, i32
  }
  func.func @transform_1(%arg0: i32) -> (i32, i32, i32) {
    %c1_i32 = arith.constant 1 : i32
    %c0_i32 = arith.constant 0 : i32
    %c0_i32_0 = arith.constant 0 : i32
    return %c1_i32, %arg0, %c0_i32 : i32, i32, i32
  }
  func.func @transform_2(%arg0: i32) -> (i32, i32) {
    %c0_i32 = arith.constant 0 : i32
    %c0_i32_0 = arith.constant 0 : i32
    return %arg0, %c0_i32 : i32, i32
  }
  func.func @transform_3(%arg0: i32) -> (i32, i32) {
    %c0_i32 = arith.constant 0 : i32
    %c0_i32_0 = arith.constant 0 : i32
    %c0_i32_1 = arith.constant 0 : i32
    return %c0_i32, %c0_i32_0 : i32, i32
  }
  func.func @transform_4(%arg0: i32) -> (i32, i32) {
    %c0_i32 = arith.constant 0 : i32
    %c0_i32_0 = arith.constant 0 : i32
    return %arg0, %c0_i32 : i32, i32
  }
}

</mosaic_0001>

<sc_bundles>
// kernel: kernel.11.cloned.1.call-start
scs
__scs_entry_jumppad:
0x0: {  	(pc) =	sbr.rel $0x88, $3  }
0x1: {  	(tag) =	ssettag $0x0;
	lr =	simm.s32 $0x1  }
0x2: {  	[smem:$0x3F9B] =	sst lr;
	_ =	strace $0xD0000000  }
0x3: {  	_ = 	snop  }
0x4: {  	_ = 	snop  }
0x5: {  	_ = 	snop  }
0x6: {  	_ = 	snop  }
0x7: {  	_ = 	snop  }
__scs_overlays_trampoline_lowered:
0x8: {  	[smem:$0x3FAA] =	sst s0  }
0x9: {  	[smem:$0x3FAB] =	sst s1  }
0xa: {  	[smem:$0x3FAC] =	sst s2  }
0xb: {  	[smem:$0x3FAD] =	sst s3  }
0xc: {  	[smem:$0x3FAE] =	sst s4  }
0xd: {  	[smem:$0x3FAF] =	sst s5  }
0xe: {  	[smem:$0x3FB0] =	sst s6  }
0xf: {  	[smem:$0x3FB1] =	sst s7  }
0x10: {  	[smem:$0x3FB2] =	sst s8  }
0x11: {  	[smem:$0x3FB3] =	sst s9;
	s0 =	simm.s32 @!p0 $0x0  }
0x12: {  	s1 =	sld [smem:$0x3F99];
	s0 =	simm.s32 @p0 $0x1  }
0x13: {  	[smem:$0x3FB4] =	sst s0;
	s0 =	simm.s32 @!p1 $0x0  }
0x14: {  	s2 =	sld [smem:$0x3F98];
	s0 =	simm.s32 @p1 $0x1  }
0x15: {  	[smem:$0x3FB5] =	sst s0;
	s0 =	simm.s32 @!p2 $0x0  }
0x16: {  	s3 =	sld [smem:$0x3FDB];
	s0 =	simm.s32 @p2 $0x1  }
0x17: {  	s4 =	simm.s32 $0x1BF5;
	[smem:$0x3FB7] =	sst s0  }
0x18: {  	s0 =	sld [smem:$0x3F9A];
	_ =	swait.ge [sflag:s4], $0x0  }
0x19: {  	s7 =	sld [smem:$0x3F9B]  }
0x1a: {  	s8 =	sadd.s32 $0xFFFFE003, lr  }
0x1b: {  	s9 =	sadd.s32 $0xFFFFFEF7, lr;
	s5 =	simm.s32 $0xFFFFFFFF;
	p2 =	slt.u32 s8, $0xFFFFF086  }
0x1c: {  	p1 =	slt.u32 s9, $0xF7A;
	s5 =	simm.s32 @!p2 $0x0  }
0x1d: {  	s5 =	simm.s32 @p1 $0x1;
	p0 =	seq.s32 s7, s2  }
0x1e: {  	s7 =	smul.u32 @!p0 $0xF7A, s2;
	p2 =	seq.s32 @!p0 s5, $0x0  }
0x1f: {  	s9 =	smul.u32 $0xF7A, s1;
	s8 =	simm.s32 @!p0 $0x1BF5;
	p2 =	por !p2, p0  }
0x20: {  	[sflag:s8] =	ssyncset.s32 @!p0 $0xFFFFF086;
	s6 =	sadd.s32 @!p0 s3, s7;
	s7 =	simm.s32 @!p0 $0x108  }
0x21: {  	s3 =	sadd.s32 s3, s9;
	s6 =	sadd.s32 @!p0 $0x88, s6;
	s7 =	simm.s32 @p2 $0x1082  }
0x22: {  	[simem:s7], [sflag:s8] =	dma.local @!p0 [hbm:s6], $0xF7A  }
0x23: {  	s9 =	sor.u32 $0xD0000000, s2;
	s6 =	simm.s32 $0x108;
	_ =	swait.ge @!p0 [sflag:s8], $0x0  }
0x24: {  	s3 =	sadd.s32 $0x88, s3;
	s6 =	simm.s32 @!p1 $0x1082;
	[sflag:s4] =	ssyncset.s32 $0xFFFFF086  }
0x25: {  	[simem:s6], [sflag:s4] =	dma.local [hbm:s3], $0xF7A  }
0x26: {  	[smem:$0x3F9B] =	sst s1;
	(tag) =	ssettag s2;
	_ =	strace s9  }
0x27: {  	s1 =	sld [smem:$0x3FAB]  }
0x28: {  	s2 =	sld [smem:$0x3FAC]  }
0x29: {  	s4 =	sld [smem:$0x3FAE]  }
0x2a: {  	p0 =	seq.s32 s5, $0x0;
	s5 =	sld [smem:$0x3FAF]  }
0x2b: {  	s6 =	sld [smem:$0x3FB0]  }
0x2c: {  	s7 =	sld [smem:$0x3FB1]  }
0x2d: {  	s3 =	simm.s32 $0x108;
	s8 =	sld [smem:$0x3FB2]  }
0x2e: {  	s3 =	simm.s32 @!p0 $0x1082;
	s9 =	sld [smem:$0x3FB3]  }
0x2f: {  	lr =	sadd.s32 s0, s3;
	s0 =	sld [smem:$0x3FAA]  }
0x30: {  	s3 =	sld [smem:$0x3FAD]  }
0x31: {  	[smem:$0x3FB6] =	sst s10  }
0x32: {  	s10 =	sld [smem:$0x3FB4];
	_ =	sdelay $0x3  }
0x33: {  	p0 =	seq.s32 s10, $0x1;
	s10 =	sld [smem:$0x3FB6];
	_ =	sdelay $0x3  }
0x34: {  	[smem:$0x3FB6] =	sst s10  }
0x35: {  	s10 =	sld [smem:$0x3FB5];
	_ =	sdelay $0x3  }
0x36: {  	p1 =	seq.s32 s10, $0x1;
	s10 =	sld [smem:$0x3FB6];
	_ =	sdelay $0x3  }
0x37: {  	[smem:$0x3FB6] =	sst s10  }
0x38: {  	s10 =	sld [smem:$0x3FB7]  }
0x39: {  	_ = 	snop;
	(pc) =	sbr.ind lr, $3  }
0x3a: {  	_ = 	snop  }
0x3b: {  	_ = 	snop  }
0x3c: {  	p2 =	seq.s32 s10, $0x1;
	s10 =	sld [smem:$0x3FB6]  }
0x3d: {  	_ =	shalt  }
0x3e: {  	_ =	shalt  }
0x3f: {  	_ =	shalt  }
0x40: {  	_ =	shalt  }
0x41: {  	_ =	shalt  }
0x42: {  	_ =	shalt  }
0x43: {  	_ =	shalt  }
0x44: {  	_ =	shalt  }
0x45: {  	_ =	shalt  }
0x46: {  	_ =	shalt  }
0x47: {  	_ =	shalt  }
0x48: {  	_ =	shalt  }
0x49: {  	_ =	shalt  }
0x4a: {  	_ =	shalt  }
0x4b: {  	_ =	shalt  }
0x4c: {  	_ =	shalt  }
0x4d: {  	_ =	shalt  }
0x4e: {  	_ =	shalt  }
0x4f: {  	_ =	shalt  }
0x50: {  	_ =	shalt  }
0x51: {  	_ =	shalt  }
0x52: {  	_ =	shalt  }
0x53: {  	_ =	shalt  }
0x54: {  	_ =	shalt  }
0x55: {  	_ =	shalt  }
0x56: {  	_ =	shalt  }
0x57: {  	_ =	shalt  }
0x58: {  	_ =	shalt  }
0x59: {  	_ =	shalt  }
0x5a: {  	_ =	shalt  }
0x5b: {  	_ =	shalt  }
0x5c: {  	_ =	shalt  }
0x5d: {  	_ =	shalt  }
0x5e: {  	_ =	shalt  }
0x5f: {  	_ =	shalt  }
0x60: {  	_ =	shalt  }
0x61: {  	_ =	shalt  }
0x62: {  	_ =	shalt  }
0x63: {  	_ =	shalt  }
0x64: {  	_ =	shalt  }
0x65: {  	_ =	shalt  }
0x66: {  	_ =	shalt  }
0x67: {  	_ =	shalt  }
0x68: {  	_ =	shalt  }
0x69: {  	_ =	shalt  }
0x6a: {  	_ =	shalt  }
0x6b: {  	_ =	shalt  }
0x6c: {  	_ =	shalt  }
0x6d: {  	_ =	shalt  }
0x6e: {  	_ =	shalt  }
0x6f: {  	_ =	shalt  }
0x70: {  	_ =	shalt  }
0x71: {  	_ =	shalt  }
0x72: {  	_ =	shalt  }
0x73: {  	_ =	shalt  }
0x74: {  	_ =	shalt  }
0x75: {  	_ =	shalt  }
0x76: {  	_ =	shalt  }
0x77: {  	_ =	shalt  }
0x78: {  	_ =	shalt  }
0x79: {  	_ =	shalt  }
0x7a: {  	_ =	shalt  }
0x7b: {  	_ =	shalt  }
0x7c: {  	_ =	shalt  }
0x7d: {  	_ =	shalt  }
0x7e: {  	_ =	shalt  }
0x7f: {  	_ =	shalt  }
0x80: {  	_ =	shalt  }
0x81: {  	_ =	shalt  }
0x82: {  	_ =	shalt  }
0x83: {  	_ =	shalt  }
0x84: {  	_ =	shalt  }
0x85: {  	_ =	shalt  }
0x86: {  	_ =	shalt  }
0x87: {  	_ =	shalt  }
.Lfunc_end0:
.L_simem_size_0:
called_computation.1_lowered:
.L_overlay_start_0:
0x88: {  	s2 =	sld [smem:$0x3FD9]  }
0x89: {  	s3 =	sld [smem:$0x3FFE];
	_ =	sdelay $0x1  }
0x8a: {  	s1 =	srdreg.scid  }
0x8b: {  	s0 =	sand.u32 $0x1, s1  }
0x8c: {  	s17 =	sshll.u32 s0, $0xA;
	s2 =	sadd.s32 s3, s2  }
0x8d: {  	s2 =	sadd.s32 s2, s17  }
0x8e: {  	[smem:$0x3FC2] =	sst s2  }
0x8f: {  	_ = 	snop  }
0x90: {  	s2 =	sld [smem:$0x3FD0];
	(tm) =	ssettm $0x1  }
0x91: {  	s18 =	sld [smem:$0x3FFB];
	_ =	sdelay $0x3  }
0x92: {  	_ =	strace s18  }
0x93: {  	s3 =	sld [smem:$0x3FFC];
	_ =	sdelay $0x3  }
0x94: {  	_ =	strace s3  }
0x95: {  	s3 =	sld [smem:$0x3FFD];
	_ =	sdelay $0x3  }
0x96: {  	_ =	strace s3  }
0x97: {  	_ =	strace $0x8FFFFFFF  }
0x98: {  	s19 =	sld [smem:$0x3FDB];
	_ =	sdelay $0x1  }
0x99: {  	s4 =	simm.s32 $_scs_section_size  }
0x9a: {  	s5 =	simm.s32 $_size__tile_overlayer_lowered;
	s6 =	simm.s32 $_tile_overlayer_lowered  }
0x9b: {  	s22 =	simm.s32 $0x1BFF;
	s21 =	sshll.u32 s6, $0x1;
	s3 =	sadd.s32 s4, s19  }
0x9c: {  	s7 =	simm.s32 $0x0;
	s20 =	sshll.u32 s5, $0x1;
	s5 =	sadd.s32 s21, s3  }
0x9d: {  	[timem:s7], [sflag:s22] =	dma.local [hbm:s5], s20  }
0x9e: {  	_ =	swait.ge [sflag:s22], s20  }
0x9f: {  	s4 =	ssub.s32 $0x0, s20;
	[sflag:s22] =	ssyncset.done $0x0  }
0xa0: {  	[sflag:s22] =	ssyncadd.s32 s4;
	_ =	sdelay $0x1  }
0xa1: {  	s23 =	simm.s32 $0x1B8B  }
0xa2: {  	_ =	swait.ge [sflag:s23], $0x1  }
0xa3: {  	[sflag:s23] =	ssyncset.done $0x0  }
0xa4: {  	s25 =	simm.s32 $0x1B8E;
	s24 =	sld [smem:$0x3FFE];
	[sflag:s23] =	ssyncadd.s32 $0xFFFFFFFF  }
0xa5: {  	s26 =	simm.s32 $execute0_lowered;
	[smem:$0x3FD2] =	sst s25  }
0xa6: {  	s5 =	sshll.u32 s26, $0x1;
	_ =	strace $0x80000049;
	[dreg:$0x1] =	wrdreg $0xFFFFFFFF  }
0xa7: {  	s28 =	simm.s32 $_size_execute0_lowered;
	s3 =	sadd.s32 s3, s5;
	[dreg:$0x0] =	wrdreg $0x0  }
0xa8: {  	s5 =	sshll.u32 s28, $0x1;
	[dreg:$0x2] =	wrdreg s3  }
0xa9: {  	[dreg:$0x3] =	wrdreg s5  }
0xaa: {  	[dreg:$0x4] =	wrdreg $0xC0  }
0xab: {  	_ =	task [dreg:s7], $0x5FFFF  }
0xac: {  	[dreg:$0x1] =	wrdreg $0xFFFFFFFF  }
0xad: {  	[dreg:$0x0] =	wrdreg $0x60  }
0xae: {  	[dreg:$0x2] =	wrdreg s2  }
0xaf: {  	[dreg:$0x3] =	wrdreg s24  }
0xb0: {  	[dreg:$0x4] =	wrdreg $0xA8000  }
0xb1: {  	[dreg:$0x5] =	wrdreg $0x9  }
0xb2: {  	_ =	task.clear_ibuf [dreg:s7], $0x6FFFF;
	_ =	strace $0x90000049  }
0xb3: {  	s29 =	simm.s32 $0x9;
	_ =	strace $0x8000004B  }
0xb4: {  	_ =	swait.ge [sflag:s29], $0x1  }
0xb5: {  	[sflag:s29] =	ssyncadd.s32 $0xFFFFFFFF  }
0xb6: {  	_ =	strace $0x9000004B  }
0xb7: {  	_ =	sfence  }
0xb8: {  	s30 =	sld [smem:$0x0];
	_ =	sdelay $0x2  }
0xb9: {  	s31 =	sshll.u32 s1, $0xD;
	s1 =	sshrl.u32 s1, $0x2  }
0xba: {  	s3 =	sand.u32 $0x4000, s31;
	s1 =	sadd.s32 s1, s30  }
0xbb: {  	s0 =	sor.u32 s3, s0;
	s1 =	sshll.u32 s1, $0x11  }
0xbc: {  	s0 =	sor.u32 s1, s0  }
0xbd: {  	s0 =	sadd.s32 $0x8F2B, s0  }
0xbe: {  	[sflag:s0] =	ssyncadd.remote.s32 $0x1  }
0xbf: {  	_ =	sfence.sel $0xFFFF  }
0xc0: {  	[dreg:$0x0] =	wrdreg $0xFFFFFFFF;
	(pc) =	sbr.abs _section_cstart, $3  }
0xc1: {  	[dreg:$0x1] =	wrdreg $0xFFFFFFFF  }
0xc2: {  	_ =	task.clear_ibuf [dreg:s7], $0x2FFFF;
	_ =	strace $0x9FFFFFFF  }
0xc3: {  	(tm) =	ssettm $0x7FFFFFFF  }
tec
execute0_lowered:
.L_overlay_start_1:
0x0: {  	(tag) =	ssettag $0x1  }
0x1: {  	s1 =	rddreg [dreg:$0x0]  }
0x2: {  	s2 =	srdreg.scid;
	s6 =	rddreg [dreg:$0x1]  }
0x3: {  	s0 =	stileid.u32;
	s3 =	rddreg [dreg:$0x2];
	s4 =	simm.s32 $0x0  }
0x4: {  	s16 =	simm.s32 $0x3;
	s17 =	simm.s32 $0x1400;
	s18 =	simm.s32 $0x80  }
0x5: {  	s19 =	simm.s32 $0x2800;
	s20 =	simm.s32 $0x6800;
	s21 =	simm.s32 $0x1  }
0x6: {  	s22 =	simm.s32 $0x2;
	s23 =	simm.s32 $0x1380;
	s24 =	simm.s32 $0x2700  }
0x7: {  	s28 =	simm.s32 $0x0;
	s5 =	sand.u32 $0x1, s2;
	s9 =	smul.u32 $0x14000, s0  }
0x8: {  	s25 =	sshll.u32 s0, $0x1;
	[smem:$0x7FF] =	sst s4;
	s26 =	smul.u32 $0x50000, s0  }
0x9: {  	s2 =	sor.u32 s5, s25;
	s8 =	smul.u32 $0x140000, s5;
	_ =	strace $0x8000004A  }
0xa: {  	s5 =	ssub.s32 $0x2, s5;
	s25 =	sshll.u32 s0, $0x6;
	s7 =	smul.u32 $0x2800, s2  }
0xb: {  	s30 =	sshrl.u32 s5, $0x1;
	s31 =	sshrl.u32 s26, $0x2;
	s25 =	sor.u32 $0x1C03, s25  }
0xc: {  	s26 =	simm.s32 $0x2780;
	s8 =	sadd.s32 s9, s8;
	s15 =	ssub.s32 s5, s30  }
0xd: {  	s7 =	sshrl.u32 s7, $0x3;
	s29 =	sshrl.u32 s8, $0x3;
	s15 =	smax.u32 s15, $0x1  }
0xe: {  	s13 =	sadd.s32 s7, s6;
	s14 =	sadd.s32 s29, s6;
	s7 =	sadd.s32 s31, s3  }
0xf: {  	s5 =	sadd.s32 $0x2600, s13;
	s6 =	sadd.s32 $0xC600, s13;
	s8 =	sadd.s32 $0x4000, s7  }
0x10: {  	s9 =	sadd.s32 $0x8000, s7;
	s10 =	sadd.s32 $0xC000, s7;
	s11 =	sadd.s32 $0x10000, s7  }
0x11: {  	v0 =	vimm.f32 $0.0e+00;
	s12 =	sadd.s32 $0x2880, s13;
	s13 =	sadd.s32 $0xC880, s13;
	s14 =	sadd.s32 $0x16600, s14  }
.LBB2_1:
0x12: {  	[tilespmem:s4], [sflag:$0x3] =	stream.linear.gather [hbm4b:s5+s4], $0x1400, $0x38;
	[tilespmem:$0x1E800] =	vst v63  }
0x13: {  	_ =	swait.ge [sflag:s16], $0x1400  }
0x14: {  	[sflag:s16] =	ssyncset.done $0x0  }
0x15: {  	[sflag:s16] =	ssyncadd.s32 $0xFFFFEC00  }
0x16: {  	[tilespmem:s17], [sflag:$0x3] =	stream.linear.gather [hbm4b:s6+s4], $0x1400, $0x38;
	[tilespmem:$0x1E800] =	vst v63  }
0x17: {  	_ =	swait.ge [sflag:s16], $0x1400  }
0x18: {  	[sflag:s16] =	ssyncset.done $0x0  }
0x19: {  	s29 =	simm.s32 $0x0;
	s30 =	simm.s32 $0x200;
	[sflag:s16] =	ssyncadd.s32 $0xFFFFEC00  }
0x1a: {  	[tilespmem:s19], [sflag:$0x1] =	stream.indirect.gather [hbm4b:s1+s18], $0x80, s4, s18, $0xb8;
	[tilespmem:$0x1E800] =	vst v63  }
.LBB2_2:
0x1b: {  	p0 =	sne.s32 s30, $0xFE00;
	[tilespmem:s29+$0x6870] =	vst v0  }
0x1c: {  	[tilespmem:s29+$0x6800] =	vst v0  }
0x1d: {  	[tilespmem:s29+$0x6810] =	vst v0  }
.Ltmp0:
0x1e: {  	[tilespmem:s29+$0x6820] =	vst v0;
	(pc) =	sbr.rel @p0 .LBB2_2-.Ltmp0, $4  }
0x1f: {  	[tilespmem:s29+$0x6830] =	vst v0  }
0x20: {  	[tilespmem:s29+$0x6840] =	vst v0  }
0x21: {  	[tilespmem:s29+$0x6850] =	vst v0  }
0x22: {  	[tilespmem:s29+$0x6860] =	vst v0;
	s29 =	sshra.s32 s30, $0x2;
	s30 =	sadd.s32 $0x200, s30  }
0x23: {  	[tilespmem:s29+$0x6870] =	vst v0  }
0x24: {  	[tilespmem:s29+$0x6800] =	vst v0  }
0x25: {  	[tilespmem:s29+$0x6810] =	vst v0  }
0x26: {  	[tilespmem:s29+$0x6820] =	vst v0  }
0x27: {  	[tilespmem:s29+$0x6830] =	vst v0  }
0x28: {  	[tilespmem:s29+$0x6840] =	vst v0  }
0x29: {  	[tilespmem:s29+$0x6850] =	vst v0  }
0x2a: {  	[tilespmem:s29+$0x6860] =	vst v0  }
0x2b: {  	[spmem:s7] =	stream.linear.scatter [tilespmem:s20], [sflag:$0x3], $0x4000, $0x38;
	[tilespmem:$0x1E800] =	vst v63  }
0x2c: {  	_ =	swait.ge [sflag:s16], $0x4000  }
0x2d: {  	[sflag:s16] =	ssyncset.done $0x0  }
0x2e: {  	[sflag:s16] =	ssyncadd.s32 $0xFFFFC000  }
0x2f: {  	[spmem:s8] =	stream.linear.scatter [tilespmem:s20], [sflag:$0x3], $0x4000, $0x38;
	[tilespmem:$0x1E800] =	vst v63  }
0x30: {  	_ =	swait.ge [sflag:s16], $0x4000  }
0x31: {  	[sflag:s16] =	ssyncset.done $0x0  }
0x32: {  	[sflag:s16] =	ssyncadd.s32 $0xFFFFC000  }
0x33: {  	[spmem:s9] =	stream.linear.scatter [tilespmem:s20], [sflag:$0x3], $0x4000, $0x38;
	[tilespmem:$0x1E800] =	vst v63  }
0x34: {  	_ =	swait.ge [sflag:s16], $0x4000  }
0x35: {  	[sflag:s16] =	ssyncset.done $0x0  }
0x36: {  	[sflag:s16] =	ssyncadd.s32 $0xFFFFC000  }
0x37: {  	[spmem:s10] =	stream.linear.scatter [tilespmem:s20], [sflag:$0x3], $0x4000, $0x38;
	[tilespmem:$0x1E800] =	vst v63  }
0x38: {  	_ =	swait.ge [sflag:s16], $0x4000  }
0x39: {  	[sflag:s16] =	ssyncset.done $0x0  }
0x3a: {  	[sflag:s16] =	ssyncadd.s32 $0xFFFFC000  }
0x3b: {  	[spmem:s11] =	stream.linear.scatter [tilespmem:s20], [sflag:$0x3], $0x4000, $0x38;
	[tilespmem:$0x1E800] =	vst v63  }
0x3c: {  	_ =	swait.ge [sflag:s16], $0x4000  }
0x3d: {  	[sflag:s16] =	ssyncset.done $0x0  }
0x3e: {  	[sflag:s16] =	ssyncadd.s32 $0xFFFFC000  }
0x3f: {  	s29 =	simm.s32 $0x80;
	[bflag:$0x0] =	sbarrier.arrive $0xFFFF  }
0x40: {  	[tilespmem:s20], [sflag:$0x2] =	stream.indirect.gather [hbm4b:s1+s18], $0x80, s29, s18, $0xb8;
	[tilespmem:$0x1E800] =	vst v63  }
0x41: {  	_ =	swait.ge [sflag:s21], $0x4000  }
0x42: {  	[sflag:s21] =	ssyncset.done $0x0  }
0x43: {  	s29 =	simm.s32 $0x1400;
	[sflag:s21] =	ssyncadd.s32 $0xFFFFC000  }
0x44: {  	[spmem:s3] =	stream.indirect.scatter.add.f32 [tilespmem:s19], [sflag:$0x3], $0x80, s29, s18, $0xb8;
	[tilespmem:$0x1E800] =	vst v63  }
0x45: {  	_ =	swait.ge [sflag:s16], $0x4000  }
0x46: {  	[sflag:s16] =	ssyncset.done $0x0  }
0x47: {  	s29 =	simm.s32 $0x100;
	[sflag:s16] =	ssyncadd.s32 $0xFFFFC000  }
0x48: {  	[tilespmem:s19], [sflag:$0x1] =	stream.indirect.gather [hbm4b:s1+s18], $0x80, s29, s18, $0xb8;
	[tilespmem:$0x1E800] =	vst v63  }
0x49: {  	_ =	swait.ge [sflag:s22], $0x4000  }
0x4a: {  	[sflag:s22] =	ssyncset.done $0x0  }
0x4b: {  	s29 =	simm.s32 $0x1480;
	[sflag:s22] =	ssyncadd.s32 $0xFFFFC000  }
0x4c: {  	[spmem:s3] =	stream.indirect.scatter.add.f32 [tilespmem:s20], [sflag:$0x3], $0x80, s29, s18, $0xb8;
	[tilespmem:$0x1E800] =	vst v63  }
0x4d: {  	_ =	swait.ge [sflag:s16], $0x4000  }
0x4e: {  	s30 =	simm.s32 $0x800;
	s29 =	simm.s32 $0x100;
	[sflag:s16] =	ssyncset.done $0x0  }
.LBB2_4:
0x4f: {  	s31 =	sadd.s32 $0x80, s29  }
0x50: {  	[sflag:s16] =	ssyncadd.s32 $0xFFFFC000;
	s2 =	smov.u32 s30;
	s0 =	sadd.s32 $0x400, s30  }
0x51: {  	[tilespmem:s20], [sflag:$0x2] =	stream.indirect.gather [hbm4b:s1+s18], $0x80, s31, s18, $0xb8;
	[tilespmem:$0x1E800] =	vst v63  }
0x52: {  	p0 =	sne.s32 s30, $0x4800;
	_ =	swait.ge [sflag:s21], $0x4000  }
0x53: {  	[sflag:s21] =	ssyncset.done $0x0  }
0x54: {  	s30 =	sadd.s32 $0x1400, s29;
	[sflag:s21] =	ssyncadd.s32 $0xFFFFC000  }
0x55: {  	[spmem:s3] =	stream.indirect.scatter.add.f32 [tilespmem:s19], [sflag:$0x3], $0x80, s30, s18, $0xb8;
	[tilespmem:$0x1E800] =	vst v63  }
0x56: {  	_ =	swait.ge [sflag:s16], $0x4000  }
0x57: {  	[sflag:s16] =	ssyncset.done $0x0  }
0x58: {  	s30 =	sadd.s32 $0x100, s29;
	[sflag:s16] =	ssyncadd.s32 $0xFFFFC000  }
0x59: {  	[tilespmem:s19], [sflag:$0x1] =	stream.indirect.gather [hbm4b:s1+s18], $0x80, s30, s18, $0xb8;
	[tilespmem:$0x1E800] =	vst v63  }
0x5a: {  	_ =	swait.ge [sflag:s22], $0x4000  }
.Ltmp1:
0x5b: {  	[sflag:s22] =	ssyncset.done $0x0;
	(pc) =	sbr.rel @p0 .LBB2_4-.Ltmp1, $4  }
0x5c: {  	s29 =	sadd.s32 $0x1480, s29;
	[sflag:s22] =	ssyncadd.s32 $0xFFFFC000  }
0x5d: {  	[spmem:s3] =	stream.indirect.scatter.add.f32 [tilespmem:s20], [sflag:$0x3], $0x80, s29, s18, $0xb8;
	[tilespmem:$0x1E800] =	vst v63  }
0x5e: {  	_ =	swait.ge [sflag:s16], $0x4000  }
0x5f: {  	s30 =	smov.u32 s0;
	s29 =	sshra.s32 s2, $0x2;
	[sflag:s16] =	ssyncset.done $0x0  }
0x60: {  	s0 =	sadd.s32 $0x80, s29;
	[sflag:s16] =	ssyncadd.s32 $0xFFFFC000  }
0x61: {  	[tilespmem:s20], [sflag:$0x2] =	stream.indirect.gather [hbm4b:s1+s18], $0x80, s0, s18, $0xb8;
	[tilespmem:$0x1E800] =	vst v63  }
0x62: {  	_ =	swait.ge [sflag:s21], $0x4000  }
0x63: {  	[sflag:s21] =	ssyncset.done $0x0  }
0x64: {  	s2 =	sadd.s32 $0x1400, s29;
	[sflag:s21] =	ssyncadd.s32 $0xFFFFC000  }
0x65: {  	[spmem:s3] =	stream.indirect.scatter.add.f32 [tilespmem:s19], [sflag:$0x3], $0x80, s2, s18, $0xb8;
	[tilespmem:$0x1E800] =	vst v63  }
0x66: {  	_ =	swait.ge [sflag:s16], $0x4000  }
0x67: {  	[sflag:s16] =	ssyncset.done $0x0  }
0x68: {  	s31 =	sadd.s32 $0x100, s29;
	[sflag:s16] =	ssyncadd.s32 $0xFFFFC000  }
0x69: {  	[tilespmem:s19], [sflag:$0x1] =	stream.indirect.gather [hbm4b:s1+s18], $0x80, s31, s18, $0xb8;
	[tilespmem:$0x1E800] =	vst v63  }
0x6a: {  	_ =	swait.ge [sflag:s22], $0x4000  }
0x6b: {  	[sflag:s22] =	ssyncset.done $0x0  }
0x6c: {  	s2 =	sadd.s32 $0x1480, s29;
	[sflag:s22] =	ssyncadd.s32 $0xFFFFC000  }
0x6d: {  	[spmem:s3] =	stream.indirect.scatter.add.f32 [tilespmem:s20], [sflag:$0x3], $0x80, s2, s18, $0xb8;
	[tilespmem:$0x1E800] =	vst v63  }
0x6e: {  	_ =	swait.ge [sflag:s16], $0x4000  }
0x6f: {  	[sflag:s16] =	ssyncset.done $0x0  }
0x70: {  	[sflag:s16] =	ssyncadd.s32 $0xFFFFC000  }
0x71: {  	[tilespmem:s20], [sflag:$0x2] =	stream.indirect.gather [hbm4b:s1+s18], $0x80, s23, s18, $0xb8;
	[tilespmem:$0x1E800] =	vst v63  }
0x72: {  	_ =	swait.ge [sflag:s21], $0x4000  }
0x73: {  	[sflag:s21] =	ssyncset.done $0x0  }
0x74: {  	[sflag:s21] =	ssyncadd.s32 $0xFFFFC000  }
0x75: {  	[spmem:s3] =	stream.indirect.scatter.add.f32 [tilespmem:s19], [sflag:$0x3], $0x80, s24, s18, $0xb8;
	[tilespmem:$0x1E800] =	vst v63  }
0x76: {  	_ =	swait.ge [sflag:s16], $0x4000  }
0x77: {  	[sflag:s16] =	ssyncset.done $0x0  }
0x78: {  	[sflag:s16] =	ssyncadd.s32 $0xFFFFC000  }
0x79: {  	_ =	swait.ge [sflag:s22], $0x4000  }
0x7a: {  	[sflag:s22] =	ssyncset.done $0x0  }
0x7b: {  	[sflag:s22] =	ssyncadd.s32 $0xFFFFC000  }
0x7c: {  	[spmem:s3] =	stream.indirect.scatter.add.f32 [tilespmem:s20], [sflag:$0x3], $0x80, s26, s18, $0xb8;
	[tilespmem:$0x1E800] =	vst v63  }
0x7d: {  	_ =	swait.ge [sflag:s16], $0x4000  }
0x7e: {  	[sflag:s16] =	ssyncset.done $0x0  }
0x7f: {  	s31 =	simm.s32 $0x0;
	[sflag:s16] =	ssyncadd.s32 $0xFFFFC000  }
0x80: {  	[tilespmem:s31], [sflag:$0x3] =	stream.linear.gather [hbm4b:s12+s31], $0x1400, $0x38;
	[tilespmem:$0x1E800] =	vst v63  }
0x81: {  	_ =	swait.ge [sflag:s16], $0x1400  }
0x82: {  	[sflag:s16] =	ssyncset.done $0x0  }
0x83: {  	[sflag:s16] =	ssyncadd.s32 $0xFFFFEC00  }
0x84: {  	[tilespmem:s17], [sflag:$0x3] =	stream.linear.gather [hbm4b:s13+s31], $0x1400, $0x38;
	[tilespmem:$0x1E800] =	vst v63  }
0x85: {  	_ =	swait.ge [sflag:s16], $0x1400  }
0x86: {  	[sflag:s16] =	ssyncset.done $0x0  }
0x87: {  	[sflag:s16] =	ssyncadd.s32 $0xFFFFEC00  }
0x88: {  	[tilespmem:s19], [sflag:$0x1] =	stream.indirect.gather [hbm4b:s1+s18], $0x80, s31, s18, $0xb8;
	[tilespmem:$0x1E800] =	vst v63  }
0x89: {  	s2 =	simm.s32 $0x80  }
0x8a: {  	[tilespmem:s20], [sflag:$0x2] =	stream.indirect.gather [hbm4b:s1+s18], $0x80, s2, s18, $0xb8;
	[tilespmem:$0x1E800] =	vst v63  }
0x8b: {  	_ =	swait.ge [sflag:s21], $0x4000  }
0x8c: {  	[sflag:s21] =	ssyncset.done $0x0  }
0x8d: {  	s31 =	simm.s32 $0x1400;
	[sflag:s21] =	ssyncadd.s32 $0xFFFFC000  }
0x8e: {  	[spmem:s3] =	stream.indirect.scatter.add.f32 [tilespmem:s19], [sflag:$0x3], $0x80, s31, s18, $0xb8;
	[tilespmem:$0x1E800] =	vst v63  }
0x8f: {  	_ =	swait.ge [sflag:s16], $0x4000  }
0x90: {  	[sflag:s16] =	ssyncset.done $0x0  }
0x91: {  	s2 =	simm.s32 $0x100;
	[sflag:s16] =	ssyncadd.s32 $0xFFFFC000  }
0x92: {  	[tilespmem:s19], [sflag:$0x1] =	stream.indirect.gather [hbm4b:s1+s18], $0x80, s2, s18, $0xb8;
	[tilespmem:$0x1E800] =	vst v63  }
0x93: {  	_ =	swait.ge [sflag:s22], $0x4000  }
0x94: {  	[sflag:s22] =	ssyncset.done $0x0  }
0x95: {  	s31 =	simm.s32 $0x1480;
	[sflag:s22] =	ssyncadd.s32 $0xFFFFC000  }
0x96: {  	[spmem:s3] =	stream.indirect.scatter.add.f32 [tilespmem:s20], [sflag:$0x3], $0x80, s31, s18, $0xb8;
	[tilespmem:$0x1E800] =	vst v63  }
0x97: {  	_ =	swait.ge [sflag:s16], $0x4000  }
0x98: {  	s30 =	simm.s32 $0x800;
	s29 =	simm.s32 $0x100;
	[sflag:s16] =	ssyncset.done $0x0  }
.LBB2_6:
0x99: {  	s0 =	sadd.s32 $0x80, s29  }
0x9a: {  	[sflag:s16] =	ssyncadd.s32 $0xFFFFC000;
	s2 =	smov.u32 s30;
	s31 =	sadd.s32 $0x400, s30  }
0x9b: {  	[tilespmem:s20], [sflag:$0x2] =	stream.indirect.gather [hbm4b:s1+s18], $0x80, s0, s18, $0xb8;
	[tilespmem:$0x1E800] =	vst v63  }
0x9c: {  	p0 =	sne.s32 s30, $0x4800;
	_ =	swait.ge [sflag:s21], $0x4000  }
0x9d: {  	[sflag:s21] =	ssyncset.done $0x0  }
0x9e: {  	s0 =	sadd.s32 $0x1400, s29;
	[sflag:s21] =	ssyncadd.s32 $0xFFFFC000  }
0x9f: {  	[spmem:s3] =	stream.indirect.scatter.add.f32 [tilespmem:s19], [sflag:$0x3], $0x80, s0, s18, $0xb8;
	[tilespmem:$0x1E800] =	vst v63  }
0xa0: {  	_ =	swait.ge [sflag:s16], $0x4000  }
0xa1: {  	[sflag:s16] =	ssyncset.done $0x0  }
0xa2: {  	s0 =	sadd.s32 $0x100, s29;
	[sflag:s16] =	ssyncadd.s32 $0xFFFFC000  }
0xa3: {  	[tilespmem:s19], [sflag:$0x1] =	stream.indirect.gather [hbm4b:s1+s18], $0x80, s0, s18, $0xb8;
	[tilespmem:$0x1E800] =	vst v63  }
0xa4: {  	_ =	swait.ge [sflag:s22], $0x4000  }
.Ltmp2:
0xa5: {  	[sflag:s22] =	ssyncset.done $0x0;
	(pc) =	sbr.rel @p0 .LBB2_6-.Ltmp2, $4  }
0xa6: {  	s0 =	sadd.s32 $0x1480, s29;
	[sflag:s22] =	ssyncadd.s32 $0xFFFFC000  }
0xa7: {  	[spmem:s3] =	stream.indirect.scatter.add.f32 [tilespmem:s20], [sflag:$0x3], $0x80, s0, s18, $0xb8;
	[tilespmem:$0x1E800] =	vst v63  }
0xa8: {  	_ =	swait.ge [sflag:s16], $0x4000  }
0xa9: {  	s30 =	smov.u32 s31;
	s29 =	sshra.s32 s2, $0x2;
	[sflag:s16] =	ssyncset.done $0x0  }
0xaa: {  	s0 =	sadd.s32 $0x80, s29;
	[sflag:s16] =	ssyncadd.s32 $0xFFFFC000  }
0xab: {  	[tilespmem:s20], [sflag:$0x2] =	stream.indirect.gather [hbm4b:s1+s18], $0x80, s0, s18, $0xb8;
	[tilespmem:$0x1E800] =	vst v63  }
0xac: {  	_ =	swait.ge [sflag:s21], $0x4000  }
0xad: {  	[sflag:s21] =	ssyncset.done $0x0  }
0xae: {  	s31 =	sadd.s32 $0x1400, s29;
	[sflag:s21] =	ssyncadd.s32 $0xFFFFC000  }
0xaf: {  	[spmem:s3] =	stream.indirect.scatter.add.f32 [tilespmem:s19], [sflag:$0x3], $0x80, s31, s18, $0xb8;
	[tilespmem:$0x1E800] =	vst v63  }
0xb0: {  	_ =	swait.ge [sflag:s16], $0x4000  }
0xb1: {  	[sflag:s16] =	ssyncset.done $0x0  }
0xb2: {  	s2 =	sadd.s32 $0x100, s29;
	[sflag:s16] =	ssyncadd.s32 $0xFFFFC000  }
0xb3: {  	[tilespmem:s19], [sflag:$0x1] =	stream.indirect.gather [hbm4b:s1+s18], $0x80, s2, s18, $0xb8;
	[tilespmem:$0x1E800] =	vst v63  }
0xb4: {  	_ =	swait.ge [sflag:s22], $0x4000  }
0xb5: {  	[sflag:s22] =	ssyncset.done $0x0  }
0xb6: {  	s30 =	sadd.s32 $0x1480, s29;
	[sflag:s22] =	ssyncadd.s32 $0xFFFFC000  }
0xb7: {  	[spmem:s3] =	stream.indirect.scatter.add.f32 [tilespmem:s20], [sflag:$0x3], $0x80, s30, s18, $0xb8;
	[tilespmem:$0x1E800] =	vst v63  }
0xb8: {  	_ =	swait.ge [sflag:s16], $0x4000  }
0xb9: {  	[sflag:s16] =	ssyncset.done $0x0  }
0xba: {  	[sflag:s16] =	ssyncadd.s32 $0xFFFFC000  }
0xbb: {  	[tilespmem:s20], [sflag:$0x2] =	stream.indirect.gather [hbm4b:s1+s18], $0x80, s23, s18, $0xb8;
	[tilespmem:$0x1E800] =	vst v63  }
0xbc: {  	_ =	swait.ge [sflag:s21], $0x4000  }
0xbd: {  	[sflag:s21] =	ssyncset.done $0x0  }
0xbe: {  	[sflag:s21] =	ssyncadd.s32 $0xFFFFC000  }
0xbf: {  	[spmem:s3] =	stream.indirect.scatter.add.f32 [tilespmem:s19], [sflag:$0x3], $0x80, s24, s18, $0xb8;
	[tilespmem:$0x1E800] =	vst v63  }
0xc0: {  	_ =	swait.ge [sflag:s16], $0x4000  }
0xc1: {  	[sflag:s16] =	ssyncset.done $0x0  }
0xc2: {  	[sflag:s16] =	ssyncadd.s32 $0xFFFFC000  }
0xc3: {  	_ =	swait.ge [sflag:s22], $0x4000  }
0xc4: {  	[sflag:s22] =	ssyncset.done $0x0  }
0xc5: {  	[sflag:s22] =	ssyncadd.s32 $0xFFFFC000  }
0xc6: {  	[spmem:s3] =	stream.indirect.scatter.add.f32 [tilespmem:s20], [sflag:$0x3], $0x80, s26, s18, $0xb8;
	[tilespmem:$0x1E800] =	vst v63  }
0xc7: {  	_ =	swait.ge [sflag:s16], $0x4000  }
0xc8: {  	s28 =	sadd.s32 $0x1, s28;
	[sflag:s16] =	ssyncset.done $0x0  }
0xc9: {  	p0 =	sne.s32 s28, s15;
	[sflag:s16] =	ssyncadd.s32 $0xFFFFC000  }
.Ltmp3:
0xca: {  	s31 =	sshrl.u32 s7, $0x3;
	[bflag:$0x0] =	sbarrier.arrive $0xFFFF;
	(pc) =	sbr.rel @p0 .LBB2_1-.Ltmp3, $4  }
0xcb: {  	[hbm:s14], [sflag:s25] =	dma.local [spmem:s31], $0x2800  }
0xcc: {  	_ =	swait.ge [sflag:s16], $0x2800  }
0xcd: {  	[sflag:s16] =	ssyncset.done $0x0  }
0xce: {  	[sflag:s16] =	ssyncadd.s32 $0xFFFFD800  }
0xcf: {  	_ =	sfence.sel $0x180000  }
0xd0: {  	[bflag:$0x0] =	sbarrier.arrive $0xFFFF  }
0xd1: {  	_ =	strace $0x9000004A  }
0xd2: {  	s0 =	stileid.u32;
	[bflag:$0x2] =	sbarrier.arrive $0xFFFF  }
0xd3: {  	p0 =	sne.s32 s0, $0x0;
	s0 =	rddreg [dreg:$0x3]  }
0xd4: {  	s0 =	sadd.s32 @!p0 $0x100000, s0  }
0xd5: {  	[sflag:s0] =	ssyncadd.tile.s32 @!p0 $0x1;
	_ =	shalt  }
.Lfunc_end2:
_tile_overlayer_lowered:
.L_overlay_start_2:
0xd6: {  	(tag) =	ssettag $0x2  }
0xd7: {  	s0 =	rddreg [dreg:$0x0];
	s2 =	stileid.u32  }
0xd8: {  	s1 =	rddreg [dreg:$0x1];
	p0 =	sne.s32 s2, $0x0  }
0xd9: {  	s3 =	rddreg [dreg:$0x2];
	[bflag:$0x3] =	sbarrier.arrive $0xFFFF;
	s2 =	simm.s32 @!p0 $0x1C03  }
0xda: {  	[timem:s3], [sflag:s2] =	dma.local @!p0 [hbm:s0], s1  }
0xdb: {  	s0 =	simm.s32 @!p0 $0x3  }
0xdc: {  	_ =	swait.ge @!p0 [sflag:s0], s1  }
0xdd: {  	s1 =	ssub.s32 @!p0 $0x0, s1;
	[sflag:s0] =	ssyncset.done @!p0 $0x0  }
0xde: {  	[sflag:s0] =	ssyncadd.s32 @!p0 s1  }
0xdf: {  	[bflag:$0x3] =	sbarrier.arrive $0xFFFF  }
0xe0: {  	_ =	shalt  }

// kernel: kernel.14.cloned.1.call-start
scs
__scs_entry_jumppad:
0x0: {  	(pc) =	sbr.rel $0x88, $3  }
0x1: {  	(tag) =	ssettag $0x0;
	lr =	simm.s32 $0x1  }
0x2: {  	[smem:$0x3F9B] =	sst lr;
	_ =	strace $0xD0000000  }
0x3: {  	_ = 	snop  }
0x4: {  	_ = 	snop  }
0x5: {  	_ = 	snop  }
0x6: {  	_ = 	snop  }
0x7: {  	_ = 	snop  }
__scs_overlays_trampoline_lowered:
0x8: {  	[smem:$0x3FAA] =	sst s0  }
0x9: {  	[smem:$0x3FAB] =	sst s1  }
0xa: {  	[smem:$0x3FAC] =	sst s2  }
0xb: {  	[smem:$0x3FAD] =	sst s3  }
0xc: {  	[smem:$0x3FAE] =	sst s4  }
0xd: {  	[smem:$0x3FAF] =	sst s5  }
0xe: {  	[smem:$0x3FB0] =	sst s6  }
0xf: {  	[smem:$0x3FB1] =	sst s7  }
0x10: {  	[smem:$0x3FB2] =	sst s8  }
0x11: {  	[smem:$0x3FB3] =	sst s9;
	s0 =	simm.s32 @!p0 $0x0  }
0x12: {  	s1 =	sld [smem:$0x3F99];
	s0 =	simm.s32 @p0 $0x1  }
0x13: {  	[smem:$0x3FB4] =	sst s0;
	s0 =	simm.s32 @!p1 $0x0  }
0x14: {  	s2 =	sld [smem:$0x3F98];
	s0 =	simm.s32 @p1 $0x1  }
0x15: {  	[smem:$0x3FB5] =	sst s0;
	s0 =	simm.s32 @!p2 $0x0  }
0x16: {  	s3 =	sld [smem:$0x3FDB];
	s0 =	simm.s32 @p2 $0x1  }
0x17: {  	s4 =	simm.s32 $0x1BF5;
	[smem:$0x3FB7] =	sst s0  }
0x18: {  	s0 =	sld [smem:$0x3F9A];
	_ =	swait.ge [sflag:s4], $0x0  }
0x19: {  	s7 =	sld [smem:$0x3F9B]  }
0x1a: {  	s8 =	sadd.s32 $0xFFFFE003, lr  }
0x1b: {  	s9 =	sadd.s32 $0xFFFFFEF7, lr;
	s5 =	simm.s32 $0xFFFFFFFF;
	p2 =	slt.u32 s8, $0xFFFFF086  }
0x1c: {  	p1 =	slt.u32 s9, $0xF7A;
	s5 =	simm.s32 @!p2 $0x0  }
0x1d: {  	s5 =	simm.s32 @p1 $0x1;
	p0 =	seq.s32 s7, s2  }
0x1e: {  	s7 =	smul.u32 @!p0 $0xF7A, s2;
	p2 =	seq.s32 @!p0 s5, $0x0  }
0x1f: {  	s9 =	smul.u32 $0xF7A, s1;
	s8 =	simm.s32 @!p0 $0x1BF5;
	p2 =	por !p2, p0  }
0x20: {  	[sflag:s8] =	ssyncset.s32 @!p0 $0xFFFFF086;
	s6 =	sadd.s32 @!p0 s3, s7;
	s7 =	simm.s32 @!p0 $0x108  }
0x21: {  	s3 =	sadd.s32 s3, s9;
	s6 =	sadd.s32 @!p0 $0x88, s6;
	s7 =	simm.s32 @p2 $0x1082  }
0x22: {  	[simem:s7], [sflag:s8] =	dma.local @!p0 [hbm:s6], $0xF7A  }
0x23: {  	s9 =	sor.u32 $0xD0000000, s2;
	s6 =	simm.s32 $0x108;
	_ =	swait.ge @!p0 [sflag:s8], $0x0  }
0x24: {  	s3 =	sadd.s32 $0x88, s3;
	s6 =	simm.s32 @!p1 $0x1082;
	[sflag:s4] =	ssyncset.s32 $0xFFFFF086  }
0x25: {  	[simem:s6], [sflag:s4] =	dma.local [hbm:s3], $0xF7A  }
0x26: {  	[smem:$0x3F9B] =	sst s1;
	(tag) =	ssettag s2;
	_ =	strace s9  }
0x27: {  	s1 =	sld [smem:$0x3FAB]  }
0x28: {  	s2 =	sld [smem:$0x3FAC]  }
0x29: {  	s4 =	sld [smem:$0x3FAE]  }
0x2a: {  	p0 =	seq.s32 s5, $0x0;
	s5 =	sld [smem:$0x3FAF]  }
0x2b: {  	s6 =	sld [smem:$0x3FB0]  }
0x2c: {  	s7 =	sld [smem:$0x3FB1]  }
0x2d: {  	s3 =	simm.s32 $0x108;
	s8 =	sld [smem:$0x3FB2]  }
0x2e: {  	s3 =	simm.s32 @!p0 $0x1082;
	s9 =	sld [smem:$0x3FB3]  }
0x2f: {  	lr =	sadd.s32 s0, s3;
	s0 =	sld [smem:$0x3FAA]  }
0x30: {  	s3 =	sld [smem:$0x3FAD]  }
0x31: {  	[smem:$0x3FB6] =	sst s10  }
0x32: {  	s10 =	sld [smem:$0x3FB4];
	_ =	sdelay $0x3  }
0x33: {  	p0 =	seq.s32 s10, $0x1;
	s10 =	sld [smem:$0x3FB6];
	_ =	sdelay $0x3  }
0x34: {  	[smem:$0x3FB6] =	sst s10  }
0x35: {  	s10 =	sld [smem:$0x3FB5];
	_ =	sdelay $0x3  }
0x36: {  	p1 =	seq.s32 s10, $0x1;
	s10 =	sld [smem:$0x3FB6];
	_ =	sdelay $0x3  }
0x37: {  	[smem:$0x3FB6] =	sst s10  }
0x38: {  	s10 =	sld [smem:$0x3FB7]  }
0x39: {  	_ = 	snop;
	(pc) =	sbr.ind lr, $3  }
0x3a: {  	_ = 	snop  }
0x3b: {  	_ = 	snop  }
0x3c: {  	p2 =	seq.s32 s10, $0x1;
	s10 =	sld [smem:$0x3FB6]  }
0x3d: {  	_ =	shalt  }
0x3e: {  	_ =	shalt  }
0x3f: {  	_ =	shalt  }
0x40: {  	_ =	shalt  }
0x41: {  	_ =	shalt  }
0x42: {  	_ =	shalt  }
0x43: {  	_ =	shalt  }
0x44: {  	_ =	shalt  }
0x45: {  	_ =	shalt  }
0x46: {  	_ =	shalt  }
0x47: {  	_ =	shalt  }
0x48: {  	_ =	shalt  }
0x49: {  	_ =	shalt  }
0x4a: {  	_ =	shalt  }
0x4b: {  	_ =	shalt  }
0x4c: {  	_ =	shalt  }
0x4d: {  	_ =	shalt  }
0x4e: {  	_ =	shalt  }
0x4f: {  	_ =	shalt  }
0x50: {  	_ =	shalt  }
0x51: {  	_ =	shalt  }
0x52: {  	_ =	shalt  }
0x53: {  	_ =	shalt  }
0x54: {  	_ =	shalt  }
0x55: {  	_ =	shalt  }
0x56: {  	_ =	shalt  }
0x57: {  	_ =	shalt  }
0x58: {  	_ =	shalt  }
0x59: {  	_ =	shalt  }
0x5a: {  	_ =	shalt  }
0x5b: {  	_ =	shalt  }
0x5c: {  	_ =	shalt  }
0x5d: {  	_ =	shalt  }
0x5e: {  	_ =	shalt  }
0x5f: {  	_ =	shalt  }
0x60: {  	_ =	shalt  }
0x61: {  	_ =	shalt  }
0x62: {  	_ =	shalt  }
0x63: {  	_ =	shalt  }
0x64: {  	_ =	shalt  }
0x65: {  	_ =	shalt  }
0x66: {  	_ =	shalt  }
0x67: {  	_ =	shalt  }
0x68: {  	_ =	shalt  }
0x69: {  	_ =	shalt  }
0x6a: {  	_ =	shalt  }
0x6b: {  	_ =	shalt  }
0x6c: {  	_ =	shalt  }
0x6d: {  	_ =	shalt  }
0x6e: {  	_ =	shalt  }
0x6f: {  	_ =	shalt  }
0x70: {  	_ =	shalt  }
0x71: {  	_ =	shalt  }
0x72: {  	_ =	shalt  }
0x73: {  	_ =	shalt  }
0x74: {  	_ =	shalt  }
0x75: {  	_ =	shalt  }
0x76: {  	_ =	shalt  }
0x77: {  	_ =	shalt  }
0x78: {  	_ =	shalt  }
0x79: {  	_ =	shalt  }
0x7a: {  	_ =	shalt  }
0x7b: {  	_ =	shalt  }
0x7c: {  	_ =	shalt  }
0x7d: {  	_ =	shalt  }
0x7e: {  	_ =	shalt  }
0x7f: {  	_ =	shalt  }
0x80: {  	_ =	shalt  }
0x81: {  	_ =	shalt  }
0x82: {  	_ =	shalt  }
0x83: {  	_ =	shalt  }
0x84: {  	_ =	shalt  }
0x85: {  	_ =	shalt  }
0x86: {  	_ =	shalt  }
0x87: {  	_ =	shalt  }
.Lfunc_end0:
.L_simem_size_0:
called_computation.2_lowered:
.L_overlay_start_0:
0x88: {  	s2 =	sld [smem:$0x3FD9]  }
0x89: {  	s3 =	sld [smem:$0x3FFE];
	_ =	sdelay $0x1  }
0x8a: {  	s1 =	srdreg.scid  }
0x8b: {  	s0 =	sand.u32 $0x1, s1  }
0x8c: {  	s17 =	sshll.u32 s0, $0xA;
	s2 =	sadd.s32 s3, s2  }
0x8d: {  	s2 =	sadd.s32 s2, s17  }
0x8e: {  	[smem:$0x3FC2] =	sst s2  }
0x8f: {  	_ = 	snop  }
0x90: {  	s2 =	sld [smem:$0x3FD0];
	(tm) =	ssettm $0x1  }
0x91: {  	s18 =	sld [smem:$0x3FFB];
	_ =	sdelay $0x3  }
0x92: {  	_ =	strace s18  }
0x93: {  	s3 =	sld [smem:$0x3FFC];
	_ =	sdelay $0x3  }
0x94: {  	_ =	strace s3  }
0x95: {  	s3 =	sld [smem:$0x3FFD];
	_ =	sdelay $0x3  }
0x96: {  	_ =	strace s3  }
0x97: {  	_ =	strace $0x8FFFFFFF  }
0x98: {  	s19 =	sld [smem:$0x3FDB];
	_ =	sdelay $0x1  }
0x99: {  	s4 =	simm.s32 $_scs_section_size  }
0x9a: {  	s5 =	simm.s32 $_size__tile_overlayer_lowered;
	s6 =	simm.s32 $_tile_overlayer_lowered  }
0x9b: {  	s22 =	simm.s32 $0x1BFF;
	s21 =	sshll.u32 s6, $0x1;
	s3 =	sadd.s32 s4, s19  }
0x9c: {  	s7 =	simm.s32 $0x0;
	s20 =	sshll.u32 s5, $0x1;
	s5 =	sadd.s32 s21, s3  }
0x9d: {  	[timem:s7], [sflag:s22] =	dma.local [hbm:s5], s20  }
0x9e: {  	_ =	swait.ge [sflag:s22], s20  }
0x9f: {  	s4 =	ssub.s32 $0x0, s20;
	[sflag:s22] =	ssyncset.done $0x0  }
0xa0: {  	[sflag:s22] =	ssyncadd.s32 s4;
	_ =	sdelay $0x1  }
0xa1: {  	s23 =	simm.s32 $0x1B8B  }
0xa2: {  	_ =	swait.ge [sflag:s23], $0x1  }
0xa3: {  	[sflag:s23] =	ssyncset.done $0x0  }
0xa4: {  	s25 =	simm.s32 $0x1B8E;
	s24 =	sld [smem:$0x3FFE];
	[sflag:s23] =	ssyncadd.s32 $0xFFFFFFFF  }
0xa5: {  	s26 =	simm.s32 $execute0_lowered;
	[smem:$0x3FD2] =	sst s25  }
0xa6: {  	s5 =	sshll.u32 s26, $0x1;
	_ =	strace $0x8000004C;
	[dreg:$0x1] =	wrdreg $0xFFFFFFFF  }
0xa7: {  	s28 =	simm.s32 $_size_execute0_lowered;
	s3 =	sadd.s32 s3, s5;
	[dreg:$0x0] =	wrdreg $0x0  }
0xa8: {  	s5 =	sshll.u32 s28, $0x1;
	[dreg:$0x2] =	wrdreg s3  }
0xa9: {  	[dreg:$0x3] =	wrdreg s5  }
0xaa: {  	[dreg:$0x4] =	wrdreg $0xC0  }
0xab: {  	_ =	task [dreg:s7], $0x5FFFF  }
0xac: {  	[dreg:$0x1] =	wrdreg $0xFFFFFFFF  }
0xad: {  	[dreg:$0x0] =	wrdreg $0x60  }
0xae: {  	[dreg:$0x2] =	wrdreg s2  }
0xaf: {  	[dreg:$0x3] =	wrdreg s24  }
0xb0: {  	[dreg:$0x4] =	wrdreg $0xA8000  }
0xb1: {  	[dreg:$0x5] =	wrdreg $0x9  }
0xb2: {  	_ =	task.clear_ibuf [dreg:s7], $0x6FFFF;
	_ =	strace $0x9000004C  }
0xb3: {  	s29 =	simm.s32 $0x9;
	_ =	strace $0x8000004E  }
0xb4: {  	_ =	swait.ge [sflag:s29], $0x1  }
0xb5: {  	[sflag:s29] =	ssyncadd.s32 $0xFFFFFFFF  }
0xb6: {  	_ =	strace $0x9000004E  }
0xb7: {  	_ =	sfence  }
0xb8: {  	s30 =	sld [smem:$0x0];
	_ =	sdelay $0x2  }
0xb9: {  	s31 =	sshll.u32 s1, $0xD;
	s1 =	sshrl.u32 s1, $0x2  }
0xba: {  	s3 =	sand.u32 $0x4000, s31;
	s1 =	sadd.s32 s1, s30  }
0xbb: {  	s0 =	sor.u32 s3, s0;
	s1 =	sshll.u32 s1, $0x11  }
0xbc: {  	s0 =	sor.u32 s1, s0  }
0xbd: {  	s0 =	sadd.s32 $0x8F2B, s0  }
0xbe: {  	[sflag:s0] =	ssyncadd.remote.s32 $0x1  }
0xbf: {  	_ =	sfence.sel $0xFFFF  }
0xc0: {  	[dreg:$0x0] =	wrdreg $0xFFFFFFFF;
	(pc) =	sbr.abs _section_cstart, $3  }
0xc1: {  	[dreg:$0x1] =	wrdreg $0xFFFFFFFF  }
0xc2: {  	_ =	task.clear_ibuf [dreg:s7], $0x2FFFF;
	_ =	strace $0x9FFFFFFF  }
0xc3: {  	(tm) =	ssettm $0x7FFFFFFF  }
tec
execute0_lowered:
.L_overlay_start_1:
0x0: {  	(tag) =	ssettag $0x1  }
0x1: {  	s1 =	rddreg [dreg:$0x0]  }
0x2: {  	s2 =	srdreg.scid;
	s6 =	rddreg [dreg:$0x1]  }
0x3: {  	s0 =	stileid.u32;
	s3 =	rddreg [dreg:$0x2];
	s4 =	simm.s32 $0x0  }
0x4: {  	s16 =	simm.s32 $0x3;
	s17 =	simm.s32 $0x1400;
	s18 =	simm.s32 $0x80  }
0x5: {  	s19 =	simm.s32 $0x2800;
	s20 =	simm.s32 $0x6800;
	s21 =	simm.s32 $0x1  }
0x6: {  	s22 =	simm.s32 $0x2;
	s23 =	simm.s32 $0x1380;
	s24 =	simm.s32 $0x2700  }
0x7: {  	s28 =	simm.s32 $0x0;
	s5 =	sand.u32 $0x1, s2;
	s9 =	smul.u32 $0x14000, s0  }
0x8: {  	s25 =	sshll.u32 s0, $0x1;
	[smem:$0x7FF] =	sst s4;
	s26 =	smul.u32 $0x50000, s0  }
0x9: {  	s2 =	sor.u32 s5, s25;
	s8 =	smul.u32 $0x140000, s5;
	_ =	strace $0x8000004D  }
0xa: {  	s5 =	ssub.s32 $0x2, s5;
	s25 =	sshll.u32 s0, $0x6;
	s7 =	smul.u32 $0x2800, s2  }
0xb: {  	s30 =	sshrl.u32 s5, $0x1;
	s31 =	sshrl.u32 s26, $0x2;
	s25 =	sor.u32 $0x1C03, s25  }
0xc: {  	s26 =	simm.s32 $0x2780;
	s8 =	sadd.s32 s9, s8;
	s15 =	ssub.s32 s5, s30  }
0xd: {  	s7 =	sshrl.u32 s7, $0x3;
	s29 =	sshrl.u32 s8, $0x3;
	s15 =	smax.u32 s15, $0x1  }
0xe: {  	s13 =	sadd.s32 s7, s6;
	s14 =	sadd.s32 s29, s6;
	s7 =	sadd.s32 s31, s3  }
0xf: {  	s5 =	sadd.s32 $0x2600, s13;
	s6 =	sadd.s32 $0xC600, s13;
	s8 =	sadd.s32 $0x4000, s7  }
0x10: {  	s9 =	sadd.s32 $0x8000, s7;
	s10 =	sadd.s32 $0xC000, s7;
	s11 =	sadd.s32 $0x10000, s7  }
0x11: {  	v0 =	vimm.f32 $0.0e+00;
	s12 =	sadd.s32 $0x2880, s13;
	s13 =	sadd.s32 $0xC880, s13;
	s14 =	sadd.s32 $0x16600, s14  }
.LBB2_1:
0x12: {  	[tilespmem:s4], [sflag:$0x3] =	stream.linear.gather [hbm4b:s5+s4], $0x1400, $0x38;
	[tilespmem:$0x1E800] =	vst v63  }
0x13: {  	_ =	swait.ge [sflag:s16], $0x1400  }
0x14: {  	[sflag:s16] =	ssyncset.done $0x0  }
0x15: {  	[sflag:s16] =	ssyncadd.s32 $0xFFFFEC00  }
0x16: {  	[tilespmem:s17], [sflag:$0x3] =	stream.linear.gather [hbm4b:s6+s4], $0x1400, $0x38;
	[tilespmem:$0x1E800] =	vst v63  }
0x17: {  	_ =	swait.ge [sflag:s16], $0x1400  }
0x18: {  	[sflag:s16] =	ssyncset.done $0x0  }
0x19: {  	s29 =	simm.s32 $0x0;
	s30 =	simm.s32 $0x200;
	[sflag:s16] =	ssyncadd.s32 $0xFFFFEC00  }
0x1a: {  	[tilespmem:s19], [sflag:$0x1] =	stream.indirect.gather [hbm4b:s1+s18], $0x80, s4, s18, $0xb8;
	[tilespmem:$0x1E800] =	vst v63  }
.LBB2_2:
0x1b: {  	p0 =	sne.s32 s30, $0xFE00;
	[tilespmem:s29+$0x6870] =	vst v0  }
0x1c: {  	[tilespmem:s29+$0x6800] =	vst v0  }
0x1d: {  	[tilespmem:s29+$0x6810] =	vst v0  }
.Ltmp0:
0x1e: {  	[tilespmem:s29+$0x6820] =	vst v0;
	(pc) =	sbr.rel @p0 .LBB2_2-.Ltmp0, $4  }
0x1f: {  	[tilespmem:s29+$0x6830] =	vst v0  }
0x20: {  	[tilespmem:s29+$0x6840] =	vst v0  }
0x21: {  	[tilespmem:s29+$0x6850] =	vst v0  }
0x22: {  	[tilespmem:s29+$0x6860] =	vst v0;
	s29 =	sshra.s32 s30, $0x2;
	s30 =	sadd.s32 $0x200, s30  }
0x23: {  	[tilespmem:s29+$0x6870] =	vst v0  }
0x24: {  	[tilespmem:s29+$0x6800] =	vst v0  }
0x25: {  	[tilespmem:s29+$0x6810] =	vst v0  }
0x26: {  	[tilespmem:s29+$0x6820] =	vst v0  }
0x27: {  	[tilespmem:s29+$0x6830] =	vst v0  }
0x28: {  	[tilespmem:s29+$0x6840] =	vst v0  }
0x29: {  	[tilespmem:s29+$0x6850] =	vst v0  }
0x2a: {  	[tilespmem:s29+$0x6860] =	vst v0  }
0x2b: {  	[spmem:s7] =	stream.linear.scatter [tilespmem:s20], [sflag:$0x3], $0x4000, $0x38;
	[tilespmem:$0x1E800] =	vst v63  }
0x2c: {  	_ =	swait.ge [sflag:s16], $0x4000  }
0x2d: {  	[sflag:s16] =	ssyncset.done $0x0  }
0x2e: {  	[sflag:s16] =	ssyncadd.s32 $0xFFFFC000  }
0x2f: {  	[spmem:s8] =	stream.linear.scatter [tilespmem:s20], [sflag:$0x3], $0x4000, $0x38;
	[tilespmem:$0x1E800] =	vst v63  }
0x30: {  	_ =	swait.ge [sflag:s16], $0x4000  }
0x31: {  	[sflag:s16] =	ssyncset.done $0x0  }
0x32: {  	[sflag:s16] =	ssyncadd.s32 $0xFFFFC000  }
0x33: {  	[spmem:s9] =	stream.linear.scatter [tilespmem:s20], [sflag:$0x3], $0x4000, $0x38;
	[tilespmem:$0x1E800] =	vst v63  }
0x34: {  	_ =	swait.ge [sflag:s16], $0x4000  }
0x35: {  	[sflag:s16] =	ssyncset.done $0x0  }
0x36: {  	[sflag:s16] =	ssyncadd.s32 $0xFFFFC000  }
0x37: {  	[spmem:s10] =	stream.linear.scatter [tilespmem:s20], [sflag:$0x3], $0x4000, $0x38;
	[tilespmem:$0x1E800] =	vst v63  }
0x38: {  	_ =	swait.ge [sflag:s16], $0x4000  }
0x39: {  	[sflag:s16] =	ssyncset.done $0x0  }
0x3a: {  	[sflag:s16] =	ssyncadd.s32 $0xFFFFC000  }
0x3b: {  	[spmem:s11] =	stream.linear.scatter [tilespmem:s20], [sflag:$0x3], $0x4000, $0x38;
	[tilespmem:$0x1E800] =	vst v63  }
0x3c: {  	_ =	swait.ge [sflag:s16], $0x4000  }
0x3d: {  	[sflag:s16] =	ssyncset.done $0x0  }
0x3e: {  	[sflag:s16] =	ssyncadd.s32 $0xFFFFC000  }
0x3f: {  	s29 =	simm.s32 $0x80;
	[bflag:$0x0] =	sbarrier.arrive $0xFFFF  }
0x40: {  	[tilespmem:s20], [sflag:$0x2] =	stream.indirect.gather [hbm4b:s1+s18], $0x80, s29, s18, $0xb8;
	[tilespmem:$0x1E800] =	vst v63  }
0x41: {  	_ =	swait.ge [sflag:s21], $0x4000  }
0x42: {  	[sflag:s21] =	ssyncset.done $0x0  }
0x43: {  	s29 =	simm.s32 $0x1400;
	[sflag:s21] =	ssyncadd.s32 $0xFFFFC000  }
0x44: {  	[spmem:s3] =	stream.indirect.scatter.add.f32 [tilespmem:s19], [sflag:$0x3], $0x80, s29, s18, $0xb8;
	[tilespmem:$0x1E800] =	vst v63  }
0x45: {  	_ =	swait.ge [sflag:s16], $0x4000  }
0x46: {  	[sflag:s16] =	ssyncset.done $0x0  }
0x47: {  	s29 =	simm.s32 $0x100;
	[sflag:s16] =	ssyncadd.s32 $0xFFFFC000  }
0x48: {  	[tilespmem:s19], [sflag:$0x1] =	stream.indirect.gather [hbm4b:s1+s18], $0x80, s29, s18, $0xb8;
	[tilespmem:$0x1E800] =	vst v63  }
0x49: {  	_ =	swait.ge [sflag:s22], $0x4000  }
0x4a: {  	[sflag:s22] =	ssyncset.done $0x0  }
0x4b: {  	s29 =	simm.s32 $0x1480;
	[sflag:s22] =	ssyncadd.s32 $0xFFFFC000  }
0x4c: {  	[spmem:s3] =	stream.indirect.scatter.add.f32 [tilespmem:s20], [sflag:$0x3], $0x80, s29, s18, $0xb8;
	[tilespmem:$0x1E800] =	vst v63  }
0x4d: {  	_ =	swait.ge [sflag:s16], $0x4000  }
0x4e: {  	s30 =	simm.s32 $0x800;
	s29 =	simm.s32 $0x100;
	[sflag:s16] =	ssyncset.done $0x0  }
.LBB2_4:
0x4f: {  	s31 =	sadd.s32 $0x80, s29  }
0x50: {  	[sflag:s16] =	ssyncadd.s32 $0xFFFFC000;
	s2 =	smov.u32 s30;
	s0 =	sadd.s32 $0x400, s30  }
0x51: {  	[tilespmem:s20], [sflag:$0x2] =	stream.indirect.gather [hbm4b:s1+s18], $0x80, s31, s18, $0xb8;
	[tilespmem:$0x1E800] =	vst v63  }
0x52: {  	p0 =	sne.s32 s30, $0x4800;
	_ =	swait.ge [sflag:s21], $0x4000  }
0x53: {  	[sflag:s21] =	ssyncset.done $0x0  }
0x54: {  	s30 =	sadd.s32 $0x1400, s29;
	[sflag:s21] =	ssyncadd.s32 $0xFFFFC000  }
0x55: {  	[spmem:s3] =	stream.indirect.scatter.add.f32 [tilespmem:s19], [sflag:$0x3], $0x80, s30, s18, $0xb8;
	[tilespmem:$0x1E800] =	vst v63  }
0x56: {  	_ =	swait.ge [sflag:s16], $0x4000  }
0x57: {  	[sflag:s16] =	ssyncset.done $0x0  }
0x58: {  	s30 =	sadd.s32 $0x100, s29;
	[sflag:s16] =	ssyncadd.s32 $0xFFFFC000  }
0x59: {  	[tilespmem:s19], [sflag:$0x1] =	stream.indirect.gather [hbm4b:s1+s18], $0x80, s30, s18, $0xb8;
	[tilespmem:$0x1E800] =	vst v63  }
0x5a: {  	_ =	swait.ge [sflag:s22], $0x4000  }
.Ltmp1:
0x5b: {  	[sflag:s22] =	ssyncset.done $0x0;
	(pc) =	sbr.rel @p0 .LBB2_4-.Ltmp1, $4  }
0x5c: {  	s29 =	sadd.s32 $0x1480, s29;
	[sflag:s22] =	ssyncadd.s32 $0xFFFFC000  }
0x5d: {  	[spmem:s3] =	stream.indirect.scatter.add.f32 [tilespmem:s20], [sflag:$0x3], $0x80, s29, s18, $0xb8;
	[tilespmem:$0x1E800] =	vst v63  }
0x5e: {  	_ =	swait.ge [sflag:s16], $0x4000  }
0x5f: {  	s30 =	smov.u32 s0;
	s29 =	sshra.s32 s2, $0x2;
	[sflag:s16] =	ssyncset.done $0x0  }
0x60: {  	s0 =	sadd.s32 $0x80, s29;
	[sflag:s16] =	ssyncadd.s32 $0xFFFFC000  }
0x61: {  	[tilespmem:s20], [sflag:$0x2] =	stream.indirect.gather [hbm4b:s1+s18], $0x80, s0, s18, $0xb8;
	[tilespmem:$0x1E800] =	vst v63  }
0x62: {  	_ =	swait.ge [sflag:s21], $0x4000  }
0x63: {  	[sflag:s21] =	ssyncset.done $0x0  }
0x64: {  	s2 =	sadd.s32 $0x1400, s29;
	[sflag:s21] =	ssyncadd.s32 $0xFFFFC000  }
0x65: {  	[spmem:s3] =	stream.indirect.scatter.add.f32 [tilespmem:s19], [sflag:$0x3], $0x80, s2, s18, $0xb8;
	[tilespmem:$0x1E800] =	vst v63  }
0x66: {  	_ =	swait.ge [sflag:s16], $0x4000  }
0x67: {  	[sflag:s16] =	ssyncset.done $0x0  }
0x68: {  	s31 =	sadd.s32 $0x100, s29;
	[sflag:s16] =	ssyncadd.s32 $0xFFFFC000  }
0x69: {  	[tilespmem:s19], [sflag:$0x1] =	stream.indirect.gather [hbm4b:s1+s18], $0x80, s31, s18, $0xb8;
	[tilespmem:$0x1E800] =	vst v63  }
0x6a: {  	_ =	swait.ge [sflag:s22], $0x4000  }
0x6b: {  	[sflag:s22] =	ssyncset.done $0x0  }
0x6c: {  	s2 =	sadd.s32 $0x1480, s29;
	[sflag:s22] =	ssyncadd.s32 $0xFFFFC000  }
0x6d: {  	[spmem:s3] =	stream.indirect.scatter.add.f32 [tilespmem:s20], [sflag:$0x3], $0x80, s2, s18, $0xb8;
	[tilespmem:$0x1E800] =	vst v63  }
0x6e: {  	_ =	swait.ge [sflag:s16], $0x4000  }
0x6f: {  	[sflag:s16] =	ssyncset.done $0x0  }
0x70: {  	[sflag:s16] =	ssyncadd.s32 $0xFFFFC000  }
0x71: {  	[tilespmem:s20], [sflag:$0x2] =	stream.indirect.gather [hbm4b:s1+s18], $0x80, s23, s18, $0xb8;
	[tilespmem:$0x1E800] =	vst v63  }
0x72: {  	_ =	swait.ge [sflag:s21], $0x4000  }
0x73: {  	[sflag:s21] =	ssyncset.done $0x0  }
0x74: {  	[sflag:s21] =	ssyncadd.s32 $0xFFFFC000  }
0x75: {  	[spmem:s3] =	stream.indirect.scatter.add.f32 [tilespmem:s19], [sflag:$0x3], $0x80, s24, s18, $0xb8;
	[tilespmem:$0x1E800] =	vst v63  }
0x76: {  	_ =	swait.ge [sflag:s16], $0x4000  }
0x77: {  	[sflag:s16] =	ssyncset.done $0x0  }
0x78: {  	[sflag:s16] =	ssyncadd.s32 $0xFFFFC000  }
0x79: {  	_ =	swait.ge [sflag:s22], $0x4000  }
0x7a: {  	[sflag:s22] =	ssyncset.done $0x0  }
0x7b: {  	[sflag:s22] =	ssyncadd.s32 $0xFFFFC000  }
0x7c: {  	[spmem:s3] =	stream.indirect.scatter.add.f32 [tilespmem:s20], [sflag:$0x3], $0x80, s26, s18, $0xb8;
	[tilespmem:$0x1E800] =	vst v63  }
0x7d: {  	_ =	swait.ge [sflag:s16], $0x4000  }
0x7e: {  	[sflag:s16] =	ssyncset.done $0x0  }
0x7f: {  	s31 =	simm.s32 $0x0;
	[sflag:s16] =	ssyncadd.s32 $0xFFFFC000  }
0x80: {  	[tilespmem:s31], [sflag:$0x3] =	stream.linear.gather [hbm4b:s12+s31], $0x1400, $0x38;
	[tilespmem:$0x1E800] =	vst v63  }
0x81: {  	_ =	swait.ge [sflag:s16], $0x1400  }
0x82: {  	[sflag:s16] =	ssyncset.done $0x0  }
0x83: {  	[sflag:s16] =	ssyncadd.s32 $0xFFFFEC00  }
0x84: {  	[tilespmem:s17], [sflag:$0x3] =	stream.linear.gather [hbm4b:s13+s31], $0x1400, $0x38;
	[tilespmem:$0x1E800] =	vst v63  }
0x85: {  	_ =	swait.ge [sflag:s16], $0x1400  }
0x86: {  	[sflag:s16] =	ssyncset.done $0x0  }
0x87: {  	[sflag:s16] =	ssyncadd.s32 $0xFFFFEC00  }
0x88: {  	[tilespmem:s19], [sflag:$0x1] =	stream.indirect.gather [hbm4b:s1+s18], $0x80, s31, s18, $0xb8;
	[tilespmem:$0x1E800] =	vst v63  }
0x89: {  	s2 =	simm.s32 $0x80  }
0x8a: {  	[tilespmem:s20], [sflag:$0x2] =	stream.indirect.gather [hbm4b:s1+s18], $0x80, s2, s18, $0xb8;
	[tilespmem:$0x1E800] =	vst v63  }
0x8b: {  	_ =	swait.ge [sflag:s21], $0x4000  }
0x8c: {  	[sflag:s21] =	ssyncset.done $0x0  }
0x8d: {  	s31 =	simm.s32 $0x1400;
	[sflag:s21] =	ssyncadd.s32 $0xFFFFC000  }
0x8e: {  	[spmem:s3] =	stream.indirect.scatter.add.f32 [tilespmem:s19], [sflag:$0x3], $0x80, s31, s18, $0xb8;
	[tilespmem:$0x1E800] =	vst v63  }
0x8f: {  	_ =	swait.ge [sflag:s16], $0x4000  }
0x90: {  	[sflag:s16] =	ssyncset.done $0x0  }
0x91: {  	s2 =	simm.s32 $0x100;
	[sflag:s16] =	ssyncadd.s32 $0xFFFFC000  }
0x92: {  	[tilespmem:s19], [sflag:$0x1] =	stream.indirect.gather [hbm4b:s1+s18], $0x80, s2, s18, $0xb8;
	[tilespmem:$0x1E800] =	vst v63  }
0x93: {  	_ =	swait.ge [sflag:s22], $0x4000  }
0x94: {  	[sflag:s22] =	ssyncset.done $0x0  }
0x95: {  	s31 =	simm.s32 $0x1480;
	[sflag:s22] =	ssyncadd.s32 $0xFFFFC000  }
0x96: {  	[spmem:s3] =	stream.indirect.scatter.add.f32 [tilespmem:s20], [sflag:$0x3], $0x80, s31, s18, $0xb8;
	[tilespmem:$0x1E800] =	vst v63  }
0x97: {  	_ =	swait.ge [sflag:s16], $0x4000  }
0x98: {  	s30 =	simm.s32 $0x800;
	s29 =	simm.s32 $0x100;
	[sflag:s16] =	ssyncset.done $0x0  }
.LBB2_6:
0x99: {  	s0 =	sadd.s32 $0x80, s29  }
0x9a: {  	[sflag:s16] =	ssyncadd.s32 $0xFFFFC000;
	s2 =	smov.u32 s30;
	s31 =	sadd.s32 $0x400, s30  }
0x9b: {  	[tilespmem:s20], [sflag:$0x2] =	stream.indirect.gather [hbm4b:s1+s18], $0x80, s0, s18, $0xb8;
	[tilespmem:$0x1E800] =	vst v63  }
0x9c: {  	p0 =	sne.s32 s30, $0x4800;
	_ =	swait.ge [sflag:s21], $0x4000  }
0x9d: {  	[sflag:s21] =	ssyncset.done $0x0  }
0x9e: {  	s0 =	sadd.s32 $0x1400, s29;
	[sflag:s21] =	ssyncadd.s32 $0xFFFFC000  }
0x9f: {  	[spmem:s3] =	stream.indirect.scatter.add.f32 [tilespmem:s19], [sflag:$0x3], $0x80, s0, s18, $0xb8;
	[tilespmem:$0x1E800] =	vst v63  }
0xa0: {  	_ =	swait.ge [sflag:s16], $0x4000  }
0xa1: {  	[sflag:s16] =	ssyncset.done $0x0  }
0xa2: {  	s0 =	sadd.s32 $0x100, s29;
	[sflag:s16] =	ssyncadd.s32 $0xFFFFC000  }
0xa3: {  	[tilespmem:s19], [sflag:$0x1] =	stream.indirect.gather [hbm4b:s1+s18], $0x80, s0, s18, $0xb8;
	[tilespmem:$0x1E800] =	vst v63  }
0xa4: {  	_ =	swait.ge [sflag:s22], $0x4000  }
.Ltmp2:
0xa5: {  	[sflag:s22] =	ssyncset.done $0x0;
	(pc) =	sbr.rel @p0 .LBB2_6-.Ltmp2, $4  }
0xa6: {  	s0 =	sadd.s32 $0x1480, s29;
	[sflag:s22] =	ssyncadd.s32 $0xFFFFC000  }
0xa7: {  	[spmem:s3] =	stream.indirect.scatter.add.f32 [tilespmem:s20], [sflag:$0x3], $0x80, s0, s18, $0xb8;
	[tilespmem:$0x1E800] =	vst v63  }
0xa8: {  	_ =	swait.ge [sflag:s16], $0x4000  }
0xa9: {  	s30 =	smov.u32 s31;
	s29 =	sshra.s32 s2, $0x2;
	[sflag:s16] =	ssyncset.done $0x0  }
0xaa: {  	s0 =	sadd.s32 $0x80, s29;
	[sflag:s16] =	ssyncadd.s32 $0xFFFFC000  }
0xab: {  	[tilespmem:s20], [sflag:$0x2] =	stream.indirect.gather [hbm4b:s1+s18], $0x80, s0, s18, $0xb8;
	[tilespmem:$0x1E800] =	vst v63  }
0xac: {  	_ =	swait.ge [sflag:s21], $0x4000  }
0xad: {  	[sflag:s21] =	ssyncset.done $0x0  }
0xae: {  	s31 =	sadd.s32 $0x1400, s29;
	[sflag:s21] =	ssyncadd.s32 $0xFFFFC000  }
0xaf: {  	[spmem:s3] =	stream.indirect.scatter.add.f32 [tilespmem:s19], [sflag:$0x3], $0x80, s31, s18, $0xb8;
	[tilespmem:$0x1E800] =	vst v63  }
0xb0: {  	_ =	swait.ge [sflag:s16], $0x4000  }
0xb1: {  	[sflag:s16] =	ssyncset.done $0x0  }
0xb2: {  	s2 =	sadd.s32 $0x100, s29;
	[sflag:s16] =	ssyncadd.s32 $0xFFFFC000  }
0xb3: {  	[tilespmem:s19], [sflag:$0x1] =	stream.indirect.gather [hbm4b:s1+s18], $0x80, s2, s18, $0xb8;
	[tilespmem:$0x1E800] =	vst v63  }
0xb4: {  	_ =	swait.ge [sflag:s22], $0x4000  }
0xb5: {  	[sflag:s22] =	ssyncset.done $0x0  }
0xb6: {  	s30 =	sadd.s32 $0x1480, s29;
	[sflag:s22] =	ssyncadd.s32 $0xFFFFC000  }
0xb7: {  	[spmem:s3] =	stream.indirect.scatter.add.f32 [tilespmem:s20], [sflag:$0x3], $0x80, s30, s18, $0xb8;
	[tilespmem:$0x1E800] =	vst v63  }
0xb8: {  	_ =	swait.ge [sflag:s16], $0x4000  }
0xb9: {  	[sflag:s16] =	ssyncset.done $0x0  }
0xba: {  	[sflag:s16] =	ssyncadd.s32 $0xFFFFC000  }
0xbb: {  	[tilespmem:s20], [sflag:$0x2] =	stream.indirect.gather [hbm4b:s1+s18], $0x80, s23, s18, $0xb8;
	[tilespmem:$0x1E800] =	vst v63  }
0xbc: {  	_ =	swait.ge [sflag:s21], $0x4000  }
0xbd: {  	[sflag:s21] =	ssyncset.done $0x0  }
0xbe: {  	[sflag:s21] =	ssyncadd.s32 $0xFFFFC000  }
0xbf: {  	[spmem:s3] =	stream.indirect.scatter.add.f32 [tilespmem:s19], [sflag:$0x3], $0x80, s24, s18, $0xb8;
	[tilespmem:$0x1E800] =	vst v63  }
0xc0: {  	_ =	swait.ge [sflag:s16], $0x4000  }
0xc1: {  	[sflag:s16] =	ssyncset.done $0x0  }
0xc2: {  	[sflag:s16] =	ssyncadd.s32 $0xFFFFC000  }
0xc3: {  	_ =	swait.ge [sflag:s22], $0x4000  }
0xc4: {  	[sflag:s22] =	ssyncset.done $0x0  }
0xc5: {  	[sflag:s22] =	ssyncadd.s32 $0xFFFFC000  }
0xc6: {  	[spmem:s3] =	stream.indirect.scatter.add.f32 [tilespmem:s20], [sflag:$0x3], $0x80, s26, s18, $0xb8;
	[tilespmem:$0x1E800] =	vst v63  }
0xc7: {  	_ =	swait.ge [sflag:s16], $0x4000  }
0xc8: {  	s28 =	sadd.s32 $0x1, s28;
	[sflag:s16] =	ssyncset.done $0x0  }
0xc9: {  	p0 =	sne.s32 s28, s15;
	[sflag:s16] =	ssyncadd.s32 $0xFFFFC000  }
.Ltmp3:
0xca: {  	s31 =	sshrl.u32 s7, $0x3;
	[bflag:$0x0] =	sbarrier.arrive $0xFFFF;
	(pc) =	sbr.rel @p0 .LBB2_1-.Ltmp3, $4  }
0xcb: {  	[hbm:s14], [sflag:s25] =	dma.local [spmem:s31], $0x2800  }
0xcc: {  	_ =	swait.ge [sflag:s16], $0x2800  }
0xcd: {  	[sflag:s16] =	ssyncset.done $0x0  }
0xce: {  	[sflag:s16] =	ssyncadd.s32 $0xFFFFD800  }
0xcf: {  	_ =	sfence.sel $0x180000  }
0xd0: {  	[bflag:$0x0] =	sbarrier.arrive $0xFFFF  }
0xd1: {  	_ =	strace $0x9000004D  }
0xd2: {  	s0 =	stileid.u32;
	[bflag:$0x2] =	sbarrier.arrive $0xFFFF  }
0xd3: {  	p0 =	sne.s32 s0, $0x0;
	s0 =	rddreg [dreg:$0x3]  }
0xd4: {  	s0 =	sadd.s32 @!p0 $0x100000, s0  }
0xd5: {  	[sflag:s0] =	ssyncadd.tile.s32 @!p0 $0x1;
	_ =	shalt  }
.Lfunc_end2:
_tile_overlayer_lowered:
.L_overlay_start_2:
0xd6: {  	(tag) =	ssettag $0x2  }
0xd7: {  	s0 =	rddreg [dreg:$0x0];
	s2 =	stileid.u32  }
0xd8: {  	s1 =	rddreg [dreg:$0x1];
	p0 =	sne.s32 s2, $0x0  }
0xd9: {  	s3 =	rddreg [dreg:$0x2];
	[bflag:$0x3] =	sbarrier.arrive $0xFFFF;
	s2 =	simm.s32 @!p0 $0x1C03  }
0xda: {  	[timem:s3], [sflag:s2] =	dma.local @!p0 [hbm:s0], s1  }
0xdb: {  	s0 =	simm.s32 @!p0 $0x3  }
0xdc: {  	_ =	swait.ge @!p0 [sflag:s0], s1  }
0xdd: {  	s1 =	ssub.s32 @!p0 $0x0, s1;
	[sflag:s0] =	ssyncset.done @!p0 $0x0  }
0xde: {  	[sflag:s0] =	ssyncadd.s32 @!p0 s1  }
0xdf: {  	[bflag:$0x3] =	sbarrier.arrive $0xFFFF  }
0xe0: {  	_ =	shalt  }

// kernel: kernel.8.cloned.1.call-start
scs
__scs_entry_jumppad:
0x0: {  	(pc) =	sbr.rel $0x88, $3  }
0x1: {  	(tag) =	ssettag $0x0;
	lr =	simm.s32 $0x1  }
0x2: {  	[smem:$0x3F9B] =	sst lr;
	_ =	strace $0xD0000000  }
0x3: {  	_ = 	snop  }
0x4: {  	_ = 	snop  }
0x5: {  	_ = 	snop  }
0x6: {  	_ = 	snop  }
0x7: {  	_ = 	snop  }
__scs_overlays_trampoline_lowered:
0x8: {  	[smem:$0x3FAA] =	sst s0  }
0x9: {  	[smem:$0x3FAB] =	sst s1  }
0xa: {  	[smem:$0x3FAC] =	sst s2  }
0xb: {  	[smem:$0x3FAD] =	sst s3  }
0xc: {  	[smem:$0x3FAE] =	sst s4  }
0xd: {  	[smem:$0x3FAF] =	sst s5  }
0xe: {  	[smem:$0x3FB0] =	sst s6  }
0xf: {  	[smem:$0x3FB1] =	sst s7  }
0x10: {  	[smem:$0x3FB2] =	sst s8  }
0x11: {  	[smem:$0x3FB3] =	sst s9;
	s0 =	simm.s32 @!p0 $0x0  }
0x12: {  	s1 =	sld [smem:$0x3F99];
	s0 =	simm.s32 @p0 $0x1  }
0x13: {  	[smem:$0x3FB4] =	sst s0;
	s0 =	simm.s32 @!p1 $0x0  }
0x14: {  	s2 =	sld [smem:$0x3F98];
	s0 =	simm.s32 @p1 $0x1  }
0x15: {  	[smem:$0x3FB5] =	sst s0;
	s0 =	simm.s32 @!p2 $0x0  }
0x16: {  	s3 =	sld [smem:$0x3FDB];
	s0 =	simm.s32 @p2 $0x1  }
0x17: {  	s4 =	simm.s32 $0x1BF5;
	[smem:$0x3FB7] =	sst s0  }
0x18: {  	s0 =	sld [smem:$0x3F9A];
	_ =	swait.ge [sflag:s4], $0x0  }
0x19: {  	s7 =	sld [smem:$0x3F9B]  }
0x1a: {  	s8 =	sadd.s32 $0xFFFFE003, lr  }
0x1b: {  	s9 =	sadd.s32 $0xFFFFFEF7, lr;
	s5 =	simm.s32 $0xFFFFFFFF;
	p2 =	slt.u32 s8, $0xFFFFF086  }
0x1c: {  	p1 =	slt.u32 s9, $0xF7A;
	s5 =	simm.s32 @!p2 $0x0  }
0x1d: {  	s5 =	simm.s32 @p1 $0x1;
	p0 =	seq.s32 s7, s2  }
0x1e: {  	s7 =	smul.u32 @!p0 $0xF7A, s2;
	p2 =	seq.s32 @!p0 s5, $0x0  }
0x1f: {  	s9 =	smul.u32 $0xF7A, s1;
	s8 =	simm.s32 @!p0 $0x1BF5;
	p2 =	por !p2, p0  }
0x20: {  	[sflag:s8] =	ssyncset.s32 @!p0 $0xFFFFF086;
	s6 =	sadd.s32 @!p0 s3, s7;
	s7 =	simm.s32 @!p0 $0x108  }
0x21: {  	s3 =	sadd.s32 s3, s9;
	s6 =	sadd.s32 @!p0 $0x88, s6;
	s7 =	simm.s32 @p2 $0x1082  }
0x22: {  	[simem:s7], [sflag:s8] =	dma.local @!p0 [hbm:s6], $0xF7A  }
0x23: {  	s9 =	sor.u32 $0xD0000000, s2;
	s6 =	simm.s32 $0x108;
	_ =	swait.ge @!p0 [sflag:s8], $0x0  }
0x24: {  	s3 =	sadd.s32 $0x88, s3;
	s6 =	simm.s32 @!p1 $0x1082;
	[sflag:s4] =	ssyncset.s32 $0xFFFFF086  }
0x25: {  	[simem:s6], [sflag:s4] =	dma.local [hbm:s3], $0xF7A  }
0x26: {  	[smem:$0x3F9B] =	sst s1;
	(tag) =	ssettag s2;
	_ =	strace s9  }
0x27: {  	s1 =	sld [smem:$0x3FAB]  }
0x28: {  	s2 =	sld [smem:$0x3FAC]  }
0x29: {  	s4 =	sld [smem:$0x3FAE]  }
0x2a: {  	p0 =	seq.s32 s5, $0x0;
	s5 =	sld [smem:$0x3FAF]  }
0x2b: {  	s6 =	sld [smem:$0x3FB0]  }
0x2c: {  	s7 =	sld [smem:$0x3FB1]  }
0x2d: {  	s3 =	simm.s32 $0x108;
	s8 =	sld [smem:$0x3FB2]  }
0x2e: {  	s3 =	simm.s32 @!p0 $0x1082;
	s9 =	sld [smem:$0x3FB3]  }
0x2f: {  	lr =	sadd.s32 s0, s3;
	s0 =	sld [smem:$0x3FAA]  }
0x30: {  	s3 =	sld [smem:$0x3FAD]  }
0x31: {  	[smem:$0x3FB6] =	sst s10  }
0x32: {  	s10 =	sld [smem:$0x3FB4];
	_ =	sdelay $0x3  }
0x33: {  	p0 =	seq.s32 s10, $0x1;
	s10 =	sld [smem:$0x3FB6];
	_ =	sdelay $0x3  }
0x34: {  	[smem:$0x3FB6] =	sst s10  }
0x35: {  	s10 =	sld [smem:$0x3FB5];
	_ =	sdelay $0x3  }
0x36: {  	p1 =	seq.s32 s10, $0x1;
	s10 =	sld [smem:$0x3FB6];
	_ =	sdelay $0x3  }
0x37: {  	[smem:$0x3FB6] =	sst s10  }
0x38: {  	s10 =	sld [smem:$0x3FB7]  }
0x39: {  	_ = 	snop;
	(pc) =	sbr.ind lr, $3  }
0x3a: {  	_ = 	snop  }
0x3b: {  	_ = 	snop  }
0x3c: {  	p2 =	seq.s32 s10, $0x1;
	s10 =	sld [smem:$0x3FB6]  }
0x3d: {  	_ =	shalt  }
0x3e: {  	_ =	shalt  }
0x3f: {  	_ =	shalt  }
0x40: {  	_ =	shalt  }
0x41: {  	_ =	shalt  }
0x42: {  	_ =	shalt  }
0x43: {  	_ =	shalt  }
0x44: {  	_ =	shalt  }
0x45: {  	_ =	shalt  }
0x46: {  	_ =	shalt  }
0x47: {  	_ =	shalt  }
0x48: {  	_ =	shalt  }
0x49: {  	_ =	shalt  }
0x4a: {  	_ =	shalt  }
0x4b: {  	_ =	shalt  }
0x4c: {  	_ =	shalt  }
0x4d: {  	_ =	shalt  }
0x4e: {  	_ =	shalt  }
0x4f: {  	_ =	shalt  }
0x50: {  	_ =	shalt  }
0x51: {  	_ =	shalt  }
0x52: {  	_ =	shalt  }
0x53: {  	_ =	shalt  }
0x54: {  	_ =	shalt  }
0x55: {  	_ =	shalt  }
0x56: {  	_ =	shalt  }
0x57: {  	_ =	shalt  }
0x58: {  	_ =	shalt  }
0x59: {  	_ =	shalt  }
0x5a: {  	_ =	shalt  }
0x5b: {  	_ =	shalt  }
0x5c: {  	_ =	shalt  }
0x5d: {  	_ =	shalt  }
0x5e: {  	_ =	shalt  }
0x5f: {  	_ =	shalt  }
0x60: {  	_ =	shalt  }
0x61: {  	_ =	shalt  }
0x62: {  	_ =	shalt  }
0x63: {  	_ =	shalt  }
0x64: {  	_ =	shalt  }
0x65: {  	_ =	shalt  }
0x66: {  	_ =	shalt  }
0x67: {  	_ =	shalt  }
0x68: {  	_ =	shalt  }
0x69: {  	_ =	shalt  }
0x6a: {  	_ =	shalt  }
0x6b: {  	_ =	shalt  }
0x6c: {  	_ =	shalt  }
0x6d: {  	_ =	shalt  }
0x6e: {  	_ =	shalt  }
0x6f: {  	_ =	shalt  }
0x70: {  	_ =	shalt  }
0x71: {  	_ =	shalt  }
0x72: {  	_ =	shalt  }
0x73: {  	_ =	shalt  }
0x74: {  	_ =	shalt  }
0x75: {  	_ =	shalt  }
0x76: {  	_ =	shalt  }
0x77: {  	_ =	shalt  }
0x78: {  	_ =	shalt  }
0x79: {  	_ =	shalt  }
0x7a: {  	_ =	shalt  }
0x7b: {  	_ =	shalt  }
0x7c: {  	_ =	shalt  }
0x7d: {  	_ =	shalt  }
0x7e: {  	_ =	shalt  }
0x7f: {  	_ =	shalt  }
0x80: {  	_ =	shalt  }
0x81: {  	_ =	shalt  }
0x82: {  	_ =	shalt  }
0x83: {  	_ =	shalt  }
0x84: {  	_ =	shalt  }
0x85: {  	_ =	shalt  }
0x86: {  	_ =	shalt  }
0x87: {  	_ =	shalt  }
.Lfunc_end0:
.L_simem_size_0:
called_computation_lowered:
.L_overlay_start_0:
0x88: {  	s2 =	sld [smem:$0x3FD9]  }
0x89: {  	s3 =	sld [smem:$0x3FFE];
	_ =	sdelay $0x1  }
0x8a: {  	s1 =	srdreg.scid  }
0x8b: {  	s0 =	sand.u32 $0x1, s1  }
0x8c: {  	s17 =	sshll.u32 s0, $0xA;
	s2 =	sadd.s32 s3, s2  }
0x8d: {  	s2 =	sadd.s32 s2, s17  }
0x8e: {  	[smem:$0x3FC2] =	sst s2  }
0x8f: {  	_ = 	snop  }
0x90: {  	s2 =	sld [smem:$0x3FD0];
	(tm) =	ssettm $0x1  }
0x91: {  	s18 =	sld [smem:$0x3FFB];
	_ =	sdelay $0x3  }
0x92: {  	_ =	strace s18  }
0x93: {  	s3 =	sld [smem:$0x3FFC];
	_ =	sdelay $0x3  }
0x94: {  	_ =	strace s3  }
0x95: {  	s3 =	sld [smem:$0x3FFD];
	_ =	sdelay $0x3  }
0x96: {  	_ =	strace s3  }
0x97: {  	_ =	strace $0x8FFFFFFF  }
0x98: {  	s19 =	sld [smem:$0x3FDB];
	_ =	sdelay $0x1  }
0x99: {  	s4 =	simm.s32 $_scs_section_size  }
0x9a: {  	s5 =	simm.s32 $_size__tile_overlayer_lowered;
	s6 =	simm.s32 $_tile_overlayer_lowered  }
0x9b: {  	s22 =	simm.s32 $0x1BFF;
	s21 =	sshll.u32 s6, $0x1;
	s3 =	sadd.s32 s4, s19  }
0x9c: {  	s7 =	simm.s32 $0x0;
	s20 =	sshll.u32 s5, $0x1;
	s5 =	sadd.s32 s21, s3  }
0x9d: {  	[timem:s7], [sflag:s22] =	dma.local [hbm:s5], s20  }
0x9e: {  	_ =	swait.ge [sflag:s22], s20  }
0x9f: {  	s4 =	ssub.s32 $0x0, s20;
	[sflag:s22] =	ssyncset.done $0x0  }
0xa0: {  	[sflag:s22] =	ssyncadd.s32 s4;
	_ =	sdelay $0x1  }
0xa1: {  	s23 =	simm.s32 $0x1B8B  }
0xa2: {  	_ =	swait.ge [sflag:s23], $0x1  }
0xa3: {  	[sflag:s23] =	ssyncset.done $0x0  }
0xa4: {  	s25 =	simm.s32 $0x1B8E;
	s24 =	sld [smem:$0x3FFE];
	[sflag:s23] =	ssyncadd.s32 $0xFFFFFFFF  }
0xa5: {  	s26 =	simm.s32 $execute0_lowered;
	[smem:$0x3FD2] =	sst s25  }
0xa6: {  	s5 =	sshll.u32 s26, $0x1;
	_ =	strace $0x80000046;
	[dreg:$0x1] =	wrdreg $0xFFFFFFFF  }
0xa7: {  	s28 =	simm.s32 $_size_execute0_lowered;
	s3 =	sadd.s32 s3, s5;
	[dreg:$0x0] =	wrdreg $0x0  }
0xa8: {  	s5 =	sshll.u32 s28, $0x1;
	[dreg:$0x2] =	wrdreg s3  }
0xa9: {  	[dreg:$0x3] =	wrdreg s5  }
0xaa: {  	[dreg:$0x4] =	wrdreg $0xC0  }
0xab: {  	_ =	task [dreg:s7], $0x5FFFF  }
0xac: {  	[dreg:$0x1] =	wrdreg $0xFFFFFFFF  }
0xad: {  	[dreg:$0x0] =	wrdreg $0x60  }
0xae: {  	[dreg:$0x2] =	wrdreg s24  }
0xaf: {  	[dreg:$0x3] =	wrdreg s2  }
0xb0: {  	[dreg:$0x4] =	wrdreg $0x29000  }
0xb1: {  	[dreg:$0x5] =	wrdreg $0x9  }
0xb2: {  	_ =	task.clear_ibuf [dreg:s7], $0x6FFFF;
	_ =	strace $0x90000046  }
0xb3: {  	s29 =	simm.s32 $0x9;
	_ =	strace $0x80000048  }
0xb4: {  	_ =	swait.ge [sflag:s29], $0x1  }
0xb5: {  	[sflag:s29] =	ssyncadd.s32 $0xFFFFFFFF  }
0xb6: {  	_ =	strace $0x90000048  }
0xb7: {  	_ =	sfence  }
0xb8: {  	s30 =	sld [smem:$0x0];
	_ =	sdelay $0x2  }
0xb9: {  	s31 =	sshll.u32 s1, $0xD;
	s1 =	sshrl.u32 s1, $0x2  }
0xba: {  	s3 =	sand.u32 $0x4000, s31;
	s1 =	sadd.s32 s1, s30  }
0xbb: {  	s0 =	sor.u32 s3, s0;
	s1 =	sshll.u32 s1, $0x11  }
0xbc: {  	s0 =	sor.u32 s1, s0  }
0xbd: {  	s0 =	sadd.s32 $0x8F2B, s0  }
0xbe: {  	[sflag:s0] =	ssyncadd.remote.s32 $0x1  }
0xbf: {  	_ =	sfence.sel $0xFFFF  }
0xc0: {  	[dreg:$0x0] =	wrdreg $0xFFFFFFFF;
	(pc) =	sbr.abs _section_cstart, $3  }
0xc1: {  	[dreg:$0x1] =	wrdreg $0xFFFFFFFF  }
0xc2: {  	_ =	task.clear_ibuf [dreg:s7], $0x2FFFF;
	_ =	strace $0x9FFFFFFF  }
0xc3: {  	(tm) =	ssettm $0x7FFFFFFF  }
tec
execute0_lowered:
.L_overlay_start_1:
0x0: {  	(tag) =	ssettag $0x1  }
0x1: {  	s4 =	rddreg [dreg:$0x0]  }
0x2: {  	s10 =	rddreg [dreg:$0x1];
	s1 =	srdreg.scid  }
0x3: {  	s0 =	stileid.u32;
	s2 =	rddreg [dreg:$0x2];
	s13 =	simm.s32 $0x2880  }
0x4: {  	s14 =	simm.s32 $0x80;
	s15 =	simm.s32 $0x2800;
	s18 =	simm.s32 $0x20  }
0x5: {  	s19 =	simm.s32 $0x10;
	s20 =	simm.s32 $0x0;
	s6 =	sand.u32 $0x1, s1  }
0x6: {  	s3 =	sshll.u32 s0, $0x1;
	s1 =	rddreg [dreg:$0x3];
	s9 =	smul.u32 $0xA00, s0  }
0x7: {  	s30 =	smul.u32 $0x500, s0;
	s16 =	sshll.u32 s0, $0x6;
	s5 =	sor.u32 s6, s3  }
0x8: {  	s3 =	simm.s32 $0x0;
	s7 =	ssub.s32 $0x2, s6;
	s31 =	sshll.u32 s6, $0x7  }
0x9: {  	s16 =	sor.u32 $0x1C01, s16;
	s5 =	smul.u32 $0x2800, s5;
	[smem:$0x7FF] =	sst s3  }
0xa: {  	s8 =	sshrl.u32 s7, $0x1;
	s29 =	sshrl.u32 s9, $0x2;
	s12 =	sor.u32 s31, s30  }
0xb: {  	_ =	strace $0x80000047;
	s11 =	ssub.s32 s7, s8;
	s12 =	sshrl.u32 s12, $0x3  }
0xc: {  	s5 =	sshrl.u32 s5, $0x3;
	s10 =	sadd.s32 s10, s12;
	s11 =	smax.u32 s11, $0x1  }
0xd: {  	s12 =	simm.s32 $0x1;
	s4 =	sadd.s32 s4, s5;
	s5 =	sadd.s32 s29, s2  }
0xe: {  	s4 =	sadd.s32 $0xC600, s4;
	s6 =	sadd.s32 $0x80, s5;
	s7 =	sadd.s32 $0x100, s5  }
0xf: {  	v0 =	vimm.f32 $1.000000000e+00;
	v1 =	vimm.f32 $0.0e+00;
	s8 =	sadd.s32 $0x180, s5;
	s9 =	sadd.s32 $0x200, s5;
	s17 =	sshrl.u32 s5, $0x3  }
.LBB2_1:
0x10: {  	[tilespmem:s3], [sflag:$0x1] =	stream.linear.gather [hbm4b:s4+s3], $0x2800, $0x38;
	[tilespmem:$0x2B80] =	vst v63  }
0x11: {  	_ =	swait.ge [sflag:s12], $0x2800  }
0x12: {  	[sflag:s12] =	ssyncset.done $0x0  }
0x13: {  	[sflag:s12] =	ssyncadd.s32 $0xFFFFD800  }
0x14: {  	[tilespmem:$0x2800] =	vst v0  }
0x15: {  	[tilespmem:$0x2880] =	vst v1  }
0x16: {  	[tilespmem:$0x2810] =	vst v0  }
0x17: {  	[tilespmem:$0x2890] =	vst v1  }
0x18: {  	[tilespmem:$0x2820] =	vst v0  }
0x19: {  	[tilespmem:$0x28A0] =	vst v1  }
0x1a: {  	[tilespmem:$0x2830] =	vst v0  }
0x1b: {  	[tilespmem:$0x28B0] =	vst v1  }
0x1c: {  	[tilespmem:$0x2840] =	vst v0  }
0x1d: {  	[tilespmem:$0x28C0] =	vst v1  }
0x1e: {  	[tilespmem:$0x2850] =	vst v0  }
0x1f: {  	[tilespmem:$0x28D0] =	vst v1  }
0x20: {  	[tilespmem:$0x2860] =	vst v0  }
0x21: {  	[tilespmem:$0x28E0] =	vst v1  }
0x22: {  	[tilespmem:$0x2870] =	vst v0  }
0x23: {  	[tilespmem:$0x28F0] =	vst v1  }
0x24: {  	[spmem:s5] =	stream.linear.scatter [tilespmem:s13], [sflag:$0x1], $0x80, $0x38;
	[tilespmem:$0x2B80] =	vst v63  }
0x25: {  	_ =	swait.ge [sflag:s12], $0x80  }
0x26: {  	[sflag:s12] =	ssyncset.done $0x0  }
0x27: {  	[sflag:s12] =	ssyncadd.s32 $0xFFFFFF80  }
0x28: {  	[spmem:s6] =	stream.linear.scatter [tilespmem:s13], [sflag:$0x1], $0x80, $0x38;
	[tilespmem:$0x2B80] =	vst v63  }
0x29: {  	_ =	swait.ge [sflag:s12], $0x80  }
0x2a: {  	[sflag:s12] =	ssyncset.done $0x0  }
0x2b: {  	[sflag:s12] =	ssyncadd.s32 $0xFFFFFF80  }
0x2c: {  	[spmem:s7] =	stream.linear.scatter [tilespmem:s13], [sflag:$0x1], $0x80, $0x38;
	[tilespmem:$0x2B80] =	vst v63  }
0x2d: {  	_ =	swait.ge [sflag:s12], $0x80  }
0x2e: {  	[sflag:s12] =	ssyncset.done $0x0  }
0x2f: {  	[sflag:s12] =	ssyncadd.s32 $0xFFFFFF80  }
0x30: {  	[spmem:s8] =	stream.linear.scatter [tilespmem:s13], [sflag:$0x1], $0x80, $0x38;
	[tilespmem:$0x2B80] =	vst v63  }
0x31: {  	_ =	swait.ge [sflag:s12], $0x80  }
0x32: {  	[sflag:s12] =	ssyncset.done $0x0  }
0x33: {  	[sflag:s12] =	ssyncadd.s32 $0xFFFFFF80  }
0x34: {  	[spmem:s9] =	stream.linear.scatter [tilespmem:s13], [sflag:$0x1], $0x80, $0x38;
	[tilespmem:$0x2B80] =	vst v63  }
0x35: {  	_ =	swait.ge [sflag:s12], $0x80  }
0x36: {  	[sflag:s12] =	ssyncset.done $0x0  }
0x37: {  	[sflag:s12] =	ssyncadd.s32 $0xFFFFFF80  }
0x38: {  	s21 =	simm.s32 $0x0;
	[bflag:$0x0] =	sbarrier.arrive $0xFFFF  }
0x39: {  	[spmem:s2] =	stream.indirect.scatter.add.f32 [tilespmem:s15], [sflag:$0x1], $0x1, s21, s14, $0xb8;
	[tilespmem:$0x2B80] =	vst v63  }
0x3a: {  	_ =	swait.ge [sflag:s12], $0x80  }
0x3b: {  	s21 =	simm.s32 $0x200;
	[sflag:s12] =	ssyncset.done $0x0  }
.LBB2_2:
0x3c: {  	s22 =	sshra.s32 s21, $0x2;
	[sflag:s12] =	ssyncadd.s32 $0xFFFFFF80;
	p0 =	sne.s32 s21, $0x9E00  }
0x3d: {  	[spmem:s2] =	stream.indirect.scatter.add.f32 [tilespmem:s15], [sflag:$0x1], $0x1, s22, s14, $0xb8;
	[tilespmem:$0x2B80] =	vst v63  }
.Ltmp0:
0x3e: {  	_ = 	snop;
	(pc) =	sbr.rel @p0 .LBB2_2-.Ltmp0, $4  }
0x3f: {  	_ = 	snop  }
0x40: {  	s21 =	sadd.s32 $0x200, s21  }
0x41: {  	_ =	swait.ge [sflag:s12], $0x80  }
0x42: {  	[sflag:s12] =	ssyncset.done $0x0  }
0x43: {  	s20 =	sadd.s32 $0x1, s20  }
0x44: {  	[sflag:s12] =	ssyncadd.s32 $0xFFFFFF80;
	p0 =	sne.s32 s20, s11  }
.Ltmp1:
0x45: {  	[bflag:$0x0] =	sbarrier.arrive $0xFFFF;
	(pc) =	sbr.rel @p0 .LBB2_1-.Ltmp1, $4  }
0x46: {  	[hbm:s10@s18], [sflag:s16] =	dma.strided [spmem:s17@s19], $0x50, s12, $0x10   }
0x47: {  	_ =	swait.ge [sflag:s12], $0x50  }
0x48: {  	[sflag:s12] =	ssyncset.done $0x0  }
0x49: {  	[sflag:s12] =	ssyncadd.s32 $0xFFFFFFB0  }
0x4a: {  	_ =	sfence.sel $0x180000  }
0x4b: {  	[bflag:$0x0] =	sbarrier.arrive $0xFFFF  }
0x4c: {  	p0 =	sne.s32 s0, $0x0;
	_ =	strace $0x90000047  }
0x4d: {  	s0 =	sadd.s32 @!p0 $0x100000, s1;
	[bflag:$0x2] =	sbarrier.arrive $0xFFFF  }
0x4e: {  	[sflag:s0] =	ssyncadd.tile.s32 @!p0 $0x1;
	_ =	shalt  }
.Lfunc_end2:
_tile_overlayer_lowered:
.L_overlay_start_2:
0x4f: {  	(tag) =	ssettag $0x2  }
0x50: {  	s0 =	rddreg [dreg:$0x0];
	s2 =	stileid.u32  }
0x51: {  	s1 =	rddreg [dreg:$0x1];
	p0 =	sne.s32 s2, $0x0  }
0x52: {  	s3 =	rddreg [dreg:$0x2];
	[bflag:$0x3] =	sbarrier.arrive $0xFFFF;
	s2 =	simm.s32 @!p0 $0x1C01  }
0x53: {  	[timem:s3], [sflag:s2] =	dma.local @!p0 [hbm:s0], s1  }
0x54: {  	s0 =	simm.s32 @!p0 $0x1  }
0x55: {  	_ =	swait.ge @!p0 [sflag:s0], s1  }
0x56: {  	s1 =	ssub.s32 @!p0 $0x0, s1;
	[sflag:s0] =	ssyncset.done @!p0 $0x0  }
0x57: {  	[sflag:s0] =	ssyncadd.s32 @!p0 s1  }
0x58: {  	[bflag:$0x3] =	sbarrier.arrive $0xFFFF  }
0x59: {  	_ =	shalt  }

</sc_bundles>
